<compile_context>
chip_gen: v7x
topology: tpu7x:2x2x1
jax: 0.10.2.dev20260603
libtpu: 0.0.44.dev20260713+nightly
codegen_flags: <defaults>
</compile_context>

<pallas_src>
import functools

import jax
import jax.numpy as jnp
from jax import lax
from jax.experimental import pallas as pl
from jax.experimental.pallas import tpu as pltpu
from jax.experimental.pallas import tpu_sc as plsc

_B, _S = 4, 2048
_HIDDEN = 768
_NUM_POS = 8128
_N = _B * _S

_NC, _NS = 2, 16
_NW = _NC * _NS
_TPW = _N // _NW
_C = 4
_NCHUNK = _TPW // _C
_NSTREAM = 10
_NPLANE = 11
_LANES = 16
_NVH = _HIDDEN // _LANES


def _sc_gather_sum(idx_all, tok_flat, w_word, w_x, w_y, w_center, w_dist, w_angle,
                   w_tok, w_pos):
    mesh = plsc.VectorSubcoreMesh(core_axis_name="c", subcore_axis_name="s")

    @functools.partial(
        pl.kernel,
        out_type=jax.ShapeDtypeStruct((_N, _HIDDEN), jnp.float32),
        mesh=mesh,
        scratch_types=[
            pltpu.VMEM((_NSTREAM, _TPW), jnp.int32),
            pltpu.VMEM((_TPW * _LANES,), jnp.float32),
            pltpu.VMEM((_NPLANE, _C, _HIDDEN), jnp.float32),
            pltpu.VMEM((_NPLANE, _C, _HIDDEN), jnp.float32),
            pltpu.VMEM((_C, _HIDDEN), jnp.float32),
            pltpu.VMEM((2, _HIDDEN), jnp.float32),
            pltpu.SemaphoreType.DMA,
            pltpu.SemaphoreType.DMA,
            pltpu.SemaphoreType.DMA,
        ],
    )
    def kern(idx_hbm, tok_hbm, t_word, t_x, t_y, t_c, t_d, t_a, t_t, t_p, out_hbm,
             idx_v, tok_ids, g0, g1, ostg, tokv, semg0, semg1, semo):
        wid = lax.axis_index("s") * _NC + lax.axis_index("c")
        base = wid * _TPW
        s_base = base % _S

        pltpu.sync_copy(idx_hbm.at[:, pl.ds(base, _TPW)], idx_v)
        pltpu.sync_copy(t_t, tokv)
        pltpu.sync_copy(tok_hbm.at[pl.ds(base * _LANES, _TPW * _LANES)], tok_ids)

        tables = (t_word, t_x, t_x, t_y, t_y, t_c, t_c, t_d, t_d, t_a)

        def issue(ci, gb, semg):
            pltpu.async_copy(t_p.at[pl.ds(s_base + ci * _C, _C)],
                             gb.at[_NSTREAM], semg)
            for j in range(_NSTREAM):
                pltpu.async_copy(tables[j].at[idx_v.at[j, pl.ds(ci * _C, _C)]],
                                 gb.at[j], semg)

        def drain(gb, semg):
            for _ in range(_NPLANE):
                pltpu.make_async_copy(t_p.at[pl.ds(0, _C)], gb.at[0],
                                      semg).wait()

        def drain_out():
            pltpu.make_async_copy(t_p.at[pl.ds(0, _C)], ostg, semo).wait()

        def accumulate(ci, gb):
            for t in range(_C):
                @plsc.parallel_loop(0, _NVH, unroll=2)
                def _(j):
                    sl = pl.ds(j * _LANES, _LANES)
                    tok_sel = tok_ids[pl.ds((ci * _C + t) * _LANES,
                                            _LANES)] > 0.5
                    v = gb[0, t, sl]
                    for k in range(1, _NPLANE):
                        v = v + gb[k, t, sl]
                    r0 = tokv[0, sl]
                    r1 = tokv[1, sl]
                    v = v + jnp.where(tok_sel, r1, r0)
                    ostg[t, sl] = v

        def half(ci, gb, semg, gb_nxt, semg_nxt, first):
            @pl.when(ci + 1 < _NCHUNK)
            def _():
                issue(ci + 1, gb_nxt, semg_nxt)
            drain(gb, semg)
            if first:
                @pl.when(ci > 0)
                def _():
                    drain_out()
            else:
                drain_out()
            accumulate(ci, gb)
            pltpu.async_copy(ostg, out_hbm.at[pl.ds(base + ci * _C, _C)],
                             semo)

        issue(0, g0, semg0)

        def pair(cp, _):
            ci = cp * 2
            half(ci, g0, semg0, g1, semg1, True)
            half(ci + 1, g1, semg1, g0, semg0, False)
            return 0

        lax.fori_loop(0, _NCHUNK // 2, pair, 0)
        drain_out()

    return kern(idx_all, tok_flat, w_word, w_x, w_y, w_center, w_dist, w_angle,
                w_tok, w_pos)


def kernel(input_ids, bbox, token_type_ids, W_word, W_pos, W_x, W_y,
           W_center, W_dist, W_angle, W_tok):
    bbox = bbox.astype(jnp.int32)
    b0, b1, b2, b3 = bbox[..., 0], bbox[..., 1], bbox[..., 2], bbox[..., 3]
    cx = jnp.clip((b0 + b2) // 2, 0, _NUM_POS - 1)
    cy = jnp.clip((b1 + b3) // 2, 0, _NUM_POS - 1)
    w = jnp.clip(jnp.abs(b2 - b0), 0, _NUM_POS - 1)
    h = jnp.clip(jnp.abs(b3 - b1), 0, _NUM_POS - 1)
    ang = jnp.arctan2(h.astype(jnp.float32) + 1e-6, w.astype(jnp.float32) + 1e-6)
    ang_idx = jnp.clip((ang / (jnp.pi / 2.0) * (_NUM_POS - 1)).astype(jnp.int32),
                       0, _NUM_POS - 1)
    idx_all = jnp.stack([
        input_ids.reshape(-1).astype(jnp.int32),
        b0.reshape(-1), b2.reshape(-1),
        b1.reshape(-1), b3.reshape(-1),
        cx.reshape(-1), cy.reshape(-1),
        w.reshape(-1), h.reshape(-1),
        ang_idx.reshape(-1),
    ])
    tok_flat = jnp.repeat(token_type_ids.reshape(-1).astype(jnp.float32), _LANES)
    out = _sc_gather_sum(idx_all, tok_flat, W_word, W_x, W_y, W_center,
                         W_dist, W_angle, W_tok, W_pos)
    return out.reshape(_B, _S, _HIDDEN)

# --- scband reference (transcript-rebuilt; emitter-appended) ---
"""Pipeline reference for scband-spade-embeddings-17506286698810 (READ-ONLY COPY).

The authoritative reference and input builder live on the scoring server;
editing this copy changes nothing except your own understanding.
"""

import jax, jax.numpy as jnp
import numpy as np

B, S = 4, 2048
VOCAB = 50000
HIDDEN = 768
MAX_POS = 2048
TYPE_VOCAB = 2
NUM_POS = 8128  # distance_unit*(distance_unit-1)//2 = 128*127//2


def setup_inputs(seed: int = 0):
    key = jax.random.key(seed)
    ks = jax.random.split(key, 12)
    inp = {}
    inp["input_ids"] = jax.random.randint(ks[0], (B, S), 0, VOCAB)
    inp["bbox"] = jax.random.randint(ks[1], (B, S, 4), 0, NUM_POS)
    inp["token_type_ids"] = jax.random.randint(ks[2], (B, S), 0, TYPE_VOCAB)
    inp["W_word"] = jax.random.normal(ks[3], (VOCAB, HIDDEN), dtype=jnp.float32) * 0.02
    inp["W_pos"] = jax.random.normal(ks[4], (MAX_POS, HIDDEN), dtype=jnp.float32) * 0.02
    inp["W_x"] = jax.random.normal(ks[5], (NUM_POS, HIDDEN), dtype=jnp.float32) * 0.02
    inp["W_y"] = jax.random.normal(ks[6], (NUM_POS, HIDDEN), dtype=jnp.float32) * 0.02
    inp["W_center"] = jax.random.normal(ks[7], (NUM_POS, HIDDEN), dtype=jnp.float32) * 0.02
    inp["W_dist"] = jax.random.normal(ks[8], (NUM_POS, HIDDEN), dtype=jnp.float32) * 0.02
    inp["W_angle"] = jax.random.normal(ks[9], (NUM_POS, HIDDEN), dtype=jnp.float32) * 0.02
    inp["W_tok"] = jax.random.normal(ks[10], (TYPE_VOCAB, HIDDEN), dtype=jnp.float32) * 0.02
    return inp


def reference(input_ids, bbox, token_type_ids, W_word, W_pos, W_x, W_y, W_center, W_dist, W_angle, W_tok):
    position_ids = jnp.arange(S, dtype=jnp.int32)[None, :]
    words = jnp.take(W_word, input_ids, axis=0)
    pos = jnp.take(W_pos, position_ids, axis=0)
    left = jnp.take(W_x, bbox[..., 0], axis=0)
    upper = jnp.take(W_y, bbox[..., 1], axis=0)
    right = jnp.take(W_x, bbox[..., 2], axis=0)
    lower = jnp.take(W_y, bbox[..., 3], axis=0)
    cx = jnp.clip((bbox[..., 0] + bbox[..., 2]) // 2, 0, NUM_POS - 1)
    cy = jnp.clip((bbox[..., 1] + bbox[..., 3]) // 2, 0, NUM_POS - 1)
    center = jnp.take(W_center, cx, axis=0) + jnp.take(W_center, cy, axis=0)
    w = jnp.clip(jnp.abs(bbox[..., 2] - bbox[..., 0]), 0, NUM_POS - 1)
    h = jnp.clip(jnp.abs(bbox[..., 3] - bbox[..., 1]), 0, NUM_POS - 1)
    dist = jnp.take(W_dist, w, axis=0) + jnp.take(W_dist, h, axis=0)
    ang = jnp.arctan2(h.astype(jnp.float32) + 1e-6, w.astype(jnp.float32) + 1e-6)
    ang_idx = jnp.clip((ang / (jnp.pi / 2.0) * (NUM_POS - 1)).astype(jnp.int32), 0, NUM_POS - 1)
    angle = jnp.take(W_angle, ang_idx, axis=0)
    tok = jnp.take(W_tok, token_type_ids, axis=0)
    return words + pos + left + upper + right + lower + center + dist + angle + tok

if __name__ == "__main__":
    import jax
    _d = setup_inputs()
    print(jax.jit(kernel)(*tuple(_d.values())))

</pallas_src>

<mosaic_0001>
#map = affine_map<(d0, d1) -> (0, 0)>
#map1 = affine_map<(d0, d1) -> (0)>
module attributes {stable_mosaic.version = 14 : i64} {
  func.func @kern(%arg0: i32, %arg1: i32, %arg2: memref<10x8192xi32, #tpu.memory_space<hbm>>, %arg3: memref<131072xf32, #tpu.memory_space<hbm>>, %arg4: memref<50000x768xf32, #tpu.memory_space<hbm>>, %arg5: memref<8128x768xf32, #tpu.memory_space<hbm>>, %arg6: memref<8128x768xf32, #tpu.memory_space<hbm>>, %arg7: memref<8128x768xf32, #tpu.memory_space<hbm>>, %arg8: memref<8128x768xf32, #tpu.memory_space<hbm>>, %arg9: memref<8128x768xf32, #tpu.memory_space<hbm>>, %arg10: memref<2x768xf32, #tpu.memory_space<hbm>>, %arg11: memref<2048x768xf32, #tpu.memory_space<hbm>>, %arg12: memref<8192x768xf32, #tpu.memory_space<hbm>>, %arg13: memref<10x256xi32, #tpu.memory_space<vmem>>, %arg14: memref<4096xf32, #tpu.memory_space<vmem>>, %arg15: memref<11x4x768xf32, #tpu.memory_space<vmem>>, %arg16: memref<11x4x768xf32, #tpu.memory_space<vmem>>, %arg17: memref<4x768xf32, #tpu.memory_space<vmem>>, %arg18: memref<2x768xf32, #tpu.memory_space<vmem>>, %arg19: memref<!tpu.dma_semaphore, #tpu.memory_space<semaphore_mem>>, %arg20: memref<!tpu.dma_semaphore, #tpu.memory_space<semaphore_mem>>, %arg21: memref<!tpu.dma_semaphore, #tpu.memory_space<semaphore_mem>>) attributes {dimension_semantics = [#tpu.dimension_semantics<core_parallel>, #tpu.dimension_semantics<subcore_parallel>], iteration_bounds = array<i64: 2, 16>, scalar_prefetch = 0 : i64, scratch_operands = 9 : i64, tpu.core_type = #tpu.core_type<sc_vector_subcore>, window_params = [{transform_indices = #map}, {transform_indices = #map1}, {transform_indices = #map}, {transform_indices = #map}, {transform_indices = #map}, {transform_indices = #map}, {transform_indices = #map}, {transform_indices = #map}, {transform_indices = #map}, {transform_indices = #map}, {transform_indices = #map}]} {
    %mul3A = arith.constant 2 : i32
    %mul3A_0 = arith.muli %arg1, %mul3A : i32
    %add3A = arith.addi %mul3A_0, %arg0 : i32
    %mul3A_1 = arith.constant 256 : i32
    %mul3A_2 = arith.muli %add3A, %mul3A_1 : i32
    %jit3A = arith.constant 2048 : i32
    %eq3A = arith.constant 0 : i32
    %eq3A_3 = arith.cmpi eq, %jit3A, %eq3A : i32
    %jit3A_4 = arith.constant 1 : i32
    %select_n3A = arith.select %eq3A_3, %jit3A_4, %jit3A : i32
    %rem3A = arith.remsi %mul3A_2, %select_n3A : i32
    %ne3A = arith.constant 0 : i32
    %ne3A_5 = arith.cmpi ne, %rem3A, %ne3A : i32
    %lt3A = arith.constant 0 : i32
    %lt3A_6 = arith.cmpi slt, %rem3A, %lt3A : i32
    %lt3A_7 = arith.constant 0 : i32
    %lt3A_8 = arith.cmpi slt, %select_n3A, %lt3A_7 : i32
    %ne3A_9 = arith.xori %lt3A_6, %lt3A_8 : i1
    %and3A = arith.andi %ne3A_9, %ne3A_5 : i1
    %add3A_10 = arith.addi %rem3A, %select_n3A : i32
    %select_n3A_11 = arith.select %and3A, %add3A_10, %rem3A : i32
    "tpu.region"() ({
      %run_scoped3A = tpu.sem_alloc : memref<!tpu.dma_semaphore, #tpu.memory_space<semaphore_mem>>
      %dma_start3A_159 = arith.constant 0 : i32
      %dma_start3A_160 = tpu.memref_slice %arg2[%dma_start3A_159, %mul3A_2] : memref<10x8192xi32, #tpu.memory_space<hbm>> -> memref<10x256xi32, #tpu.memory_space<hbm>>
      %dma_start3A_161 = arith.constant 0 : i32
      %dma_start3A_162 = tpu.memref_slice %arg2[%dma_start3A_161, %mul3A_2] : memref<10x8192xi32, #tpu.memory_space<hbm>> -> memref<10x256xi32, #tpu.memory_space<hbm>>
      tpu.enqueue_dma source(%dma_start3A_162 : memref<10x256xi32, #tpu.memory_space<hbm>>) target(%arg13 : memref<10x256xi32, #tpu.memory_space<vmem>>) target_semaphore(%run_scoped3A : memref<!tpu.dma_semaphore, #tpu.memory_space<semaphore_mem>>)
      %dma_wait3A_163 = arith.constant 0 : i32
      %dma_wait3A_164 = tpu.memref_slice %arg2[%dma_wait3A_163, %mul3A_2] : memref<10x8192xi32, #tpu.memory_space<hbm>> -> memref<10x256xi32, #tpu.memory_space<hbm>>
      %dma_wait3A_165 = arith.constant 0 : i32
      %dma_wait3A_166 = tpu.memref_slice %arg2[%dma_wait3A_165, %mul3A_2] : memref<10x8192xi32, #tpu.memory_space<hbm>> -> memref<10x256xi32, #tpu.memory_space<hbm>>
      tpu.wait_dma2 semaphore(%run_scoped3A : memref<!tpu.dma_semaphore, #tpu.memory_space<semaphore_mem>>) src(%dma_wait3A_166 : memref<10x256xi32, #tpu.memory_space<hbm>>) dst(%arg13 : memref<10x256xi32, #tpu.memory_space<vmem>>)
      tpu.yield
    }) : () -> ()
    "tpu.region"() ({
      %run_scoped3A = tpu.sem_alloc : memref<!tpu.dma_semaphore, #tpu.memory_space<semaphore_mem>>
      tpu.enqueue_dma source(%arg10 : memref<2x768xf32, #tpu.memory_space<hbm>>) target(%arg18 : memref<2x768xf32, #tpu.memory_space<vmem>>) target_semaphore(%run_scoped3A : memref<!tpu.dma_semaphore, #tpu.memory_space<semaphore_mem>>)
      tpu.wait_dma2 semaphore(%run_scoped3A : memref<!tpu.dma_semaphore, #tpu.memory_space<semaphore_mem>>) src(%arg10 : memref<2x768xf32, #tpu.memory_space<hbm>>) dst(%arg18 : memref<2x768xf32, #tpu.memory_space<vmem>>)
      tpu.yield
    }) : () -> ()
    %mul3A_12 = arith.constant 16 : i32
    %mul3A_13 = arith.muli %mul3A_2, %mul3A_12 : i32
    "tpu.region"() ({
      %run_scoped3A = tpu.sem_alloc : memref<!tpu.dma_semaphore, #tpu.memory_space<semaphore_mem>>
      %dma_start3A_159 = tpu.memref_slice %arg3[%mul3A_13] : memref<131072xf32, #tpu.memory_space<hbm>> -> memref<4096xf32, #tpu.memory_space<hbm>>
      %dma_start3A_160 = tpu.memref_slice %arg3[%mul3A_13] : memref<131072xf32, #tpu.memory_space<hbm>> -> memref<4096xf32, #tpu.memory_space<hbm>>
      tpu.enqueue_dma source(%dma_start3A_160 : memref<4096xf32, #tpu.memory_space<hbm>>) target(%arg14 : memref<4096xf32, #tpu.memory_space<vmem>>) target_semaphore(%run_scoped3A : memref<!tpu.dma_semaphore, #tpu.memory_space<semaphore_mem>>)
      %dma_wait3A_161 = tpu.memref_slice %arg3[%mul3A_13] : memref<131072xf32, #tpu.memory_space<hbm>> -> memref<4096xf32, #tpu.memory_space<hbm>>
      %dma_wait3A_162 = tpu.memref_slice %arg3[%mul3A_13] : memref<131072xf32, #tpu.memory_space<hbm>> -> memref<4096xf32, #tpu.memory_space<hbm>>
      tpu.wait_dma2 semaphore(%run_scoped3A : memref<!tpu.dma_semaphore, #tpu.memory_space<semaphore_mem>>) src(%dma_wait3A_162 : memref<4096xf32, #tpu.memory_space<hbm>>) dst(%arg14 : memref<4096xf32, #tpu.memory_space<vmem>>)
      tpu.yield
    }) : () -> ()
    %add3A_14 = arith.constant 0 : i32
    %add3A_15 = arith.addi %select_n3A_11, %add3A_14 : i32
    %dma_start3A = arith.constant 10 : i32
    %dma_start3A_16 = arith.constant 0 : i32
    %dma_start3A_17 = arith.constant 0 : i32
    %dma_start3A_18 = tpu.memref_slice %arg15[%dma_start3A, %dma_start3A_16, %dma_start3A_17] : memref<11x4x768xf32, #tpu.memory_space<vmem>> -> memref<1x4x768xf32, #tpu.memory_space<vmem>>
    %dma_start3A_19 = tpu.memref_squeeze %dma_start3A_18 : memref<1x4x768xf32, #tpu.memory_space<vmem>> -> memref<4x768xf32, #tpu.memory_space<vmem>>
    %dma_start3A_20 = arith.constant 0 : i32
    %dma_start3A_21 = tpu.memref_slice %arg11[%add3A_15, %dma_start3A_20] : memref<2048x768xf32, #tpu.memory_space<hbm>> -> memref<4x768xf32, #tpu.memory_space<hbm>>
    %dma_start3A_22 = arith.constant 0 : i32
    %dma_start3A_23 = arith.constant 0 : i32
    %dma_start3A_24 = tpu.memref_slice %arg15[%dma_start3A, %dma_start3A_22, %dma_start3A_23] : memref<11x4x768xf32, #tpu.memory_space<vmem>> -> memref<1x4x768xf32, #tpu.memory_space<vmem>>
    %dma_start3A_25 = tpu.memref_squeeze %dma_start3A_24 : memref<1x4x768xf32, #tpu.memory_space<vmem>> -> memref<4x768xf32, #tpu.memory_space<vmem>>
    %dma_start3A_26 = arith.constant 0 : i32
    %dma_start3A_27 = tpu.memref_slice %arg11[%add3A_15, %dma_start3A_26] : memref<2048x768xf32, #tpu.memory_space<hbm>> -> memref<4x768xf32, #tpu.memory_space<hbm>>
    tpu.enqueue_dma source(%dma_start3A_27 : memref<4x768xf32, #tpu.memory_space<hbm>>) target(%dma_start3A_25 : memref<4x768xf32, #tpu.memory_space<vmem>>) target_semaphore(%arg19 : memref<!tpu.dma_semaphore, #tpu.memory_space<semaphore_mem>>)
    %dma_start3A_28 = arith.constant 0 : i32
    %dma_start3A_29 = arith.constant 0 : i32
    %dma_start3A_30 = arith.constant 0 : i32
    %dma_start3A_31 = arith.constant 0 : i32
    %dma_start3A_32 = tpu.memref_slice %arg15[%dma_start3A_29, %dma_start3A_30, %dma_start3A_31] : memref<11x4x768xf32, #tpu.memory_space<vmem>> -> memref<1x4x768xf32, #tpu.memory_space<vmem>>
    %dma_start3A_33 = tpu.memref_squeeze %dma_start3A_32 : memref<1x4x768xf32, #tpu.memory_space<vmem>> -> memref<4x768xf32, #tpu.memory_space<vmem>>
    %dma_start3A_34 = arith.constant 0 : i32
    %dma_start3A_35 = tpu.memref_slice %arg13[%dma_start3A_28, %dma_start3A_34] : memref<10x256xi32, #tpu.memory_space<vmem>> -> memref<1x4xi32, #tpu.memory_space<vmem>>
    %dma_start3A_36 = tpu.memref_squeeze %dma_start3A_35 : memref<1x4xi32, #tpu.memory_space<vmem>> -> memref<4xi32, #tpu.memory_space<vmem>>
    %dma_start3A_37 = arith.constant 0 : i32
    %dma_start3A_38 = arith.constant 0 : i32
    %dma_start3A_39 = tpu.memref_slice %arg4[%dma_start3A_37, %dma_start3A_38] : memref<50000x768xf32, #tpu.memory_space<hbm>> -> memref<50000x768xf32, #tpu.memory_space<hbm>>
    tpu.enqueue_indirect_dma source(%dma_start3A_39 : memref<50000x768xf32, #tpu.memory_space<hbm>>) target(%dma_start3A_33 : memref<4x768xf32, #tpu.memory_space<vmem>>) offsets(%dma_start3A_36 : memref<4xi32, #tpu.memory_space<vmem>>) semaphore(%arg19 : memref<!tpu.dma_semaphore, #tpu.memory_space<semaphore_mem>>)
    %dma_start3A_40 = arith.constant 1 : i32
    %dma_start3A_41 = arith.constant 1 : i32
    %dma_start3A_42 = arith.constant 0 : i32
    %dma_start3A_43 = arith.constant 0 : i32
    %dma_start3A_44 = tpu.memref_slice %arg15[%dma_start3A_41, %dma_start3A_42, %dma_start3A_43] : memref<11x4x768xf32, #tpu.memory_space<vmem>> -> memref<1x4x768xf32, #tpu.memory_space<vmem>>
    %dma_start3A_45 = tpu.memref_squeeze %dma_start3A_44 : memref<1x4x768xf32, #tpu.memory_space<vmem>> -> memref<4x768xf32, #tpu.memory_space<vmem>>
    %dma_start3A_46 = arith.constant 0 : i32
    %dma_start3A_47 = tpu.memref_slice %arg13[%dma_start3A_40, %dma_start3A_46] : memref<10x256xi32, #tpu.memory_space<vmem>> -> memref<1x4xi32, #tpu.memory_space<vmem>>
    %dma_start3A_48 = tpu.memref_squeeze %dma_start3A_47 : memref<1x4xi32, #tpu.memory_space<vmem>> -> memref<4xi32, #tpu.memory_space<vmem>>
    %dma_start3A_49 = arith.constant 0 : i32
    %dma_start3A_50 = arith.constant 0 : i32
    %dma_start3A_51 = tpu.memref_slice %arg5[%dma_start3A_49, %dma_start3A_50] : memref<8128x768xf32, #tpu.memory_space<hbm>> -> memref<8128x768xf32, #tpu.memory_space<hbm>>
    tpu.enqueue_indirect_dma source(%dma_start3A_51 : memref<8128x768xf32, #tpu.memory_space<hbm>>) target(%dma_start3A_45 : memref<4x768xf32, #tpu.memory_space<vmem>>) offsets(%dma_start3A_48 : memref<4xi32, #tpu.memory_space<vmem>>) semaphore(%arg19 : memref<!tpu.dma_semaphore, #tpu.memory_space<semaphore_mem>>)
    %dma_start3A_52 = arith.constant 2 : i32
    %dma_start3A_53 = arith.constant 2 : i32
    %dma_start3A_54 = arith.constant 0 : i32
    %dma_start3A_55 = arith.constant 0 : i32
    %dma_start3A_56 = tpu.memref_slice %arg15[%dma_start3A_53, %dma_start3A_54, %dma_start3A_55] : memref<11x4x768xf32, #tpu.memory_space<vmem>> -> memref<1x4x768xf32, #tpu.memory_space<vmem>>
    %dma_start3A_57 = tpu.memref_squeeze %dma_start3A_56 : memref<1x4x768xf32, #tpu.memory_space<vmem>> -> memref<4x768xf32, #tpu.memory_space<vmem>>
    %dma_start3A_58 = arith.constant 0 : i32
    %dma_start3A_59 = tpu.memref_slice %arg13[%dma_start3A_52, %dma_start3A_58] : memref<10x256xi32, #tpu.memory_space<vmem>> -> memref<1x4xi32, #tpu.memory_space<vmem>>
    %dma_start3A_60 = tpu.memref_squeeze %dma_start3A_59 : memref<1x4xi32, #tpu.memory_space<vmem>> -> memref<4xi32, #tpu.memory_space<vmem>>
    %dma_start3A_61 = arith.constant 0 : i32
    %dma_start3A_62 = arith.constant 0 : i32
    %dma_start3A_63 = tpu.memref_slice %arg5[%dma_start3A_61, %dma_start3A_62] : memref<8128x768xf32, #tpu.memory_space<hbm>> -> memref<8128x768xf32, #tpu.memory_space<hbm>>
    tpu.enqueue_indirect_dma source(%dma_start3A_63 : memref<8128x768xf32, #tpu.memory_space<hbm>>) target(%dma_start3A_57 : memref<4x768xf32, #tpu.memory_space<vmem>>) offsets(%dma_start3A_60 : memref<4xi32, #tpu.memory_space<vmem>>) semaphore(%arg19 : memref<!tpu.dma_semaphore, #tpu.memory_space<semaphore_mem>>)
    %dma_start3A_64 = arith.constant 3 : i32
    %dma_start3A_65 = arith.constant 3 : i32
    %dma_start3A_66 = arith.constant 0 : i32
    %dma_start3A_67 = arith.constant 0 : i32
    %dma_start3A_68 = tpu.memref_slice %arg15[%dma_start3A_65, %dma_start3A_66, %dma_start3A_67] : memref<11x4x768xf32, #tpu.memory_space<vmem>> -> memref<1x4x768xf32, #tpu.memory_space<vmem>>
    %dma_start3A_69 = tpu.memref_squeeze %dma_start3A_68 : memref<1x4x768xf32, #tpu.memory_space<vmem>> -> memref<4x768xf32, #tpu.memory_space<vmem>>
    %dma_start3A_70 = arith.constant 0 : i32
    %dma_start3A_71 = tpu.memref_slice %arg13[%dma_start3A_64, %dma_start3A_70] : memref<10x256xi32, #tpu.memory_space<vmem>> -> memref<1x4xi32, #tpu.memory_space<vmem>>
    %dma_start3A_72 = tpu.memref_squeeze %dma_start3A_71 : memref<1x4xi32, #tpu.memory_space<vmem>> -> memref<4xi32, #tpu.memory_space<vmem>>
    %dma_start3A_73 = arith.constant 0 : i32
    %dma_start3A_74 = arith.constant 0 : i32
    %dma_start3A_75 = tpu.memref_slice %arg6[%dma_start3A_73, %dma_start3A_74] : memref<8128x768xf32, #tpu.memory_space<hbm>> -> memref<8128x768xf32, #tpu.memory_space<hbm>>
    tpu.enqueue_indirect_dma source(%dma_start3A_75 : memref<8128x768xf32, #tpu.memory_space<hbm>>) target(%dma_start3A_69 : memref<4x768xf32, #tpu.memory_space<vmem>>) offsets(%dma_start3A_72 : memref<4xi32, #tpu.memory_space<vmem>>) semaphore(%arg19 : memref<!tpu.dma_semaphore, #tpu.memory_space<semaphore_mem>>)
    %dma_start3A_76 = arith.constant 4 : i32
    %dma_start3A_77 = arith.constant 4 : i32
    %dma_start3A_78 = arith.constant 0 : i32
    %dma_start3A_79 = arith.constant 0 : i32
    %dma_start3A_80 = tpu.memref_slice %arg15[%dma_start3A_77, %dma_start3A_78, %dma_start3A_79] : memref<11x4x768xf32, #tpu.memory_space<vmem>> -> memref<1x4x768xf32, #tpu.memory_space<vmem>>
    %dma_start3A_81 = tpu.memref_squeeze %dma_start3A_80 : memref<1x4x768xf32, #tpu.memory_space<vmem>> -> memref<4x768xf32, #tpu.memory_space<vmem>>
    %dma_start3A_82 = arith.constant 0 : i32
    %dma_start3A_83 = tpu.memref_slice %arg13[%dma_start3A_76, %dma_start3A_82] : memref<10x256xi32, #tpu.memory_space<vmem>> -> memref<1x4xi32, #tpu.memory_space<vmem>>
    %dma_start3A_84 = tpu.memref_squeeze %dma_start3A_83 : memref<1x4xi32, #tpu.memory_space<vmem>> -> memref<4xi32, #tpu.memory_space<vmem>>
    %dma_start3A_85 = arith.constant 0 : i32
    %dma_start3A_86 = arith.constant 0 : i32
    %dma_start3A_87 = tpu.memref_slice %arg6[%dma_start3A_85, %dma_start3A_86] : memref<8128x768xf32, #tpu.memory_space<hbm>> -> memref<8128x768xf32, #tpu.memory_space<hbm>>
    tpu.enqueue_indirect_dma source(%dma_start3A_87 : memref<8128x768xf32, #tpu.memory_space<hbm>>) target(%dma_start3A_81 : memref<4x768xf32, #tpu.memory_space<vmem>>) offsets(%dma_start3A_84 : memref<4xi32, #tpu.memory_space<vmem>>) semaphore(%arg19 : memref<!tpu.dma_semaphore, #tpu.memory_space<semaphore_mem>>)
    %dma_start3A_88 = arith.constant 5 : i32
    %dma_start3A_89 = arith.constant 5 : i32
    %dma_start3A_90 = arith.constant 0 : i32
    %dma_start3A_91 = arith.constant 0 : i32
    %dma_start3A_92 = tpu.memref_slice %arg15[%dma_start3A_89, %dma_start3A_90, %dma_start3A_91] : memref<11x4x768xf32, #tpu.memory_space<vmem>> -> memref<1x4x768xf32, #tpu.memory_space<vmem>>
    %dma_start3A_93 = tpu.memref_squeeze %dma_start3A_92 : memref<1x4x768xf32, #tpu.memory_space<vmem>> -> memref<4x768xf32, #tpu.memory_space<vmem>>
    %dma_start3A_94 = arith.constant 0 : i32
    %dma_start3A_95 = tpu.memref_slice %arg13[%dma_start3A_88, %dma_start3A_94] : memref<10x256xi32, #tpu.memory_space<vmem>> -> memref<1x4xi32, #tpu.memory_space<vmem>>
    %dma_start3A_96 = tpu.memref_squeeze %dma_start3A_95 : memref<1x4xi32, #tpu.memory_space<vmem>> -> memref<4xi32, #tpu.memory_space<vmem>>
    %dma_start3A_97 = arith.constant 0 : i32
    %dma_start3A_98 = arith.constant 0 : i32
    %dma_start3A_99 = tpu.memref_slice %arg7[%dma_start3A_97, %dma_start3A_98] : memref<8128x768xf32, #tpu.memory_space<hbm>> -> memref<8128x768xf32, #tpu.memory_space<hbm>>
    tpu.enqueue_indirect_dma source(%dma_start3A_99 : memref<8128x768xf32, #tpu.memory_space<hbm>>) target(%dma_start3A_93 : memref<4x768xf32, #tpu.memory_space<vmem>>) offsets(%dma_start3A_96 : memref<4xi32, #tpu.memory_space<vmem>>) semaphore(%arg19 : memref<!tpu.dma_semaphore, #tpu.memory_space<semaphore_mem>>)
    %dma_start3A_100 = arith.constant 6 : i32
    %dma_start3A_101 = arith.constant 6 : i32
    %dma_start3A_102 = arith.constant 0 : i32
    %dma_start3A_103 = arith.constant 0 : i32
    %dma_start3A_104 = tpu.memref_slice %arg15[%dma_start3A_101, %dma_start3A_102, %dma_start3A_103] : memref<11x4x768xf32, #tpu.memory_space<vmem>> -> memref<1x4x768xf32, #tpu.memory_space<vmem>>
    %dma_start3A_105 = tpu.memref_squeeze %dma_start3A_104 : memref<1x4x768xf32, #tpu.memory_space<vmem>> -> memref<4x768xf32, #tpu.memory_space<vmem>>
    %dma_start3A_106 = arith.constant 0 : i32
    %dma_start3A_107 = tpu.memref_slice %arg13[%dma_start3A_100, %dma_start3A_106] : memref<10x256xi32, #tpu.memory_space<vmem>> -> memref<1x4xi32, #tpu.memory_space<vmem>>
    %dma_start3A_108 = tpu.memref_squeeze %dma_start3A_107 : memref<1x4xi32, #tpu.memory_space<vmem>> -> memref<4xi32, #tpu.memory_space<vmem>>
    %dma_start3A_109 = arith.constant 0 : i32
    %dma_start3A_110 = arith.constant 0 : i32
    %dma_start3A_111 = tpu.memref_slice %arg7[%dma_start3A_109, %dma_start3A_110] : memref<8128x768xf32, #tpu.memory_space<hbm>> -> memref<8128x768xf32, #tpu.memory_space<hbm>>
    tpu.enqueue_indirect_dma source(%dma_start3A_111 : memref<8128x768xf32, #tpu.memory_space<hbm>>) target(%dma_start3A_105 : memref<4x768xf32, #tpu.memory_space<vmem>>) offsets(%dma_start3A_108 : memref<4xi32, #tpu.memory_space<vmem>>) semaphore(%arg19 : memref<!tpu.dma_semaphore, #tpu.memory_space<semaphore_mem>>)
    %dma_start3A_112 = arith.constant 7 : i32
    %dma_start3A_113 = arith.constant 7 : i32
    %dma_start3A_114 = arith.constant 0 : i32
    %dma_start3A_115 = arith.constant 0 : i32
    %dma_start3A_116 = tpu.memref_slice %arg15[%dma_start3A_113, %dma_start3A_114, %dma_start3A_115] : memref<11x4x768xf32, #tpu.memory_space<vmem>> -> memref<1x4x768xf32, #tpu.memory_space<vmem>>
    %dma_start3A_117 = tpu.memref_squeeze %dma_start3A_116 : memref<1x4x768xf32, #tpu.memory_space<vmem>> -> memref<4x768xf32, #tpu.memory_space<vmem>>
    %dma_start3A_118 = arith.constant 0 : i32
    %dma_start3A_119 = tpu.memref_slice %arg13[%dma_start3A_112, %dma_start3A_118] : memref<10x256xi32, #tpu.memory_space<vmem>> -> memref<1x4xi32, #tpu.memory_space<vmem>>
    %dma_start3A_120 = tpu.memref_squeeze %dma_start3A_119 : memref<1x4xi32, #tpu.memory_space<vmem>> -> memref<4xi32, #tpu.memory_space<vmem>>
    %dma_start3A_121 = arith.constant 0 : i32
    %dma_start3A_122 = arith.constant 0 : i32
    %dma_start3A_123 = tpu.memref_slice %arg8[%dma_start3A_121, %dma_start3A_122] : memref<8128x768xf32, #tpu.memory_space<hbm>> -> memref<8128x768xf32, #tpu.memory_space<hbm>>
    tpu.enqueue_indirect_dma source(%dma_start3A_123 : memref<8128x768xf32, #tpu.memory_space<hbm>>) target(%dma_start3A_117 : memref<4x768xf32, #tpu.memory_space<vmem>>) offsets(%dma_start3A_120 : memref<4xi32, #tpu.memory_space<vmem>>) semaphore(%arg19 : memref<!tpu.dma_semaphore, #tpu.memory_space<semaphore_mem>>)
    %dma_start3A_124 = arith.constant 8 : i32
    %dma_start3A_125 = arith.constant 8 : i32
    %dma_start3A_126 = arith.constant 0 : i32
    %dma_start3A_127 = arith.constant 0 : i32
    %dma_start3A_128 = tpu.memref_slice %arg15[%dma_start3A_125, %dma_start3A_126, %dma_start3A_127] : memref<11x4x768xf32, #tpu.memory_space<vmem>> -> memref<1x4x768xf32, #tpu.memory_space<vmem>>
    %dma_start3A_129 = tpu.memref_squeeze %dma_start3A_128 : memref<1x4x768xf32, #tpu.memory_space<vmem>> -> memref<4x768xf32, #tpu.memory_space<vmem>>
    %dma_start3A_130 = arith.constant 0 : i32
    %dma_start3A_131 = tpu.memref_slice %arg13[%dma_start3A_124, %dma_start3A_130] : memref<10x256xi32, #tpu.memory_space<vmem>> -> memref<1x4xi32, #tpu.memory_space<vmem>>
    %dma_start3A_132 = tpu.memref_squeeze %dma_start3A_131 : memref<1x4xi32, #tpu.memory_space<vmem>> -> memref<4xi32, #tpu.memory_space<vmem>>
    %dma_start3A_133 = arith.constant 0 : i32
    %dma_start3A_134 = arith.constant 0 : i32
    %dma_start3A_135 = tpu.memref_slice %arg8[%dma_start3A_133, %dma_start3A_134] : memref<8128x768xf32, #tpu.memory_space<hbm>> -> memref<8128x768xf32, #tpu.memory_space<hbm>>
    tpu.enqueue_indirect_dma source(%dma_start3A_135 : memref<8128x768xf32, #tpu.memory_space<hbm>>) target(%dma_start3A_129 : memref<4x768xf32, #tpu.memory_space<vmem>>) offsets(%dma_start3A_132 : memref<4xi32, #tpu.memory_space<vmem>>) semaphore(%arg19 : memref<!tpu.dma_semaphore, #tpu.memory_space<semaphore_mem>>)
    %dma_start3A_136 = arith.constant 9 : i32
    %dma_start3A_137 = arith.constant 9 : i32
    %dma_start3A_138 = arith.constant 0 : i32
    %dma_start3A_139 = arith.constant 0 : i32
    %dma_start3A_140 = tpu.memref_slice %arg15[%dma_start3A_137, %dma_start3A_138, %dma_start3A_139] : memref<11x4x768xf32, #tpu.memory_space<vmem>> -> memref<1x4x768xf32, #tpu.memory_space<vmem>>
    %dma_start3A_141 = tpu.memref_squeeze %dma_start3A_140 : memref<1x4x768xf32, #tpu.memory_space<vmem>> -> memref<4x768xf32, #tpu.memory_space<vmem>>
    %dma_start3A_142 = arith.constant 0 : i32
    %dma_start3A_143 = tpu.memref_slice %arg13[%dma_start3A_136, %dma_start3A_142] : memref<10x256xi32, #tpu.memory_space<vmem>> -> memref<1x4xi32, #tpu.memory_space<vmem>>
    %dma_start3A_144 = tpu.memref_squeeze %dma_start3A_143 : memref<1x4xi32, #tpu.memory_space<vmem>> -> memref<4xi32, #tpu.memory_space<vmem>>
    %dma_start3A_145 = arith.constant 0 : i32
    %dma_start3A_146 = arith.constant 0 : i32
    %dma_start3A_147 = tpu.memref_slice %arg9[%dma_start3A_145, %dma_start3A_146] : memref<8128x768xf32, #tpu.memory_space<hbm>> -> memref<8128x768xf32, #tpu.memory_space<hbm>>
    tpu.enqueue_indirect_dma source(%dma_start3A_147 : memref<8128x768xf32, #tpu.memory_space<hbm>>) target(%dma_start3A_141 : memref<4x768xf32, #tpu.memory_space<vmem>>) offsets(%dma_start3A_144 : memref<4xi32, #tpu.memory_space<vmem>>) semaphore(%arg19 : memref<!tpu.dma_semaphore, #tpu.memory_space<semaphore_mem>>)
    %scan3A = arith.constant 0 : i32
    %scan3A_148 = arith.constant 0 : i32
    %scan3A_149 = arith.constant 32 : i32
    %scan3A_150 = arith.addi %scan3A_148, %scan3A_149 : i32
    %scan3A_151 = arith.constant 1 : i32
    %scan3A_152 = scf.for %scan3A_159 = %scan3A_148 to %scan3A_150 step %scan3A_151 iter_args(%scan3A_160 = %scan3A) -> (i32)  : i32 {
      %mul3A_161 = arith.constant 2 : i32
      %mul3A_162 = arith.muli %scan3A_159, %mul3A_161 : i32
      %add3A_163 = arith.constant 1 : i32
      %add3A_164 = arith.addi %mul3A_162, %add3A_163 : i32
      %lt3A_165 = arith.constant 64 : i32
      %lt3A_166 = arith.cmpi slt, %add3A_164, %lt3A_165 : i32
      %convert_element_type3A = arith.extui %lt3A_166 : i1 to i32
      %cond3A = arith.constant 0 : i32
      %cond3A_167 = arith.cmpi ne, %convert_element_type3A, %cond3A : i32
      scf.if %cond3A_167 {
        %add3A_555 = arith.constant 1 : i32
        %add3A_556 = arith.addi %mul3A_162, %add3A_555 : i32
        %mul3A_557 = arith.constant 4 : i32
        %mul3A_558 = arith.muli %add3A_556, %mul3A_557 : i32
        %add3A_559 = arith.addi %select_n3A_11, %mul3A_558 : i32
        %dma_start3A_560 = arith.constant 10 : i32
        %dma_start3A_561 = arith.constant 0 : i32
        %dma_start3A_562 = arith.constant 0 : i32
        %dma_start3A_563 = tpu.memref_slice %arg16[%dma_start3A_560, %dma_start3A_561, %dma_start3A_562] : memref<11x4x768xf32, #tpu.memory_space<vmem>> -> memref<1x4x768xf32, #tpu.memory_space<vmem>>
        %dma_start3A_564 = tpu.memref_squeeze %dma_start3A_563 : memref<1x4x768xf32, #tpu.memory_space<vmem>> -> memref<4x768xf32, #tpu.memory_space<vmem>>
        %dma_start3A_565 = arith.constant 0 : i32
        %dma_start3A_566 = tpu.memref_slice %arg11[%add3A_559, %dma_start3A_565] : memref<2048x768xf32, #tpu.memory_space<hbm>> -> memref<4x768xf32, #tpu.memory_space<hbm>>
        %dma_start3A_567 = arith.constant 0 : i32
        %dma_start3A_568 = arith.constant 0 : i32
        %dma_start3A_569 = tpu.memref_slice %arg16[%dma_start3A_560, %dma_start3A_567, %dma_start3A_568] : memref<11x4x768xf32, #tpu.memory_space<vmem>> -> memref<1x4x768xf32, #tpu.memory_space<vmem>>
        %dma_start3A_570 = tpu.memref_squeeze %dma_start3A_569 : memref<1x4x768xf32, #tpu.memory_space<vmem>> -> memref<4x768xf32, #tpu.memory_space<vmem>>
        %dma_start3A_571 = arith.constant 0 : i32
        %dma_start3A_572 = tpu.memref_slice %arg11[%add3A_559, %dma_start3A_571] : memref<2048x768xf32, #tpu.memory_space<hbm>> -> memref<4x768xf32, #tpu.memory_space<hbm>>
        tpu.enqueue_dma source(%dma_start3A_572 : memref<4x768xf32, #tpu.memory_space<hbm>>) target(%dma_start3A_570 : memref<4x768xf32, #tpu.memory_space<vmem>>) target_semaphore(%arg20 : memref<!tpu.dma_semaphore, #tpu.memory_space<semaphore_mem>>)
        %mul3A_573 = arith.constant 4 : i32
        %mul3A_574 = arith.muli %add3A_556, %mul3A_573 : i32
        %dma_start3A_575 = arith.constant 0 : i32
        %dma_start3A_576 = arith.constant 0 : i32
        %dma_start3A_577 = arith.constant 0 : i32
        %dma_start3A_578 = arith.constant 0 : i32
        %dma_start3A_579 = tpu.memref_slice %arg16[%dma_start3A_576, %dma_start3A_577, %dma_start3A_578] : memref<11x4x768xf32, #tpu.memory_space<vmem>> -> memref<1x4x768xf32, #tpu.memory_space<vmem>>
        %dma_start3A_580 = tpu.memref_squeeze %dma_start3A_579 : memref<1x4x768xf32, #tpu.memory_space<vmem>> -> memref<4x768xf32, #tpu.memory_space<vmem>>
        %dma_start3A_581 = tpu.memref_slice %arg13[%dma_start3A_575, %mul3A_574] : memref<10x256xi32, #tpu.memory_space<vmem>> -> memref<1x4xi32, #tpu.memory_space<vmem>>
        %dma_start3A_582 = tpu.memref_squeeze %dma_start3A_581 : memref<1x4xi32, #tpu.memory_space<vmem>> -> memref<4xi32, #tpu.memory_space<vmem>>
        %dma_start3A_583 = arith.constant 0 : i32
        %dma_start3A_584 = arith.constant 0 : i32
        %dma_start3A_585 = tpu.memref_slice %arg4[%dma_start3A_583, %dma_start3A_584] : memref<50000x768xf32, #tpu.memory_space<hbm>> -> memref<50000x768xf32, #tpu.memory_space<hbm>>
        tpu.enqueue_indirect_dma source(%dma_start3A_585 : memref<50000x768xf32, #tpu.memory_space<hbm>>) target(%dma_start3A_580 : memref<4x768xf32, #tpu.memory_space<vmem>>) offsets(%dma_start3A_582 : memref<4xi32, #tpu.memory_space<vmem>>) semaphore(%arg20 : memref<!tpu.dma_semaphore, #tpu.memory_space<semaphore_mem>>)
        %mul3A_586 = arith.constant 4 : i32
        %mul3A_587 = arith.muli %add3A_556, %mul3A_586 : i32
        %dma_start3A_588 = arith.constant 1 : i32
        %dma_start3A_589 = arith.constant 1 : i32
        %dma_start3A_590 = arith.constant 0 : i32
        %dma_start3A_591 = arith.constant 0 : i32
        %dma_start3A_592 = tpu.memref_slice %arg16[%dma_start3A_589, %dma_start3A_590, %dma_start3A_591] : memref<11x4x768xf32, #tpu.memory_space<vmem>> -> memref<1x4x768xf32, #tpu.memory_space<vmem>>
        %dma_start3A_593 = tpu.memref_squeeze %dma_start3A_592 : memref<1x4x768xf32, #tpu.memory_space<vmem>> -> memref<4x768xf32, #tpu.memory_space<vmem>>
        %dma_start3A_594 = tpu.memref_slice %arg13[%dma_start3A_588, %mul3A_587] : memref<10x256xi32, #tpu.memory_space<vmem>> -> memref<1x4xi32, #tpu.memory_space<vmem>>
        %dma_start3A_595 = tpu.memref_squeeze %dma_start3A_594 : memref<1x4xi32, #tpu.memory_space<vmem>> -> memref<4xi32, #tpu.memory_space<vmem>>
        %dma_start3A_596 = arith.constant 0 : i32
        %dma_start3A_597 = arith.constant 0 : i32
        %dma_start3A_598 = tpu.memref_slice %arg5[%dma_start3A_596, %dma_start3A_597] : memref<8128x768xf32, #tpu.memory_space<hbm>> -> memref<8128x768xf32, #tpu.memory_space<hbm>>
        tpu.enqueue_indirect_dma source(%dma_start3A_598 : memref<8128x768xf32, #tpu.memory_space<hbm>>) target(%dma_start3A_593 : memref<4x768xf32, #tpu.memory_space<vmem>>) offsets(%dma_start3A_595 : memref<4xi32, #tpu.memory_space<vmem>>) semaphore(%arg20 : memref<!tpu.dma_semaphore, #tpu.memory_space<semaphore_mem>>)
        %mul3A_599 = arith.constant 4 : i32
        %mul3A_600 = arith.muli %add3A_556, %mul3A_599 : i32
        %dma_start3A_601 = arith.constant 2 : i32
        %dma_start3A_602 = arith.constant 2 : i32
        %dma_start3A_603 = arith.constant 0 : i32
        %dma_start3A_604 = arith.constant 0 : i32
        %dma_start3A_605 = tpu.memref_slice %arg16[%dma_start3A_602, %dma_start3A_603, %dma_start3A_604] : memref<11x4x768xf32, #tpu.memory_space<vmem>> -> memref<1x4x768xf32, #tpu.memory_space<vmem>>
        %dma_start3A_606 = tpu.memref_squeeze %dma_start3A_605 : memref<1x4x768xf32, #tpu.memory_space<vmem>> -> memref<4x768xf32, #tpu.memory_space<vmem>>
        %dma_start3A_607 = tpu.memref_slice %arg13[%dma_start3A_601, %mul3A_600] : memref<10x256xi32, #tpu.memory_space<vmem>> -> memref<1x4xi32, #tpu.memory_space<vmem>>
        %dma_start3A_608 = tpu.memref_squeeze %dma_start3A_607 : memref<1x4xi32, #tpu.memory_space<vmem>> -> memref<4xi32, #tpu.memory_space<vmem>>
        %dma_start3A_609 = arith.constant 0 : i32
        %dma_start3A_610 = arith.constant 0 : i32
        %dma_start3A_611 = tpu.memref_slice %arg5[%dma_start3A_609, %dma_start3A_610] : memref<8128x768xf32, #tpu.memory_space<hbm>> -> memref<8128x768xf32, #tpu.memory_space<hbm>>
        tpu.enqueue_indirect_dma source(%dma_start3A_611 : memref<8128x768xf32, #tpu.memory_space<hbm>>) target(%dma_start3A_606 : memref<4x768xf32, #tpu.memory_space<vmem>>) offsets(%dma_start3A_608 : memref<4xi32, #tpu.memory_space<vmem>>) semaphore(%arg20 : memref<!tpu.dma_semaphore, #tpu.memory_space<semaphore_mem>>)
        %mul3A_612 = arith.constant 4 : i32
        %mul3A_613 = arith.muli %add3A_556, %mul3A_612 : i32
        %dma_start3A_614 = arith.constant 3 : i32
        %dma_start3A_615 = arith.constant 3 : i32
        %dma_start3A_616 = arith.constant 0 : i32
        %dma_start3A_617 = arith.constant 0 : i32
        %dma_start3A_618 = tpu.memref_slice %arg16[%dma_start3A_615, %dma_start3A_616, %dma_start3A_617] : memref<11x4x768xf32, #tpu.memory_space<vmem>> -> memref<1x4x768xf32, #tpu.memory_space<vmem>>
        %dma_start3A_619 = tpu.memref_squeeze %dma_start3A_618 : memref<1x4x768xf32, #tpu.memory_space<vmem>> -> memref<4x768xf32, #tpu.memory_space<vmem>>
        %dma_start3A_620 = tpu.memref_slice %arg13[%dma_start3A_614, %mul3A_613] : memref<10x256xi32, #tpu.memory_space<vmem>> -> memref<1x4xi32, #tpu.memory_space<vmem>>
        %dma_start3A_621 = tpu.memref_squeeze %dma_start3A_620 : memref<1x4xi32, #tpu.memory_space<vmem>> -> memref<4xi32, #tpu.memory_space<vmem>>
        %dma_start3A_622 = arith.constant 0 : i32
        %dma_start3A_623 = arith.constant 0 : i32
        %dma_start3A_624 = tpu.memref_slice %arg6[%dma_start3A_622, %dma_start3A_623] : memref<8128x768xf32, #tpu.memory_space<hbm>> -> memref<8128x768xf32, #tpu.memory_space<hbm>>
        tpu.enqueue_indirect_dma source(%dma_start3A_624 : memref<8128x768xf32, #tpu.memory_space<hbm>>) target(%dma_start3A_619 : memref<4x768xf32, #tpu.memory_space<vmem>>) offsets(%dma_start3A_621 : memref<4xi32, #tpu.memory_space<vmem>>) semaphore(%arg20 : memref<!tpu.dma_semaphore, #tpu.memory_space<semaphore_mem>>)
        %mul3A_625 = arith.constant 4 : i32
        %mul3A_626 = arith.muli %add3A_556, %mul3A_625 : i32
        %dma_start3A_627 = arith.constant 4 : i32
        %dma_start3A_628 = arith.constant 4 : i32
        %dma_start3A_629 = arith.constant 0 : i32
        %dma_start3A_630 = arith.constant 0 : i32
        %dma_start3A_631 = tpu.memref_slice %arg16[%dma_start3A_628, %dma_start3A_629, %dma_start3A_630] : memref<11x4x768xf32, #tpu.memory_space<vmem>> -> memref<1x4x768xf32, #tpu.memory_space<vmem>>
        %dma_start3A_632 = tpu.memref_squeeze %dma_start3A_631 : memref<1x4x768xf32, #tpu.memory_space<vmem>> -> memref<4x768xf32, #tpu.memory_space<vmem>>
        %dma_start3A_633 = tpu.memref_slice %arg13[%dma_start3A_627, %mul3A_626] : memref<10x256xi32, #tpu.memory_space<vmem>> -> memref<1x4xi32, #tpu.memory_space<vmem>>
        %dma_start3A_634 = tpu.memref_squeeze %dma_start3A_633 : memref<1x4xi32, #tpu.memory_space<vmem>> -> memref<4xi32, #tpu.memory_space<vmem>>
        %dma_start3A_635 = arith.constant 0 : i32
        %dma_start3A_636 = arith.constant 0 : i32
        %dma_start3A_637 = tpu.memref_slice %arg6[%dma_start3A_635, %dma_start3A_636] : memref<8128x768xf32, #tpu.memory_space<hbm>> -> memref<8128x768xf32, #tpu.memory_space<hbm>>
        tpu.enqueue_indirect_dma source(%dma_start3A_637 : memref<8128x768xf32, #tpu.memory_space<hbm>>) target(%dma_start3A_632 : memref<4x768xf32, #tpu.memory_space<vmem>>) offsets(%dma_start3A_634 : memref<4xi32, #tpu.memory_space<vmem>>) semaphore(%arg20 : memref<!tpu.dma_semaphore, #tpu.memory_space<semaphore_mem>>)
        %mul3A_638 = arith.constant 4 : i32
        %mul3A_639 = arith.muli %add3A_556, %mul3A_638 : i32
        %dma_start3A_640 = arith.constant 5 : i32
        %dma_start3A_641 = arith.constant 5 : i32
        %dma_start3A_642 = arith.constant 0 : i32
        %dma_start3A_643 = arith.constant 0 : i32
        %dma_start3A_644 = tpu.memref_slice %arg16[%dma_start3A_641, %dma_start3A_642, %dma_start3A_643] : memref<11x4x768xf32, #tpu.memory_space<vmem>> -> memref<1x4x768xf32, #tpu.memory_space<vmem>>
        %dma_start3A_645 = tpu.memref_squeeze %dma_start3A_644 : memref<1x4x768xf32, #tpu.memory_space<vmem>> -> memref<4x768xf32, #tpu.memory_space<vmem>>
        %dma_start3A_646 = tpu.memref_slice %arg13[%dma_start3A_640, %mul3A_639] : memref<10x256xi32, #tpu.memory_space<vmem>> -> memref<1x4xi32, #tpu.memory_space<vmem>>
        %dma_start3A_647 = tpu.memref_squeeze %dma_start3A_646 : memref<1x4xi32, #tpu.memory_space<vmem>> -> memref<4xi32, #tpu.memory_space<vmem>>
        %dma_start3A_648 = arith.constant 0 : i32
        %dma_start3A_649 = arith.constant 0 : i32
        %dma_start3A_650 = tpu.memref_slice %arg7[%dma_start3A_648, %dma_start3A_649] : memref<8128x768xf32, #tpu.memory_space<hbm>> -> memref<8128x768xf32, #tpu.memory_space<hbm>>
        tpu.enqueue_indirect_dma source(%dma_start3A_650 : memref<8128x768xf32, #tpu.memory_space<hbm>>) target(%dma_start3A_645 : memref<4x768xf32, #tpu.memory_space<vmem>>) offsets(%dma_start3A_647 : memref<4xi32, #tpu.memory_space<vmem>>) semaphore(%arg20 : memref<!tpu.dma_semaphore, #tpu.memory_space<semaphore_mem>>)
        %mul3A_651 = arith.constant 4 : i32
        %mul3A_652 = arith.muli %add3A_556, %mul3A_651 : i32
        %dma_start3A_653 = arith.constant 6 : i32
        %dma_start3A_654 = arith.constant 6 : i32
        %dma_start3A_655 = arith.constant 0 : i32
        %dma_start3A_656 = arith.constant 0 : i32
        %dma_start3A_657 = tpu.memref_slice %arg16[%dma_start3A_654, %dma_start3A_655, %dma_start3A_656] : memref<11x4x768xf32, #tpu.memory_space<vmem>> -> memref<1x4x768xf32, #tpu.memory_space<vmem>>
        %dma_start3A_658 = tpu.memref_squeeze %dma_start3A_657 : memref<1x4x768xf32, #tpu.memory_space<vmem>> -> memref<4x768xf32, #tpu.memory_space<vmem>>
        %dma_start3A_659 = tpu.memref_slice %arg13[%dma_start3A_653, %mul3A_652] : memref<10x256xi32, #tpu.memory_space<vmem>> -> memref<1x4xi32, #tpu.memory_space<vmem>>
        %dma_start3A_660 = tpu.memref_squeeze %dma_start3A_659 : memref<1x4xi32, #tpu.memory_space<vmem>> -> memref<4xi32, #tpu.memory_space<vmem>>
        %dma_start3A_661 = arith.constant 0 : i32
        %dma_start3A_662 = arith.constant 0 : i32
        %dma_start3A_663 = tpu.memref_slice %arg7[%dma_start3A_661, %dma_start3A_662] : memref<8128x768xf32, #tpu.memory_space<hbm>> -> memref<8128x768xf32, #tpu.memory_space<hbm>>
        tpu.enqueue_indirect_dma source(%dma_start3A_663 : memref<8128x768xf32, #tpu.memory_space<hbm>>) target(%dma_start3A_658 : memref<4x768xf32, #tpu.memory_space<vmem>>) offsets(%dma_start3A_660 : memref<4xi32, #tpu.memory_space<vmem>>) semaphore(%arg20 : memref<!tpu.dma_semaphore, #tpu.memory_space<semaphore_mem>>)
        %mul3A_664 = arith.constant 4 : i32
        %mul3A_665 = arith.muli %add3A_556, %mul3A_664 : i32
        %dma_start3A_666 = arith.constant 7 : i32
        %dma_start3A_667 = arith.constant 7 : i32
        %dma_start3A_668 = arith.constant 0 : i32
        %dma_start3A_669 = arith.constant 0 : i32
        %dma_start3A_670 = tpu.memref_slice %arg16[%dma_start3A_667, %dma_start3A_668, %dma_start3A_669] : memref<11x4x768xf32, #tpu.memory_space<vmem>> -> memref<1x4x768xf32, #tpu.memory_space<vmem>>
        %dma_start3A_671 = tpu.memref_squeeze %dma_start3A_670 : memref<1x4x768xf32, #tpu.memory_space<vmem>> -> memref<4x768xf32, #tpu.memory_space<vmem>>
        %dma_start3A_672 = tpu.memref_slice %arg13[%dma_start3A_666, %mul3A_665] : memref<10x256xi32, #tpu.memory_space<vmem>> -> memref<1x4xi32, #tpu.memory_space<vmem>>
        %dma_start3A_673 = tpu.memref_squeeze %dma_start3A_672 : memref<1x4xi32, #tpu.memory_space<vmem>> -> memref<4xi32, #tpu.memory_space<vmem>>
        %dma_start3A_674 = arith.constant 0 : i32
        %dma_start3A_675 = arith.constant 0 : i32
        %dma_start3A_676 = tpu.memref_slice %arg8[%dma_start3A_674, %dma_start3A_675] : memref<8128x768xf32, #tpu.memory_space<hbm>> -> memref<8128x768xf32, #tpu.memory_space<hbm>>
        tpu.enqueue_indirect_dma source(%dma_start3A_676 : memref<8128x768xf32, #tpu.memory_space<hbm>>) target(%dma_start3A_671 : memref<4x768xf32, #tpu.memory_space<vmem>>) offsets(%dma_start3A_673 : memref<4xi32, #tpu.memory_space<vmem>>) semaphore(%arg20 : memref<!tpu.dma_semaphore, #tpu.memory_space<semaphore_mem>>)
        %mul3A_677 = arith.constant 4 : i32
        %mul3A_678 = arith.muli %add3A_556, %mul3A_677 : i32
        %dma_start3A_679 = arith.constant 8 : i32
        %dma_start3A_680 = arith.constant 8 : i32
        %dma_start3A_681 = arith.constant 0 : i32
        %dma_start3A_682 = arith.constant 0 : i32
        %dma_start3A_683 = tpu.memref_slice %arg16[%dma_start3A_680, %dma_start3A_681, %dma_start3A_682] : memref<11x4x768xf32, #tpu.memory_space<vmem>> -> memref<1x4x768xf32, #tpu.memory_space<vmem>>
        %dma_start3A_684 = tpu.memref_squeeze %dma_start3A_683 : memref<1x4x768xf32, #tpu.memory_space<vmem>> -> memref<4x768xf32, #tpu.memory_space<vmem>>
        %dma_start3A_685 = tpu.memref_slice %arg13[%dma_start3A_679, %mul3A_678] : memref<10x256xi32, #tpu.memory_space<vmem>> -> memref<1x4xi32, #tpu.memory_space<vmem>>
        %dma_start3A_686 = tpu.memref_squeeze %dma_start3A_685 : memref<1x4xi32, #tpu.memory_space<vmem>> -> memref<4xi32, #tpu.memory_space<vmem>>
        %dma_start3A_687 = arith.constant 0 : i32
        %dma_start3A_688 = arith.constant 0 : i32
        %dma_start3A_689 = tpu.memref_slice %arg8[%dma_start3A_687, %dma_start3A_688] : memref<8128x768xf32, #tpu.memory_space<hbm>> -> memref<8128x768xf32, #tpu.memory_space<hbm>>
        tpu.enqueue_indirect_dma source(%dma_start3A_689 : memref<8128x768xf32, #tpu.memory_space<hbm>>) target(%dma_start3A_684 : memref<4x768xf32, #tpu.memory_space<vmem>>) offsets(%dma_start3A_686 : memref<4xi32, #tpu.memory_space<vmem>>) semaphore(%arg20 : memref<!tpu.dma_semaphore, #tpu.memory_space<semaphore_mem>>)
        %mul3A_690 = arith.constant 4 : i32
        %mul3A_691 = arith.muli %add3A_556, %mul3A_690 : i32
        %dma_start3A_692 = arith.constant 9 : i32
        %dma_start3A_693 = arith.constant 9 : i32
        %dma_start3A_694 = arith.constant 0 : i32
        %dma_start3A_695 = arith.constant 0 : i32
        %dma_start3A_696 = tpu.memref_slice %arg16[%dma_start3A_693, %dma_start3A_694, %dma_start3A_695] : memref<11x4x768xf32, #tpu.memory_space<vmem>> -> memref<1x4x768xf32, #tpu.memory_space<vmem>>
        %dma_start3A_697 = tpu.memref_squeeze %dma_start3A_696 : memref<1x4x768xf32, #tpu.memory_space<vmem>> -> memref<4x768xf32, #tpu.memory_space<vmem>>
        %dma_start3A_698 = tpu.memref_slice %arg13[%dma_start3A_692, %mul3A_691] : memref<10x256xi32, #tpu.memory_space<vmem>> -> memref<1x4xi32, #tpu.memory_space<vmem>>
        %dma_start3A_699 = tpu.memref_squeeze %dma_start3A_698 : memref<1x4xi32, #tpu.memory_space<vmem>> -> memref<4xi32, #tpu.memory_space<vmem>>
        %dma_start3A_700 = arith.constant 0 : i32
        %dma_start3A_701 = arith.constant 0 : i32
        %dma_start3A_702 = tpu.memref_slice %arg9[%dma_start3A_700, %dma_start3A_701] : memref<8128x768xf32, #tpu.memory_space<hbm>> -> memref<8128x768xf32, #tpu.memory_space<hbm>>
        tpu.enqueue_indirect_dma source(%dma_start3A_702 : memref<8128x768xf32, #tpu.memory_space<hbm>>) target(%dma_start3A_697 : memref<4x768xf32, #tpu.memory_space<vmem>>) offsets(%dma_start3A_699 : memref<4xi32, #tpu.memory_space<vmem>>) semaphore(%arg20 : memref<!tpu.dma_semaphore, #tpu.memory_space<semaphore_mem>>)
      } else {
      }
      %dma_wait3A_168 = arith.constant 0 : i32
      %dma_wait3A_169 = arith.constant 0 : i32
      %dma_wait3A_170 = arith.constant 0 : i32
      %dma_wait3A_171 = tpu.memref_slice %arg15[%dma_wait3A_168, %dma_wait3A_169, %dma_wait3A_170] : memref<11x4x768xf32, #tpu.memory_space<vmem>> -> memref<1x4x768xf32, #tpu.memory_space<vmem>>
      %dma_wait3A_172 = tpu.memref_squeeze %dma_wait3A_171 : memref<1x4x768xf32, #tpu.memory_space<vmem>> -> memref<4x768xf32, #tpu.memory_space<vmem>>
      %dma_wait3A_173 = arith.constant 0 : i32
      %dma_wait3A_174 = arith.constant 0 : i32
      %dma_wait3A_175 = tpu.memref_slice %arg11[%dma_wait3A_173, %dma_wait3A_174] : memref<2048x768xf32, #tpu.memory_space<hbm>> -> memref<4x768xf32, #tpu.memory_space<hbm>>
      %dma_wait3A_176 = arith.constant 0 : i32
      %dma_wait3A_177 = arith.constant 0 : i32
      %dma_wait3A_178 = tpu.memref_slice %arg15[%dma_wait3A_168, %dma_wait3A_176, %dma_wait3A_177] : memref<11x4x768xf32, #tpu.memory_space<vmem>> -> memref<1x4x768xf32, #tpu.memory_space<vmem>>
      %dma_wait3A_179 = tpu.memref_squeeze %dma_wait3A_178 : memref<1x4x768xf32, #tpu.memory_space<vmem>> -> memref<4x768xf32, #tpu.memory_space<vmem>>
      %dma_wait3A_180 = arith.constant 0 : i32
      %dma_wait3A_181 = arith.constant 0 : i32
      %dma_wait3A_182 = tpu.memref_slice %arg11[%dma_wait3A_180, %dma_wait3A_181] : memref<2048x768xf32, #tpu.memory_space<hbm>> -> memref<4x768xf32, #tpu.memory_space<hbm>>
      tpu.wait_dma2 semaphore(%arg19 : memref<!tpu.dma_semaphore, #tpu.memory_space<semaphore_mem>>) src(%dma_wait3A_182 : memref<4x768xf32, #tpu.memory_space<hbm>>) dst(%dma_wait3A_179 : memref<4x768xf32, #tpu.memory_space<vmem>>)
      %dma_wait3A_183 = arith.constant 0 : i32
      %dma_wait3A_184 = arith.constant 0 : i32
      %dma_wait3A_185 = arith.constant 0 : i32
      %dma_wait3A_186 = tpu.memref_slice %arg15[%dma_wait3A_183, %dma_wait3A_184, %dma_wait3A_185] : memref<11x4x768xf32, #tpu.memory_space<vmem>> -> memref<1x4x768xf32, #tpu.memory_space<vmem>>
      %dma_wait3A_187 = tpu.memref_squeeze %dma_wait3A_186 : memref<1x4x768xf32, #tpu.memory_space<vmem>> -> memref<4x768xf32, #tpu.memory_space<vmem>>
      %dma_wait3A_188 = arith.constant 0 : i32
      %dma_wait3A_189 = arith.constant 0 : i32
      %dma_wait3A_190 = tpu.memref_slice %arg11[%dma_wait3A_188, %dma_wait3A_189] : memref<2048x768xf32, #tpu.memory_space<hbm>> -> memref<4x768xf32, #tpu.memory_space<hbm>>
      %dma_wait3A_191 = arith.constant 0 : i32
      %dma_wait3A_192 = arith.constant 0 : i32
      %dma_wait3A_193 = tpu.memref_slice %arg15[%dma_wait3A_183, %dma_wait3A_191, %dma_wait3A_192] : memref<11x4x768xf32, #tpu.memory_space<vmem>> -> memref<1x4x768xf32, #tpu.memory_space<vmem>>
      %dma_wait3A_194 = tpu.memref_squeeze %dma_wait3A_193 : memref<1x4x768xf32, #tpu.memory_space<vmem>> -> memref<4x768xf32, #tpu.memory_space<vmem>>
      %dma_wait3A_195 = arith.constant 0 : i32
      %dma_wait3A_196 = arith.constant 0 : i32
      %dma_wait3A_197 = tpu.memref_slice %arg11[%dma_wait3A_195, %dma_wait3A_196] : memref<2048x768xf32, #tpu.memory_space<hbm>> -> memref<4x768xf32, #tpu.memory_space<hbm>>
      tpu.wait_dma2 semaphore(%arg19 : memref<!tpu.dma_semaphore, #tpu.memory_space<semaphore_mem>>) src(%dma_wait3A_197 : memref<4x768xf32, #tpu.memory_space<hbm>>) dst(%dma_wait3A_194 : memref<4x768xf32, #tpu.memory_space<vmem>>)
      %dma_wait3A_198 = arith.constant 0 : i32
      %dma_wait3A_199 = arith.constant 0 : i32
      %dma_wait3A_200 = arith.constant 0 : i32
      %dma_wait3A_201 = tpu.memref_slice %arg15[%dma_wait3A_198, %dma_wait3A_199, %dma_wait3A_200] : memref<11x4x768xf32, #tpu.memory_space<vmem>> -> memref<1x4x768xf32, #tpu.memory_space<vmem>>
      %dma_wait3A_202 = tpu.memref_squeeze %dma_wait3A_201 : memref<1x4x768xf32, #tpu.memory_space<vmem>> -> memref<4x768xf32, #tpu.memory_space<vmem>>
      %dma_wait3A_203 = arith.constant 0 : i32
      %dma_wait3A_204 = arith.constant 0 : i32
      %dma_wait3A_205 = tpu.memref_slice %arg11[%dma_wait3A_203, %dma_wait3A_204] : memref<2048x768xf32, #tpu.memory_space<hbm>> -> memref<4x768xf32, #tpu.memory_space<hbm>>
      %dma_wait3A_206 = arith.constant 0 : i32
      %dma_wait3A_207 = arith.constant 0 : i32
      %dma_wait3A_208 = tpu.memref_slice %arg15[%dma_wait3A_198, %dma_wait3A_206, %dma_wait3A_207] : memref<11x4x768xf32, #tpu.memory_space<vmem>> -> memref<1x4x768xf32, #tpu.memory_space<vmem>>
      %dma_wait3A_209 = tpu.memref_squeeze %dma_wait3A_208 : memref<1x4x768xf32, #tpu.memory_space<vmem>> -> memref<4x768xf32, #tpu.memory_space<vmem>>
      %dma_wait3A_210 = arith.constant 0 : i32
      %dma_wait3A_211 = arith.constant 0 : i32
      %dma_wait3A_212 = tpu.memref_slice %arg11[%dma_wait3A_210, %dma_wait3A_211] : memref<2048x768xf32, #tpu.memory_space<hbm>> -> memref<4x768xf32, #tpu.memory_space<hbm>>
      tpu.wait_dma2 semaphore(%arg19 : memref<!tpu.dma_semaphore, #tpu.memory_space<semaphore_mem>>) src(%dma_wait3A_212 : memref<4x768xf32, #tpu.memory_space<hbm>>) dst(%dma_wait3A_209 : memref<4x768xf32, #tpu.memory_space<vmem>>)
      %dma_wait3A_213 = arith.constant 0 : i32
      %dma_wait3A_214 = arith.constant 0 : i32
      %dma_wait3A_215 = arith.constant 0 : i32
      %dma_wait3A_216 = tpu.memref_slice %arg15[%dma_wait3A_213, %dma_wait3A_214, %dma_wait3A_215] : memref<11x4x768xf32, #tpu.memory_space<vmem>> -> memref<1x4x768xf32, #tpu.memory_space<vmem>>
      %dma_wait3A_217 = tpu.memref_squeeze %dma_wait3A_216 : memref<1x4x768xf32, #tpu.memory_space<vmem>> -> memref<4x768xf32, #tpu.memory_space<vmem>>
      %dma_wait3A_218 = arith.constant 0 : i32
      %dma_wait3A_219 = arith.constant 0 : i32
      %dma_wait3A_220 = tpu.memref_slice %arg11[%dma_wait3A_218, %dma_wait3A_219] : memref<2048x768xf32, #tpu.memory_space<hbm>> -> memref<4x768xf32, #tpu.memory_space<hbm>>
      %dma_wait3A_221 = arith.constant 0 : i32
      %dma_wait3A_222 = arith.constant 0 : i32
      %dma_wait3A_223 = tpu.memref_slice %arg15[%dma_wait3A_213, %dma_wait3A_221, %dma_wait3A_222] : memref<11x4x768xf32, #tpu.memory_space<vmem>> -> memref<1x4x768xf32, #tpu.memory_space<vmem>>
      %dma_wait3A_224 = tpu.memref_squeeze %dma_wait3A_223 : memref<1x4x768xf32, #tpu.memory_space<vmem>> -> memref<4x768xf32, #tpu.memory_space<vmem>>
      %dma_wait3A_225 = arith.constant 0 : i32
      %dma_wait3A_226 = arith.constant 0 : i32
      %dma_wait3A_227 = tpu.memref_slice %arg11[%dma_wait3A_225, %dma_wait3A_226] : memref<2048x768xf32, #tpu.memory_space<hbm>> -> memref<4x768xf32, #tpu.memory_space<hbm>>
      tpu.wait_dma2 semaphore(%arg19 : memref<!tpu.dma_semaphore, #tpu.memory_space<semaphore_mem>>) src(%dma_wait3A_227 : memref<4x768xf32, #tpu.memory_space<hbm>>) dst(%dma_wait3A_224 : memref<4x768xf32, #tpu.memory_space<vmem>>)
      %dma_wait3A_228 = arith.constant 0 : i32
      %dma_wait3A_229 = arith.constant 0 : i32
      %dma_wait3A_230 = arith.constant 0 : i32
      %dma_wait3A_231 = tpu.memref_slice %arg15[%dma_wait3A_228, %dma_wait3A_229, %dma_wait3A_230] : memref<11x4x768xf32, #tpu.memory_space<vmem>> -> memref<1x4x768xf32, #tpu.memory_space<vmem>>
      %dma_wait3A_232 = tpu.memref_squeeze %dma_wait3A_231 : memref<1x4x768xf32, #tpu.memory_space<vmem>> -> memref<4x768xf32, #tpu.memory_space<vmem>>
      %dma_wait3A_233 = arith.constant 0 : i32
      %dma_wait3A_234 = arith.constant 0 : i32
      %dma_wait3A_235 = tpu.memref_slice %arg11[%dma_wait3A_233, %dma_wait3A_234] : memref<2048x768xf32, #tpu.memory_space<hbm>> -> memref<4x768xf32, #tpu.memory_space<hbm>>
      %dma_wait3A_236 = arith.constant 0 : i32
      %dma_wait3A_237 = arith.constant 0 : i32
      %dma_wait3A_238 = tpu.memref_slice %arg15[%dma_wait3A_228, %dma_wait3A_236, %dma_wait3A_237] : memref<11x4x768xf32, #tpu.memory_space<vmem>> -> memref<1x4x768xf32, #tpu.memory_space<vmem>>
      %dma_wait3A_239 = tpu.memref_squeeze %dma_wait3A_238 : memref<1x4x768xf32, #tpu.memory_space<vmem>> -> memref<4x768xf32, #tpu.memory_space<vmem>>
      %dma_wait3A_240 = arith.constant 0 : i32
      %dma_wait3A_241 = arith.constant 0 : i32
      %dma_wait3A_242 = tpu.memref_slice %arg11[%dma_wait3A_240, %dma_wait3A_241] : memref<2048x768xf32, #tpu.memory_space<hbm>> -> memref<4x768xf32, #tpu.memory_space<hbm>>
      tpu.wait_dma2 semaphore(%arg19 : memref<!tpu.dma_semaphore, #tpu.memory_space<semaphore_mem>>) src(%dma_wait3A_242 : memref<4x768xf32, #tpu.memory_space<hbm>>) dst(%dma_wait3A_239 : memref<4x768xf32, #tpu.memory_space<vmem>>)
      %dma_wait3A_243 = arith.constant 0 : i32
      %dma_wait3A_244 = arith.constant 0 : i32
      %dma_wait3A_245 = arith.constant 0 : i32
      %dma_wait3A_246 = tpu.memref_slice %arg15[%dma_wait3A_243, %dma_wait3A_244, %dma_wait3A_245] : memref<11x4x768xf32, #tpu.memory_space<vmem>> -> memref<1x4x768xf32, #tpu.memory_space<vmem>>
      %dma_wait3A_247 = tpu.memref_squeeze %dma_wait3A_246 : memref<1x4x768xf32, #tpu.memory_space<vmem>> -> memref<4x768xf32, #tpu.memory_space<vmem>>
      %dma_wait3A_248 = arith.constant 0 : i32
      %dma_wait3A_249 = arith.constant 0 : i32
      %dma_wait3A_250 = tpu.memref_slice %arg11[%dma_wait3A_248, %dma_wait3A_249] : memref<2048x768xf32, #tpu.memory_space<hbm>> -> memref<4x768xf32, #tpu.memory_space<hbm>>
      %dma_wait3A_251 = arith.constant 0 : i32
      %dma_wait3A_252 = arith.constant 0 : i32
      %dma_wait3A_253 = tpu.memref_slice %arg15[%dma_wait3A_243, %dma_wait3A_251, %dma_wait3A_252] : memref<11x4x768xf32, #tpu.memory_space<vmem>> -> memref<1x4x768xf32, #tpu.memory_space<vmem>>
      %dma_wait3A_254 = tpu.memref_squeeze %dma_wait3A_253 : memref<1x4x768xf32, #tpu.memory_space<vmem>> -> memref<4x768xf32, #tpu.memory_space<vmem>>
      %dma_wait3A_255 = arith.constant 0 : i32
      %dma_wait3A_256 = arith.constant 0 : i32
      %dma_wait3A_257 = tpu.memref_slice %arg11[%dma_wait3A_255, %dma_wait3A_256] : memref<2048x768xf32, #tpu.memory_space<hbm>> -> memref<4x768xf32, #tpu.memory_space<hbm>>
      tpu.wait_dma2 semaphore(%arg19 : memref<!tpu.dma_semaphore, #tpu.memory_space<semaphore_mem>>) src(%dma_wait3A_257 : memref<4x768xf32, #tpu.memory_space<hbm>>) dst(%dma_wait3A_254 : memref<4x768xf32, #tpu.memory_space<vmem>>)
      %dma_wait3A_258 = arith.constant 0 : i32
      %dma_wait3A_259 = arith.constant 0 : i32
      %dma_wait3A_260 = arith.constant 0 : i32
      %dma_wait3A_261 = tpu.memref_slice %arg15[%dma_wait3A_258, %dma_wait3A_259, %dma_wait3A_260] : memref<11x4x768xf32, #tpu.memory_space<vmem>> -> memref<1x4x768xf32, #tpu.memory_space<vmem>>
      %dma_wait3A_262 = tpu.memref_squeeze %dma_wait3A_261 : memref<1x4x768xf32, #tpu.memory_space<vmem>> -> memref<4x768xf32, #tpu.memory_space<vmem>>
      %dma_wait3A_263 = arith.constant 0 : i32
      %dma_wait3A_264 = arith.constant 0 : i32
      %dma_wait3A_265 = tpu.memref_slice %arg11[%dma_wait3A_263, %dma_wait3A_264] : memref<2048x768xf32, #tpu.memory_space<hbm>> -> memref<4x768xf32, #tpu.memory_space<hbm>>
      %dma_wait3A_266 = arith.constant 0 : i32
      %dma_wait3A_267 = arith.constant 0 : i32
      %dma_wait3A_268 = tpu.memref_slice %arg15[%dma_wait3A_258, %dma_wait3A_266, %dma_wait3A_267] : memref<11x4x768xf32, #tpu.memory_space<vmem>> -> memref<1x4x768xf32, #tpu.memory_space<vmem>>
      %dma_wait3A_269 = tpu.memref_squeeze %dma_wait3A_268 : memref<1x4x768xf32, #tpu.memory_space<vmem>> -> memref<4x768xf32, #tpu.memory_space<vmem>>
      %dma_wait3A_270 = arith.constant 0 : i32
      %dma_wait3A_271 = arith.constant 0 : i32
      %dma_wait3A_272 = tpu.memref_slice %arg11[%dma_wait3A_270, %dma_wait3A_271] : memref<2048x768xf32, #tpu.memory_space<hbm>> -> memref<4x768xf32, #tpu.memory_space<hbm>>
      tpu.wait_dma2 semaphore(%arg19 : memref<!tpu.dma_semaphore, #tpu.memory_space<semaphore_mem>>) src(%dma_wait3A_272 : memref<4x768xf32, #tpu.memory_space<hbm>>) dst(%dma_wait3A_269 : memref<4x768xf32, #tpu.memory_space<vmem>>)
      %dma_wait3A_273 = arith.constant 0 : i32
      %dma_wait3A_274 = arith.constant 0 : i32
      %dma_wait3A_275 = arith.constant 0 : i32
      %dma_wait3A_276 = tpu.memref_slice %arg15[%dma_wait3A_273, %dma_wait3A_274, %dma_wait3A_275] : memref<11x4x768xf32, #tpu.memory_space<vmem>> -> memref<1x4x768xf32, #tpu.memory_space<vmem>>
      %dma_wait3A_277 = tpu.memref_squeeze %dma_wait3A_276 : memref<1x4x768xf32, #tpu.memory_space<vmem>> -> memref<4x768xf32, #tpu.memory_space<vmem>>
      %dma_wait3A_278 = arith.constant 0 : i32
      %dma_wait3A_279 = arith.constant 0 : i32
      %dma_wait3A_280 = tpu.memref_slice %arg11[%dma_wait3A_278, %dma_wait3A_279] : memref<2048x768xf32, #tpu.memory_space<hbm>> -> memref<4x768xf32, #tpu.memory_space<hbm>>
      %dma_wait3A_281 = arith.constant 0 : i32
      %dma_wait3A_282 = arith.constant 0 : i32
      %dma_wait3A_283 = tpu.memref_slice %arg15[%dma_wait3A_273, %dma_wait3A_281, %dma_wait3A_282] : memref<11x4x768xf32, #tpu.memory_space<vmem>> -> memref<1x4x768xf32, #tpu.memory_space<vmem>>
      %dma_wait3A_284 = tpu.memref_squeeze %dma_wait3A_283 : memref<1x4x768xf32, #tpu.memory_space<vmem>> -> memref<4x768xf32, #tpu.memory_space<vmem>>
      %dma_wait3A_285 = arith.constant 0 : i32
      %dma_wait3A_286 = arith.constant 0 : i32
      %dma_wait3A_287 = tpu.memref_slice %arg11[%dma_wait3A_285, %dma_wait3A_286] : memref<2048x768xf32, #tpu.memory_space<hbm>> -> memref<4x768xf32, #tpu.memory_space<hbm>>
      tpu.wait_dma2 semaphore(%arg19 : memref<!tpu.dma_semaphore, #tpu.memory_space<semaphore_mem>>) src(%dma_wait3A_287 : memref<4x768xf32, #tpu.memory_space<hbm>>) dst(%dma_wait3A_284 : memref<4x768xf32, #tpu.memory_space<vmem>>)
      %dma_wait3A_288 = arith.constant 0 : i32
      %dma_wait3A_289 = arith.constant 0 : i32
      %dma_wait3A_290 = arith.constant 0 : i32
      %dma_wait3A_291 = tpu.memref_slice %arg15[%dma_wait3A_288, %dma_wait3A_289, %dma_wait3A_290] : memref<11x4x768xf32, #tpu.memory_space<vmem>> -> memref<1x4x768xf32, #tpu.memory_space<vmem>>
      %dma_wait3A_292 = tpu.memref_squeeze %dma_wait3A_291 : memref<1x4x768xf32, #tpu.memory_space<vmem>> -> memref<4x768xf32, #tpu.memory_space<vmem>>
      %dma_wait3A_293 = arith.constant 0 : i32
      %dma_wait3A_294 = arith.constant 0 : i32
      %dma_wait3A_295 = tpu.memref_slice %arg11[%dma_wait3A_293, %dma_wait3A_294] : memref<2048x768xf32, #tpu.memory_space<hbm>> -> memref<4x768xf32, #tpu.memory_space<hbm>>
      %dma_wait3A_296 = arith.constant 0 : i32
      %dma_wait3A_297 = arith.constant 0 : i32
      %dma_wait3A_298 = tpu.memref_slice %arg15[%dma_wait3A_288, %dma_wait3A_296, %dma_wait3A_297] : memref<11x4x768xf32, #tpu.memory_space<vmem>> -> memref<1x4x768xf32, #tpu.memory_space<vmem>>
      %dma_wait3A_299 = tpu.memref_squeeze %dma_wait3A_298 : memref<1x4x768xf32, #tpu.memory_space<vmem>> -> memref<4x768xf32, #tpu.memory_space<vmem>>
      %dma_wait3A_300 = arith.constant 0 : i32
      %dma_wait3A_301 = arith.constant 0 : i32
      %dma_wait3A_302 = tpu.memref_slice %arg11[%dma_wait3A_300, %dma_wait3A_301] : memref<2048x768xf32, #tpu.memory_space<hbm>> -> memref<4x768xf32, #tpu.memory_space<hbm>>
      tpu.wait_dma2 semaphore(%arg19 : memref<!tpu.dma_semaphore, #tpu.memory_space<semaphore_mem>>) src(%dma_wait3A_302 : memref<4x768xf32, #tpu.memory_space<hbm>>) dst(%dma_wait3A_299 : memref<4x768xf32, #tpu.memory_space<vmem>>)
      %dma_wait3A_303 = arith.constant 0 : i32
      %dma_wait3A_304 = arith.constant 0 : i32
      %dma_wait3A_305 = arith.constant 0 : i32
      %dma_wait3A_306 = tpu.memref_slice %arg15[%dma_wait3A_303, %dma_wait3A_304, %dma_wait3A_305] : memref<11x4x768xf32, #tpu.memory_space<vmem>> -> memref<1x4x768xf32, #tpu.memory_space<vmem>>
      %dma_wait3A_307 = tpu.memref_squeeze %dma_wait3A_306 : memref<1x4x768xf32, #tpu.memory_space<vmem>> -> memref<4x768xf32, #tpu.memory_space<vmem>>
      %dma_wait3A_308 = arith.constant 0 : i32
      %dma_wait3A_309 = arith.constant 0 : i32
      %dma_wait3A_310 = tpu.memref_slice %arg11[%dma_wait3A_308, %dma_wait3A_309] : memref<2048x768xf32, #tpu.memory_space<hbm>> -> memref<4x768xf32, #tpu.memory_space<hbm>>
      %dma_wait3A_311 = arith.constant 0 : i32
      %dma_wait3A_312 = arith.constant 0 : i32
      %dma_wait3A_313 = tpu.memref_slice %arg15[%dma_wait3A_303, %dma_wait3A_311, %dma_wait3A_312] : memref<11x4x768xf32, #tpu.memory_space<vmem>> -> memref<1x4x768xf32, #tpu.memory_space<vmem>>
      %dma_wait3A_314 = tpu.memref_squeeze %dma_wait3A_313 : memref<1x4x768xf32, #tpu.memory_space<vmem>> -> memref<4x768xf32, #tpu.memory_space<vmem>>
      %dma_wait3A_315 = arith.constant 0 : i32
      %dma_wait3A_316 = arith.constant 0 : i32
      %dma_wait3A_317 = tpu.memref_slice %arg11[%dma_wait3A_315, %dma_wait3A_316] : memref<2048x768xf32, #tpu.memory_space<hbm>> -> memref<4x768xf32, #tpu.memory_space<hbm>>
      tpu.wait_dma2 semaphore(%arg19 : memref<!tpu.dma_semaphore, #tpu.memory_space<semaphore_mem>>) src(%dma_wait3A_317 : memref<4x768xf32, #tpu.memory_space<hbm>>) dst(%dma_wait3A_314 : memref<4x768xf32, #tpu.memory_space<vmem>>)
      %dma_wait3A_318 = arith.constant 0 : i32
      %dma_wait3A_319 = arith.constant 0 : i32
      %dma_wait3A_320 = arith.constant 0 : i32
      %dma_wait3A_321 = tpu.memref_slice %arg15[%dma_wait3A_318, %dma_wait3A_319, %dma_wait3A_320] : memref<11x4x768xf32, #tpu.memory_space<vmem>> -> memref<1x4x768xf32, #tpu.memory_space<vmem>>
      %dma_wait3A_322 = tpu.memref_squeeze %dma_wait3A_321 : memref<1x4x768xf32, #tpu.memory_space<vmem>> -> memref<4x768xf32, #tpu.memory_space<vmem>>
      %dma_wait3A_323 = arith.constant 0 : i32
      %dma_wait3A_324 = arith.constant 0 : i32
      %dma_wait3A_325 = tpu.memref_slice %arg11[%dma_wait3A_323, %dma_wait3A_324] : memref<2048x768xf32, #tpu.memory_space<hbm>> -> memref<4x768xf32, #tpu.memory_space<hbm>>
      %dma_wait3A_326 = arith.constant 0 : i32
      %dma_wait3A_327 = arith.constant 0 : i32
      %dma_wait3A_328 = tpu.memref_slice %arg15[%dma_wait3A_318, %dma_wait3A_326, %dma_wait3A_327] : memref<11x4x768xf32, #tpu.memory_space<vmem>> -> memref<1x4x768xf32, #tpu.memory_space<vmem>>
      %dma_wait3A_329 = tpu.memref_squeeze %dma_wait3A_328 : memref<1x4x768xf32, #tpu.memory_space<vmem>> -> memref<4x768xf32, #tpu.memory_space<vmem>>
      %dma_wait3A_330 = arith.constant 0 : i32
      %dma_wait3A_331 = arith.constant 0 : i32
      %dma_wait3A_332 = tpu.memref_slice %arg11[%dma_wait3A_330, %dma_wait3A_331] : memref<2048x768xf32, #tpu.memory_space<hbm>> -> memref<4x768xf32, #tpu.memory_space<hbm>>
      tpu.wait_dma2 semaphore(%arg19 : memref<!tpu.dma_semaphore, #tpu.memory_space<semaphore_mem>>) src(%dma_wait3A_332 : memref<4x768xf32, #tpu.memory_space<hbm>>) dst(%dma_wait3A_329 : memref<4x768xf32, #tpu.memory_space<vmem>>)
      %gt3A = arith.constant 0 : i32
      %gt3A_333 = arith.cmpi sgt, %mul3A_162, %gt3A : i32
      %convert_element_type3A_334 = arith.extui %gt3A_333 : i1 to i32
      %cond3A_335 = arith.constant 0 : i32
      %cond3A_336 = arith.cmpi ne, %convert_element_type3A_334, %cond3A_335 : i32
      scf.if %cond3A_336 {
        %dma_wait3A_555 = arith.constant 0 : i32
        %dma_wait3A_556 = arith.constant 0 : i32
        %dma_wait3A_557 = tpu.memref_slice %arg11[%dma_wait3A_555, %dma_wait3A_556] : memref<2048x768xf32, #tpu.memory_space<hbm>> -> memref<4x768xf32, #tpu.memory_space<hbm>>
        %dma_wait3A_558 = arith.constant 0 : i32
        %dma_wait3A_559 = arith.constant 0 : i32
        %dma_wait3A_560 = tpu.memref_slice %arg11[%dma_wait3A_558, %dma_wait3A_559] : memref<2048x768xf32, #tpu.memory_space<hbm>> -> memref<4x768xf32, #tpu.memory_space<hbm>>
        tpu.wait_dma2 semaphore(%arg21 : memref<!tpu.dma_semaphore, #tpu.memory_space<semaphore_mem>>) src(%dma_wait3A_560 : memref<4x768xf32, #tpu.memory_space<hbm>>) dst(%arg17 : memref<4x768xf32, #tpu.memory_space<vmem>>)
      } else {
      }
      %parallel_loop3A = arith.constant 0 : i32
      %parallel_loop3A_337 = arith.constant 48 : i32
      %parallel_loop3A_338 = arith.constant 1 : i32
      scf.for %parallel_loop3A_555 = %parallel_loop3A to %parallel_loop3A_337 step %parallel_loop3A_338  : i32 {
        %parallel_loop3A_556 = arith.constant 16 : i32
        %parallel_loop3A_557 = arith.muli %parallel_loop3A_555, %parallel_loop3A_556 : i32
        %parallel_loop3A_558 = arith.constant 4 : i32
        %parallel_loop3A_559 = arith.muli %mul3A_162, %parallel_loop3A_558 : i32
        %parallel_loop3A_560 = arith.constant 0 : i32
        %parallel_loop3A_561 = arith.addi %parallel_loop3A_559, %parallel_loop3A_560 : i32
        %parallel_loop3A_562 = arith.constant 16 : i32
        %parallel_loop3A_563 = arith.muli %parallel_loop3A_561, %parallel_loop3A_562 : i32
        %parallel_loop3A_564 = arith.index_cast %parallel_loop3A_563 : i32 to index
        %parallel_loop3A_565 = tpu.vector_load %arg14[%parallel_loop3A_564] {strides = array<i32>} : memref<4096xf32, #tpu.memory_space<vmem>>, vector<16xf32>,
        %parallel_loop3A_566 = vector.shape_cast %parallel_loop3A_565 : vector<16xf32> to vector<16xf32>
        %parallel_loop3A_567 = arith.constant 5.000000e-01 : f32
        %parallel_loop3A_568 = vector.broadcast %parallel_loop3A_567 : f32 to vector<16xf32>
        %parallel_loop3A_569 = arith.cmpf ogt, %parallel_loop3A_566, %parallel_loop3A_568 : vector<16xf32>
        %parallel_loop3A_570 = arith.constant 0 : i32
        %parallel_loop3A_571 = arith.constant 0 : i32
        %parallel_loop3A_572 = arith.index_cast %parallel_loop3A_570 : i32 to index
        %parallel_loop3A_573 = arith.index_cast %parallel_loop3A_571 : i32 to index
        %parallel_loop3A_574 = arith.index_cast %parallel_loop3A_557 : i32 to index
        %parallel_loop3A_575 = tpu.vector_load %arg15[%parallel_loop3A_572, %parallel_loop3A_573, %parallel_loop3A_574] {strides = array<i32>} : memref<11x4x768xf32, #tpu.memory_space<vmem>>, vector<1x1x16xf32>,
        %parallel_loop3A_576 = vector.shape_cast %parallel_loop3A_575 : vector<1x1x16xf32> to vector<16xf32>
        %parallel_loop3A_577 = arith.constant 1 : i32
        %parallel_loop3A_578 = arith.constant 0 : i32
        %parallel_loop3A_579 = arith.index_cast %parallel_loop3A_577 : i32 to index
        %parallel_loop3A_580 = arith.index_cast %parallel_loop3A_578 : i32 to index
        %parallel_loop3A_581 = arith.index_cast %parallel_loop3A_557 : i32 to index
        %parallel_loop3A_582 = tpu.vector_load %arg15[%parallel_loop3A_579, %parallel_loop3A_580, %parallel_loop3A_581] {strides = array<i32>} : memref<11x4x768xf32, #tpu.memory_space<vmem>>, vector<1x1x16xf32>,
        %parallel_loop3A_583 = vector.shape_cast %parallel_loop3A_582 : vector<1x1x16xf32> to vector<16xf32>
        %parallel_loop3A_584 = arith.addf %parallel_loop3A_576, %parallel_loop3A_583 : vector<16xf32>
        %parallel_loop3A_585 = arith.constant 2 : i32
        %parallel_loop3A_586 = arith.constant 0 : i32
        %parallel_loop3A_587 = arith.index_cast %parallel_loop3A_585 : i32 to index
        %parallel_loop3A_588 = arith.index_cast %parallel_loop3A_586 : i32 to index
        %parallel_loop3A_589 = arith.index_cast %parallel_loop3A_557 : i32 to index
        %parallel_loop3A_590 = tpu.vector_load %arg15[%parallel_loop3A_587, %parallel_loop3A_588, %parallel_loop3A_589] {strides = array<i32>} : memref<11x4x768xf32, #tpu.memory_space<vmem>>, vector<1x1x16xf32>,
        %parallel_loop3A_591 = vector.shape_cast %parallel_loop3A_590 : vector<1x1x16xf32> to vector<16xf32>
        %parallel_loop3A_592 = arith.addf %parallel_loop3A_584, %parallel_loop3A_591 : vector<16xf32>
        %parallel_loop3A_593 = arith.constant 3 : i32
        %parallel_loop3A_594 = arith.constant 0 : i32
        %parallel_loop3A_595 = arith.index_cast %parallel_loop3A_593 : i32 to index
        %parallel_loop3A_596 = arith.index_cast %parallel_loop3A_594 : i32 to index
        %parallel_loop3A_597 = arith.index_cast %parallel_loop3A_557 : i32 to index
        %parallel_loop3A_598 = tpu.vector_load %arg15[%parallel_loop3A_595, %parallel_loop3A_596, %parallel_loop3A_597] {strides = array<i32>} : memref<11x4x768xf32, #tpu.memory_space<vmem>>, vector<1x1x16xf32>,
        %parallel_loop3A_599 = vector.shape_cast %parallel_loop3A_598 : vector<1x1x16xf32> to vector<16xf32>
        %parallel_loop3A_600 = arith.addf %parallel_loop3A_592, %parallel_loop3A_599 : vector<16xf32>
        %parallel_loop3A_601 = arith.constant 4 : i32
        %parallel_loop3A_602 = arith.constant 0 : i32
        %parallel_loop3A_603 = arith.index_cast %parallel_loop3A_601 : i32 to index
        %parallel_loop3A_604 = arith.index_cast %parallel_loop3A_602 : i32 to index
        %parallel_loop3A_605 = arith.index_cast %parallel_loop3A_557 : i32 to index
        %parallel_loop3A_606 = tpu.vector_load %arg15[%parallel_loop3A_603, %parallel_loop3A_604, %parallel_loop3A_605] {strides = array<i32>} : memref<11x4x768xf32, #tpu.memory_space<vmem>>, vector<1x1x16xf32>,
        %parallel_loop3A_607 = vector.shape_cast %parallel_loop3A_606 : vector<1x1x16xf32> to vector<16xf32>
        %parallel_loop3A_608 = arith.addf %parallel_loop3A_600, %parallel_loop3A_607 : vector<16xf32>
        %parallel_loop3A_609 = arith.constant 5 : i32
        %parallel_loop3A_610 = arith.constant 0 : i32
        %parallel_loop3A_611 = arith.index_cast %parallel_loop3A_609 : i32 to index
        %parallel_loop3A_612 = arith.index_cast %parallel_loop3A_610 : i32 to index
        %parallel_loop3A_613 = arith.index_cast %parallel_loop3A_557 : i32 to index
        %parallel_loop3A_614 = tpu.vector_load %arg15[%parallel_loop3A_611, %parallel_loop3A_612, %parallel_loop3A_613] {strides = array<i32>} : memref<11x4x768xf32, #tpu.memory_space<vmem>>, vector<1x1x16xf32>,
        %parallel_loop3A_615 = vector.shape_cast %parallel_loop3A_614 : vector<1x1x16xf32> to vector<16xf32>
        %parallel_loop3A_616 = arith.addf %parallel_loop3A_608, %parallel_loop3A_615 : vector<16xf32>
        %parallel_loop3A_617 = arith.constant 6 : i32
        %parallel_loop3A_618 = arith.constant 0 : i32
        %parallel_loop3A_619 = arith.index_cast %parallel_loop3A_617 : i32 to index
        %parallel_loop3A_620 = arith.index_cast %parallel_loop3A_618 : i32 to index
        %parallel_loop3A_621 = arith.index_cast %parallel_loop3A_557 : i32 to index
        %parallel_loop3A_622 = tpu.vector_load %arg15[%parallel_loop3A_619, %parallel_loop3A_620, %parallel_loop3A_621] {strides = array<i32>} : memref<11x4x768xf32, #tpu.memory_space<vmem>>, vector<1x1x16xf32>,
        %parallel_loop3A_623 = vector.shape_cast %parallel_loop3A_622 : vector<1x1x16xf32> to vector<16xf32>
        %parallel_loop3A_624 = arith.addf %parallel_loop3A_616, %parallel_loop3A_623 : vector<16xf32>
        %parallel_loop3A_625 = arith.constant 7 : i32
        %parallel_loop3A_626 = arith.constant 0 : i32
        %parallel_loop3A_627 = arith.index_cast %parallel_loop3A_625 : i32 to index
        %parallel_loop3A_628 = arith.index_cast %parallel_loop3A_626 : i32 to index
        %parallel_loop3A_629 = arith.index_cast %parallel_loop3A_557 : i32 to index
        %parallel_loop3A_630 = tpu.vector_load %arg15[%parallel_loop3A_627, %parallel_loop3A_628, %parallel_loop3A_629] {strides = array<i32>} : memref<11x4x768xf32, #tpu.memory_space<vmem>>, vector<1x1x16xf32>,
        %parallel_loop3A_631 = vector.shape_cast %parallel_loop3A_630 : vector<1x1x16xf32> to vector<16xf32>
        %parallel_loop3A_632 = arith.addf %parallel_loop3A_624, %parallel_loop3A_631 : vector<16xf32>
        %parallel_loop3A_633 = arith.constant 8 : i32
        %parallel_loop3A_634 = arith.constant 0 : i32
        %parallel_loop3A_635 = arith.index_cast %parallel_loop3A_633 : i32 to index
        %parallel_loop3A_636 = arith.index_cast %parallel_loop3A_634 : i32 to index
        %parallel_loop3A_637 = arith.index_cast %parallel_loop3A_557 : i32 to index
        %parallel_loop3A_638 = tpu.vector_load %arg15[%parallel_loop3A_635, %parallel_loop3A_636, %parallel_loop3A_637] {strides = array<i32>} : memref<11x4x768xf32, #tpu.memory_space<vmem>>, vector<1x1x16xf32>,
        %parallel_loop3A_639 = vector.shape_cast %parallel_loop3A_638 : vector<1x1x16xf32> to vector<16xf32>
        %parallel_loop3A_640 = arith.addf %parallel_loop3A_632, %parallel_loop3A_639 : vector<16xf32>
        %parallel_loop3A_641 = arith.constant 9 : i32
        %parallel_loop3A_642 = arith.constant 0 : i32
        %parallel_loop3A_643 = arith.index_cast %parallel_loop3A_641 : i32 to index
        %parallel_loop3A_644 = arith.index_cast %parallel_loop3A_642 : i32 to index
        %parallel_loop3A_645 = arith.index_cast %parallel_loop3A_557 : i32 to index
        %parallel_loop3A_646 = tpu.vector_load %arg15[%parallel_loop3A_643, %parallel_loop3A_644, %parallel_loop3A_645] {strides = array<i32>} : memref<11x4x768xf32, #tpu.memory_space<vmem>>, vector<1x1x16xf32>,
        %parallel_loop3A_647 = vector.shape_cast %parallel_loop3A_646 : vector<1x1x16xf32> to vector<16xf32>
        %parallel_loop3A_648 = arith.addf %parallel_loop3A_640, %parallel_loop3A_647 : vector<16xf32>
        %parallel_loop3A_649 = arith.constant 10 : i32
        %parallel_loop3A_650 = arith.constant 0 : i32
        %parallel_loop3A_651 = arith.index_cast %parallel_loop3A_649 : i32 to index
        %parallel_loop3A_652 = arith.index_cast %parallel_loop3A_650 : i32 to index
        %parallel_loop3A_653 = arith.index_cast %parallel_loop3A_557 : i32 to index
        %parallel_loop3A_654 = tpu.vector_load %arg15[%parallel_loop3A_651, %parallel_loop3A_652, %parallel_loop3A_653] {strides = array<i32>} : memref<11x4x768xf32, #tpu.memory_space<vmem>>, vector<1x1x16xf32>,
        %parallel_loop3A_655 = vector.shape_cast %parallel_loop3A_654 : vector<1x1x16xf32> to vector<16xf32>
        %parallel_loop3A_656 = arith.addf %parallel_loop3A_648, %parallel_loop3A_655 : vector<16xf32>
        %parallel_loop3A_657 = arith.constant 0 : i32
        %parallel_loop3A_658 = arith.index_cast %parallel_loop3A_657 : i32 to index
        %parallel_loop3A_659 = arith.index_cast %parallel_loop3A_557 : i32 to index
        %parallel_loop3A_660 = tpu.vector_load %arg18[%parallel_loop3A_658, %parallel_loop3A_659] {strides = array<i32>} : memref<2x768xf32, #tpu.memory_space<vmem>>, vector<1x16xf32>,
        %parallel_loop3A_661 = vector.shape_cast %parallel_loop3A_660 : vector<1x16xf32> to vector<16xf32>
        %parallel_loop3A_662 = arith.constant 1 : i32
        %parallel_loop3A_663 = arith.index_cast %parallel_loop3A_662 : i32 to index
        %parallel_loop3A_664 = arith.index_cast %parallel_loop3A_557 : i32 to index
        %parallel_loop3A_665 = tpu.vector_load %arg18[%parallel_loop3A_663, %parallel_loop3A_664] {strides = array<i32>} : memref<2x768xf32, #tpu.memory_space<vmem>>, vector<1x16xf32>,
        %parallel_loop3A_666 = vector.shape_cast %parallel_loop3A_665 : vector<1x16xf32> to vector<16xf32>
        %parallel_loop3A_667 = arith.select %parallel_loop3A_569, %parallel_loop3A_666, %parallel_loop3A_661 : vector<16xi1>, vector<16xf32>
        %parallel_loop3A_668 = arith.addf %parallel_loop3A_656, %parallel_loop3A_667 : vector<16xf32>
        %parallel_loop3A_669 = arith.constant 0 : i32
        %parallel_loop3A_670 = arith.index_cast %parallel_loop3A_669 : i32 to index
        %parallel_loop3A_671 = arith.index_cast %parallel_loop3A_557 : i32 to index
        %parallel_loop3A_672 = tpu.vector_load %arg17[%parallel_loop3A_670, %parallel_loop3A_671] {strides = array<i32>} : memref<4x768xf32, #tpu.memory_space<vmem>>, vector<1x16xf32>,
        %parallel_loop3A_673 = vector.shape_cast %parallel_loop3A_672 : vector<1x16xf32> to vector<16xf32>
        %parallel_loop3A_674 = vector.shape_cast %parallel_loop3A_668 : vector<16xf32> to vector<1x16xf32>
        tpu.vector_store %arg17[%parallel_loop3A_670, %parallel_loop3A_671], %parallel_loop3A_674 {strides = array<i32>} : memref<4x768xf32, #tpu.memory_space<vmem>>, vector<1x16xf32>,
      } {sc.loop_unroll_factor = 2 : i64, sc.parallel_access}
      %parallel_loop3A_339 = arith.constant 0 : i32
      %parallel_loop3A_340 = arith.constant 48 : i32
      %parallel_loop3A_341 = arith.constant 1 : i32
      scf.for %parallel_loop3A_555 = %parallel_loop3A_339 to %parallel_loop3A_340 step %parallel_loop3A_341  : i32 {
        %parallel_loop3A_556 = arith.constant 16 : i32
        %parallel_loop3A_557 = arith.muli %parallel_loop3A_555, %parallel_loop3A_556 : i32
        %parallel_loop3A_558 = arith.constant 4 : i32
        %parallel_loop3A_559 = arith.muli %mul3A_162, %parallel_loop3A_558 : i32
        %parallel_loop3A_560 = arith.constant 1 : i32
        %parallel_loop3A_561 = arith.addi %parallel_loop3A_559, %parallel_loop3A_560 : i32
        %parallel_loop3A_562 = arith.constant 16 : i32
        %parallel_loop3A_563 = arith.muli %parallel_loop3A_561, %parallel_loop3A_562 : i32
        %parallel_loop3A_564 = arith.index_cast %parallel_loop3A_563 : i32 to index
        %parallel_loop3A_565 = tpu.vector_load %arg14[%parallel_loop3A_564] {strides = array<i32>} : memref<4096xf32, #tpu.memory_space<vmem>>, vector<16xf32>,
        %parallel_loop3A_566 = vector.shape_cast %parallel_loop3A_565 : vector<16xf32> to vector<16xf32>
        %parallel_loop3A_567 = arith.constant 5.000000e-01 : f32
        %parallel_loop3A_568 = vector.broadcast %parallel_loop3A_567 : f32 to vector<16xf32>
        %parallel_loop3A_569 = arith.cmpf ogt, %parallel_loop3A_566, %parallel_loop3A_568 : vector<16xf32>
        %parallel_loop3A_570 = arith.constant 0 : i32
        %parallel_loop3A_571 = arith.constant 1 : i32
        %parallel_loop3A_572 = arith.index_cast %parallel_loop3A_570 : i32 to index
        %parallel_loop3A_573 = arith.index_cast %parallel_loop3A_571 : i32 to index
        %parallel_loop3A_574 = arith.index_cast %parallel_loop3A_557 : i32 to index
        %parallel_loop3A_575 = tpu.vector_load %arg15[%parallel_loop3A_572, %parallel_loop3A_573, %parallel_loop3A_574] {strides = array<i32>} : memref<11x4x768xf32, #tpu.memory_space<vmem>>, vector<1x1x16xf32>,
        %parallel_loop3A_576 = vector.shape_cast %parallel_loop3A_575 : vector<1x1x16xf32> to vector<16xf32>
        %parallel_loop3A_577 = arith.constant 1 : i32
        %parallel_loop3A_578 = arith.constant 1 : i32
        %parallel_loop3A_579 = arith.index_cast %parallel_loop3A_577 : i32 to index
        %parallel_loop3A_580 = arith.index_cast %parallel_loop3A_578 : i32 to index
        %parallel_loop3A_581 = arith.index_cast %parallel_loop3A_557 : i32 to index
        %parallel_loop3A_582 = tpu.vector_load %arg15[%parallel_loop3A_579, %parallel_loop3A_580, %parallel_loop3A_581] {strides = array<i32>} : memref<11x4x768xf32, #tpu.memory_space<vmem>>, vector<1x1x16xf32>,
        %parallel_loop3A_583 = vector.shape_cast %parallel_loop3A_582 : vector<1x1x16xf32> to vector<16xf32>
        %parallel_loop3A_584 = arith.addf %parallel_loop3A_576, %parallel_loop3A_583 : vector<16xf32>
        %parallel_loop3A_585 = arith.constant 2 : i32
        %parallel_loop3A_586 = arith.constant 1 : i32
        %parallel_loop3A_587 = arith.index_cast %parallel_loop3A_585 : i32 to index
        %parallel_loop3A_588 = arith.index_cast %parallel_loop3A_586 : i32 to index
        %parallel_loop3A_589 = arith.index_cast %parallel_loop3A_557 : i32 to index
        %parallel_loop3A_590 = tpu.vector_load %arg15[%parallel_loop3A_587, %parallel_loop3A_588, %parallel_loop3A_589] {strides = array<i32>} : memref<11x4x768xf32, #tpu.memory_space<vmem>>, vector<1x1x16xf32>,
        %parallel_loop3A_591 = vector.shape_cast %parallel_loop3A_590 : vector<1x1x16xf32> to vector<16xf32>
        %parallel_loop3A_592 = arith.addf %parallel_loop3A_584, %parallel_loop3A_591 : vector<16xf32>
        %parallel_loop3A_593 = arith.constant 3 : i32
        %parallel_loop3A_594 = arith.constant 1 : i32
        %parallel_loop3A_595 = arith.index_cast %parallel_loop3A_593 : i32 to index
        %parallel_loop3A_596 = arith.index_cast %parallel_loop3A_594 : i32 to index
        %parallel_loop3A_597 = arith.index_cast %parallel_loop3A_557 : i32 to index
        %parallel_loop3A_598 = tpu.vector_load %arg15[%parallel_loop3A_595, %parallel_loop3A_596, %parallel_loop3A_597] {strides = array<i32>} : memref<11x4x768xf32, #tpu.memory_space<vmem>>, vector<1x1x16xf32>,
        %parallel_loop3A_599 = vector.shape_cast %parallel_loop3A_598 : vector<1x1x16xf32> to vector<16xf32>
        %parallel_loop3A_600 = arith.addf %parallel_loop3A_592, %parallel_loop3A_599 : vector<16xf32>
        %parallel_loop3A_601 = arith.constant 4 : i32
        %parallel_loop3A_602 = arith.constant 1 : i32
        %parallel_loop3A_603 = arith.index_cast %parallel_loop3A_601 : i32 to index
        %parallel_loop3A_604 = arith.index_cast %parallel_loop3A_602 : i32 to index
        %parallel_loop3A_605 = arith.index_cast %parallel_loop3A_557 : i32 to index
        %parallel_loop3A_606 = tpu.vector_load %arg15[%parallel_loop3A_603, %parallel_loop3A_604, %parallel_loop3A_605] {strides = array<i32>} : memref<11x4x768xf32, #tpu.memory_space<vmem>>, vector<1x1x16xf32>,
        %parallel_loop3A_607 = vector.shape_cast %parallel_loop3A_606 : vector<1x1x16xf32> to vector<16xf32>
        %parallel_loop3A_608 = arith.addf %parallel_loop3A_600, %parallel_loop3A_607 : vector<16xf32>
        %parallel_loop3A_609 = arith.constant 5 : i32
        %parallel_loop3A_610 = arith.constant 1 : i32
        %parallel_loop3A_611 = arith.index_cast %parallel_loop3A_609 : i32 to index
        %parallel_loop3A_612 = arith.index_cast %parallel_loop3A_610 : i32 to index
        %parallel_loop3A_613 = arith.index_cast %parallel_loop3A_557 : i32 to index
        %parallel_loop3A_614 = tpu.vector_load %arg15[%parallel_loop3A_611, %parallel_loop3A_612, %parallel_loop3A_613] {strides = array<i32>} : memref<11x4x768xf32, #tpu.memory_space<vmem>>, vector<1x1x16xf32>,
        %parallel_loop3A_615 = vector.shape_cast %parallel_loop3A_614 : vector<1x1x16xf32> to vector<16xf32>
        %parallel_loop3A_616 = arith.addf %parallel_loop3A_608, %parallel_loop3A_615 : vector<16xf32>
        %parallel_loop3A_617 = arith.constant 6 : i32
        %parallel_loop3A_618 = arith.constant 1 : i32
        %parallel_loop3A_619 = arith.index_cast %parallel_loop3A_617 : i32 to index
        %parallel_loop3A_620 = arith.index_cast %parallel_loop3A_618 : i32 to index
        %parallel_loop3A_621 = arith.index_cast %parallel_loop3A_557 : i32 to index
        %parallel_loop3A_622 = tpu.vector_load %arg15[%parallel_loop3A_619, %parallel_loop3A_620, %parallel_loop3A_621] {strides = array<i32>} : memref<11x4x768xf32, #tpu.memory_space<vmem>>, vector<1x1x16xf32>,
        %parallel_loop3A_623 = vector.shape_cast %parallel_loop3A_622 : vector<1x1x16xf32> to vector<16xf32>
        %parallel_loop3A_624 = arith.addf %parallel_loop3A_616, %parallel_loop3A_623 : vector<16xf32>
        %parallel_loop3A_625 = arith.constant 7 : i32
        %parallel_loop3A_626 = arith.constant 1 : i32
        %parallel_loop3A_627 = arith.index_cast %parallel_loop3A_625 : i32 to index
        %parallel_loop3A_628 = arith.index_cast %parallel_loop3A_626 : i32 to index
        %parallel_loop3A_629 = arith.index_cast %parallel_loop3A_557 : i32 to index
        %parallel_loop3A_630 = tpu.vector_load %arg15[%parallel_loop3A_627, %parallel_loop3A_628, %parallel_loop3A_629] {strides = array<i32>} : memref<11x4x768xf32, #tpu.memory_space<vmem>>, vector<1x1x16xf32>,
        %parallel_loop3A_631 = vector.shape_cast %parallel_loop3A_630 : vector<1x1x16xf32> to vector<16xf32>
        %parallel_loop3A_632 = arith.addf %parallel_loop3A_624, %parallel_loop3A_631 : vector<16xf32>
        %parallel_loop3A_633 = arith.constant 8 : i32
        %parallel_loop3A_634 = arith.constant 1 : i32
        %parallel_loop3A_635 = arith.index_cast %parallel_loop3A_633 : i32 to index
        %parallel_loop3A_636 = arith.index_cast %parallel_loop3A_634 : i32 to index
        %parallel_loop3A_637 = arith.index_cast %parallel_loop3A_557 : i32 to index
        %parallel_loop3A_638 = tpu.vector_load %arg15[%parallel_loop3A_635, %parallel_loop3A_636, %parallel_loop3A_637] {strides = array<i32>} : memref<11x4x768xf32, #tpu.memory_space<vmem>>, vector<1x1x16xf32>,
        %parallel_loop3A_639 = vector.shape_cast %parallel_loop3A_638 : vector<1x1x16xf32> to vector<16xf32>
        %parallel_loop3A_640 = arith.addf %parallel_loop3A_632, %parallel_loop3A_639 : vector<16xf32>
        %parallel_loop3A_641 = arith.constant 9 : i32
        %parallel_loop3A_642 = arith.constant 1 : i32
        %parallel_loop3A_643 = arith.index_cast %parallel_loop3A_641 : i32 to index
        %parallel_loop3A_644 = arith.index_cast %parallel_loop3A_642 : i32 to index
        %parallel_loop3A_645 = arith.index_cast %parallel_loop3A_557 : i32 to index
        %parallel_loop3A_646 = tpu.vector_load %arg15[%parallel_loop3A_643, %parallel_loop3A_644, %parallel_loop3A_645] {strides = array<i32>} : memref<11x4x768xf32, #tpu.memory_space<vmem>>, vector<1x1x16xf32>,
        %parallel_loop3A_647 = vector.shape_cast %parallel_loop3A_646 : vector<1x1x16xf32> to vector<16xf32>
        %parallel_loop3A_648 = arith.addf %parallel_loop3A_640, %parallel_loop3A_647 : vector<16xf32>
        %parallel_loop3A_649 = arith.constant 10 : i32
        %parallel_loop3A_650 = arith.constant 1 : i32
        %parallel_loop3A_651 = arith.index_cast %parallel_loop3A_649 : i32 to index
        %parallel_loop3A_652 = arith.index_cast %parallel_loop3A_650 : i32 to index
        %parallel_loop3A_653 = arith.index_cast %parallel_loop3A_557 : i32 to index
        %parallel_loop3A_654 = tpu.vector_load %arg15[%parallel_loop3A_651, %parallel_loop3A_652, %parallel_loop3A_653] {strides = array<i32>} : memref<11x4x768xf32, #tpu.memory_space<vmem>>, vector<1x1x16xf32>,
        %parallel_loop3A_655 = vector.shape_cast %parallel_loop3A_654 : vector<1x1x16xf32> to vector<16xf32>
        %parallel_loop3A_656 = arith.addf %parallel_loop3A_648, %parallel_loop3A_655 : vector<16xf32>
        %parallel_loop3A_657 = arith.constant 0 : i32
        %parallel_loop3A_658 = arith.index_cast %parallel_loop3A_657 : i32 to index
        %parallel_loop3A_659 = arith.index_cast %parallel_loop3A_557 : i32 to index
        %parallel_loop3A_660 = tpu.vector_load %arg18[%parallel_loop3A_658, %parallel_loop3A_659] {strides = array<i32>} : memref<2x768xf32, #tpu.memory_space<vmem>>, vector<1x16xf32>,
        %parallel_loop3A_661 = vector.shape_cast %parallel_loop3A_660 : vector<1x16xf32> to vector<16xf32>
        %parallel_loop3A_662 = arith.constant 1 : i32
        %parallel_loop3A_663 = arith.index_cast %parallel_loop3A_662 : i32 to index
        %parallel_loop3A_664 = arith.index_cast %parallel_loop3A_557 : i32 to index
        %parallel_loop3A_665 = tpu.vector_load %arg18[%parallel_loop3A_663, %parallel_loop3A_664] {strides = array<i32>} : memref<2x768xf32, #tpu.memory_space<vmem>>, vector<1x16xf32>,
        %parallel_loop3A_666 = vector.shape_cast %parallel_loop3A_665 : vector<1x16xf32> to vector<16xf32>
        %parallel_loop3A_667 = arith.select %parallel_loop3A_569, %parallel_loop3A_666, %parallel_loop3A_661 : vector<16xi1>, vector<16xf32>
        %parallel_loop3A_668 = arith.addf %parallel_loop3A_656, %parallel_loop3A_667 : vector<16xf32>
        %parallel_loop3A_669 = arith.constant 1 : i32
        %parallel_loop3A_670 = arith.index_cast %parallel_loop3A_669 : i32 to index
        %parallel_loop3A_671 = arith.index_cast %parallel_loop3A_557 : i32 to index
        %parallel_loop3A_672 = tpu.vector_load %arg17[%parallel_loop3A_670, %parallel_loop3A_671] {strides = array<i32>} : memref<4x768xf32, #tpu.memory_space<vmem>>, vector<1x16xf32>,
        %parallel_loop3A_673 = vector.shape_cast %parallel_loop3A_672 : vector<1x16xf32> to vector<16xf32>
        %parallel_loop3A_674 = vector.shape_cast %parallel_loop3A_668 : vector<16xf32> to vector<1x16xf32>
        tpu.vector_store %arg17[%parallel_loop3A_670, %parallel_loop3A_671], %parallel_loop3A_674 {strides = array<i32>} : memref<4x768xf32, #tpu.memory_space<vmem>>, vector<1x16xf32>,
      } {sc.loop_unroll_factor = 2 : i64, sc.parallel_access}
      %parallel_loop3A_342 = arith.constant 0 : i32
      %parallel_loop3A_343 = arith.constant 48 : i32
      %parallel_loop3A_344 = arith.constant 1 : i32
      scf.for %parallel_loop3A_555 = %parallel_loop3A_342 to %parallel_loop3A_343 step %parallel_loop3A_344  : i32 {
        %parallel_loop3A_556 = arith.constant 16 : i32
        %parallel_loop3A_557 = arith.muli %parallel_loop3A_555, %parallel_loop3A_556 : i32
        %parallel_loop3A_558 = arith.constant 4 : i32
        %parallel_loop3A_559 = arith.muli %mul3A_162, %parallel_loop3A_558 : i32
        %parallel_loop3A_560 = arith.constant 2 : i32
        %parallel_loop3A_561 = arith.addi %parallel_loop3A_559, %parallel_loop3A_560 : i32
        %parallel_loop3A_562 = arith.constant 16 : i32
        %parallel_loop3A_563 = arith.muli %parallel_loop3A_561, %parallel_loop3A_562 : i32
        %parallel_loop3A_564 = arith.index_cast %parallel_loop3A_563 : i32 to index
        %parallel_loop3A_565 = tpu.vector_load %arg14[%parallel_loop3A_564] {strides = array<i32>} : memref<4096xf32, #tpu.memory_space<vmem>>, vector<16xf32>,
        %parallel_loop3A_566 = vector.shape_cast %parallel_loop3A_565 : vector<16xf32> to vector<16xf32>
        %parallel_loop3A_567 = arith.constant 5.000000e-01 : f32
        %parallel_loop3A_568 = vector.broadcast %parallel_loop3A_567 : f32 to vector<16xf32>
        %parallel_loop3A_569 = arith.cmpf ogt, %parallel_loop3A_566, %parallel_loop3A_568 : vector<16xf32>
        %parallel_loop3A_570 = arith.constant 0 : i32
        %parallel_loop3A_571 = arith.constant 2 : i32
        %parallel_loop3A_572 = arith.index_cast %parallel_loop3A_570 : i32 to index
        %parallel_loop3A_573 = arith.index_cast %parallel_loop3A_571 : i32 to index
        %parallel_loop3A_574 = arith.index_cast %parallel_loop3A_557 : i32 to index
        %parallel_loop3A_575 = tpu.vector_load %arg15[%parallel_loop3A_572, %parallel_loop3A_573, %parallel_loop3A_574] {strides = array<i32>} : memref<11x4x768xf32, #tpu.memory_space<vmem>>, vector<1x1x16xf32>,
        %parallel_loop3A_576 = vector.shape_cast %parallel_loop3A_575 : vector<1x1x16xf32> to vector<16xf32>
        %parallel_loop3A_577 = arith.constant 1 : i32
        %parallel_loop3A_578 = arith.constant 2 : i32
        %parallel_loop3A_579 = arith.index_cast %parallel_loop3A_577 : i32 to index
        %parallel_loop3A_580 = arith.index_cast %parallel_loop3A_578 : i32 to index
        %parallel_loop3A_581 = arith.index_cast %parallel_loop3A_557 : i32 to index
        %parallel_loop3A_582 = tpu.vector_load %arg15[%parallel_loop3A_579, %parallel_loop3A_580, %parallel_loop3A_581] {strides = array<i32>} : memref<11x4x768xf32, #tpu.memory_space<vmem>>, vector<1x1x16xf32>,
        %parallel_loop3A_583 = vector.shape_cast %parallel_loop3A_582 : vector<1x1x16xf32> to vector<16xf32>
        %parallel_loop3A_584 = arith.addf %parallel_loop3A_576, %parallel_loop3A_583 : vector<16xf32>
        %parallel_loop3A_585 = arith.constant 2 : i32
        %parallel_loop3A_586 = arith.constant 2 : i32
        %parallel_loop3A_587 = arith.index_cast %parallel_loop3A_585 : i32 to index
        %parallel_loop3A_588 = arith.index_cast %parallel_loop3A_586 : i32 to index
        %parallel_loop3A_589 = arith.index_cast %parallel_loop3A_557 : i32 to index
        %parallel_loop3A_590 = tpu.vector_load %arg15[%parallel_loop3A_587, %parallel_loop3A_588, %parallel_loop3A_589] {strides = array<i32>} : memref<11x4x768xf32, #tpu.memory_space<vmem>>, vector<1x1x16xf32>,
        %parallel_loop3A_591 = vector.shape_cast %parallel_loop3A_590 : vector<1x1x16xf32> to vector<16xf32>
        %parallel_loop3A_592 = arith.addf %parallel_loop3A_584, %parallel_loop3A_591 : vector<16xf32>
        %parallel_loop3A_593 = arith.constant 3 : i32
        %parallel_loop3A_594 = arith.constant 2 : i32
        %parallel_loop3A_595 = arith.index_cast %parallel_loop3A_593 : i32 to index
        %parallel_loop3A_596 = arith.index_cast %parallel_loop3A_594 : i32 to index
        %parallel_loop3A_597 = arith.index_cast %parallel_loop3A_557 : i32 to index
        %parallel_loop3A_598 = tpu.vector_load %arg15[%parallel_loop3A_595, %parallel_loop3A_596, %parallel_loop3A_597] {strides = array<i32>} : memref<11x4x768xf32, #tpu.memory_space<vmem>>, vector<1x1x16xf32>,
        %parallel_loop3A_599 = vector.shape_cast %parallel_loop3A_598 : vector<1x1x16xf32> to vector<16xf32>
        %parallel_loop3A_600 = arith.addf %parallel_loop3A_592, %parallel_loop3A_599 : vector<16xf32>
        %parallel_loop3A_601 = arith.constant 4 : i32
        %parallel_loop3A_602 = arith.constant 2 : i32
        %parallel_loop3A_603 = arith.index_cast %parallel_loop3A_601 : i32 to index
        %parallel_loop3A_604 = arith.index_cast %parallel_loop3A_602 : i32 to index
        %parallel_loop3A_605 = arith.index_cast %parallel_loop3A_557 : i32 to index
        %parallel_loop3A_606 = tpu.vector_load %arg15[%parallel_loop3A_603, %parallel_loop3A_604, %parallel_loop3A_605] {strides = array<i32>} : memref<11x4x768xf32, #tpu.memory_space<vmem>>, vector<1x1x16xf32>,
        %parallel_loop3A_607 = vector.shape_cast %parallel_loop3A_606 : vector<1x1x16xf32> to vector<16xf32>
        %parallel_loop3A_608 = arith.addf %parallel_loop3A_600, %parallel_loop3A_607 : vector<16xf32>
        %parallel_loop3A_609 = arith.constant 5 : i32
        %parallel_loop3A_610 = arith.constant 2 : i32
        %parallel_loop3A_611 = arith.index_cast %parallel_loop3A_609 : i32 to index
        %parallel_loop3A_612 = arith.index_cast %parallel_loop3A_610 : i32 to index
        %parallel_loop3A_613 = arith.index_cast %parallel_loop3A_557 : i32 to index
        %parallel_loop3A_614 = tpu.vector_load %arg15[%parallel_loop3A_611, %parallel_loop3A_612, %parallel_loop3A_613] {strides = array<i32>} : memref<11x4x768xf32, #tpu.memory_space<vmem>>, vector<1x1x16xf32>,
        %parallel_loop3A_615 = vector.shape_cast %parallel_loop3A_614 : vector<1x1x16xf32> to vector<16xf32>
        %parallel_loop3A_616 = arith.addf %parallel_loop3A_608, %parallel_loop3A_615 : vector<16xf32>
        %parallel_loop3A_617 = arith.constant 6 : i32
        %parallel_loop3A_618 = arith.constant 2 : i32
        %parallel_loop3A_619 = arith.index_cast %parallel_loop3A_617 : i32 to index
        %parallel_loop3A_620 = arith.index_cast %parallel_loop3A_618 : i32 to index
        %parallel_loop3A_621 = arith.index_cast %parallel_loop3A_557 : i32 to index
        %parallel_loop3A_622 = tpu.vector_load %arg15[%parallel_loop3A_619, %parallel_loop3A_620, %parallel_loop3A_621] {strides = array<i32>} : memref<11x4x768xf32, #tpu.memory_space<vmem>>, vector<1x1x16xf32>,
        %parallel_loop3A_623 = vector.shape_cast %parallel_loop3A_622 : vector<1x1x16xf32> to vector<16xf32>
        %parallel_loop3A_624 = arith.addf %parallel_loop3A_616, %parallel_loop3A_623 : vector<16xf32>
        %parallel_loop3A_625 = arith.constant 7 : i32
        %parallel_loop3A_626 = arith.constant 2 : i32
        %parallel_loop3A_627 = arith.index_cast %parallel_loop3A_625 : i32 to index
        %parallel_loop3A_628 = arith.index_cast %parallel_loop3A_626 : i32 to index
        %parallel_loop3A_629 = arith.index_cast %parallel_loop3A_557 : i32 to index
        %parallel_loop3A_630 = tpu.vector_load %arg15[%parallel_loop3A_627, %parallel_loop3A_628, %parallel_loop3A_629] {strides = array<i32>} : memref<11x4x768xf32, #tpu.memory_space<vmem>>, vector<1x1x16xf32>,
        %parallel_loop3A_631 = vector.shape_cast %parallel_loop3A_630 : vector<1x1x16xf32> to vector<16xf32>
        %parallel_loop3A_632 = arith.addf %parallel_loop3A_624, %parallel_loop3A_631 : vector<16xf32>
        %parallel_loop3A_633 = arith.constant 8 : i32
        %parallel_loop3A_634 = arith.constant 2 : i32
        %parallel_loop3A_635 = arith.index_cast %parallel_loop3A_633 : i32 to index
        %parallel_loop3A_636 = arith.index_cast %parallel_loop3A_634 : i32 to index
        %parallel_loop3A_637 = arith.index_cast %parallel_loop3A_557 : i32 to index
        %parallel_loop3A_638 = tpu.vector_load %arg15[%parallel_loop3A_635, %parallel_loop3A_636, %parallel_loop3A_637] {strides = array<i32>} : memref<11x4x768xf32, #tpu.memory_space<vmem>>, vector<1x1x16xf32>,
        %parallel_loop3A_639 = vector.shape_cast %parallel_loop3A_638 : vector<1x1x16xf32> to vector<16xf32>
        %parallel_loop3A_640 = arith.addf %parallel_loop3A_632, %parallel_loop3A_639 : vector<16xf32>
        %parallel_loop3A_641 = arith.constant 9 : i32
        %parallel_loop3A_642 = arith.constant 2 : i32
        %parallel_loop3A_643 = arith.index_cast %parallel_loop3A_641 : i32 to index
        %parallel_loop3A_644 = arith.index_cast %parallel_loop3A_642 : i32 to index
        %parallel_loop3A_645 = arith.index_cast %parallel_loop3A_557 : i32 to index
        %parallel_loop3A_646 = tpu.vector_load %arg15[%parallel_loop3A_643, %parallel_loop3A_644, %parallel_loop3A_645] {strides = array<i32>} : memref<11x4x768xf32, #tpu.memory_space<vmem>>, vector<1x1x16xf32>,
        %parallel_loop3A_647 = vector.shape_cast %parallel_loop3A_646 : vector<1x1x16xf32> to vector<16xf32>
        %parallel_loop3A_648 = arith.addf %parallel_loop3A_640, %parallel_loop3A_647 : vector<16xf32>
        %parallel_loop3A_649 = arith.constant 10 : i32
        %parallel_loop3A_650 = arith.constant 2 : i32
        %parallel_loop3A_651 = arith.index_cast %parallel_loop3A_649 : i32 to index
        %parallel_loop3A_652 = arith.index_cast %parallel_loop3A_650 : i32 to index
        %parallel_loop3A_653 = arith.index_cast %parallel_loop3A_557 : i32 to index
        %parallel_loop3A_654 = tpu.vector_load %arg15[%parallel_loop3A_651, %parallel_loop3A_652, %parallel_loop3A_653] {strides = array<i32>} : memref<11x4x768xf32, #tpu.memory_space<vmem>>, vector<1x1x16xf32>,
        %parallel_loop3A_655 = vector.shape_cast %parallel_loop3A_654 : vector<1x1x16xf32> to vector<16xf32>
        %parallel_loop3A_656 = arith.addf %parallel_loop3A_648, %parallel_loop3A_655 : vector<16xf32>
        %parallel_loop3A_657 = arith.constant 0 : i32
        %parallel_loop3A_658 = arith.index_cast %parallel_loop3A_657 : i32 to index
        %parallel_loop3A_659 = arith.index_cast %parallel_loop3A_557 : i32 to index
        %parallel_loop3A_660 = tpu.vector_load %arg18[%parallel_loop3A_658, %parallel_loop3A_659] {strides = array<i32>} : memref<2x768xf32, #tpu.memory_space<vmem>>, vector<1x16xf32>,
        %parallel_loop3A_661 = vector.shape_cast %parallel_loop3A_660 : vector<1x16xf32> to vector<16xf32>
        %parallel_loop3A_662 = arith.constant 1 : i32
        %parallel_loop3A_663 = arith.index_cast %parallel_loop3A_662 : i32 to index
        %parallel_loop3A_664 = arith.index_cast %parallel_loop3A_557 : i32 to index
        %parallel_loop3A_665 = tpu.vector_load %arg18[%parallel_loop3A_663, %parallel_loop3A_664] {strides = array<i32>} : memref<2x768xf32, #tpu.memory_space<vmem>>, vector<1x16xf32>,
        %parallel_loop3A_666 = vector.shape_cast %parallel_loop3A_665 : vector<1x16xf32> to vector<16xf32>
        %parallel_loop3A_667 = arith.select %parallel_loop3A_569, %parallel_loop3A_666, %parallel_loop3A_661 : vector<16xi1>, vector<16xf32>
        %parallel_loop3A_668 = arith.addf %parallel_loop3A_656, %parallel_loop3A_667 : vector<16xf32>
        %parallel_loop3A_669 = arith.constant 2 : i32
        %parallel_loop3A_670 = arith.index_cast %parallel_loop3A_669 : i32 to index
        %parallel_loop3A_671 = arith.index_cast %parallel_loop3A_557 : i32 to index
        %parallel_loop3A_672 = tpu.vector_load %arg17[%parallel_loop3A_670, %parallel_loop3A_671] {strides = array<i32>} : memref<4x768xf32, #tpu.memory_space<vmem>>, vector<1x16xf32>,
        %parallel_loop3A_673 = vector.shape_cast %parallel_loop3A_672 : vector<1x16xf32> to vector<16xf32>
        %parallel_loop3A_674 = vector.shape_cast %parallel_loop3A_668 : vector<16xf32> to vector<1x16xf32>
        tpu.vector_store %arg17[%parallel_loop3A_670, %parallel_loop3A_671], %parallel_loop3A_674 {strides = array<i32>} : memref<4x768xf32, #tpu.memory_space<vmem>>, vector<1x16xf32>,
      } {sc.loop_unroll_factor = 2 : i64, sc.parallel_access}
      %parallel_loop3A_345 = arith.constant 0 : i32
      %parallel_loop3A_346 = arith.constant 48 : i32
      %parallel_loop3A_347 = arith.constant 1 : i32
      scf.for %parallel_loop3A_555 = %parallel_loop3A_345 to %parallel_loop3A_346 step %parallel_loop3A_347  : i32 {
        %parallel_loop3A_556 = arith.constant 16 : i32
        %parallel_loop3A_557 = arith.muli %parallel_loop3A_555, %parallel_loop3A_556 : i32
        %parallel_loop3A_558 = arith.constant 4 : i32
        %parallel_loop3A_559 = arith.muli %mul3A_162, %parallel_loop3A_558 : i32
        %parallel_loop3A_560 = arith.constant 3 : i32
        %parallel_loop3A_561 = arith.addi %parallel_loop3A_559, %parallel_loop3A_560 : i32
        %parallel_loop3A_562 = arith.constant 16 : i32
        %parallel_loop3A_563 = arith.muli %parallel_loop3A_561, %parallel_loop3A_562 : i32
        %parallel_loop3A_564 = arith.index_cast %parallel_loop3A_563 : i32 to index
        %parallel_loop3A_565 = tpu.vector_load %arg14[%parallel_loop3A_564] {strides = array<i32>} : memref<4096xf32, #tpu.memory_space<vmem>>, vector<16xf32>,
        %parallel_loop3A_566 = vector.shape_cast %parallel_loop3A_565 : vector<16xf32> to vector<16xf32>
        %parallel_loop3A_567 = arith.constant 5.000000e-01 : f32
        %parallel_loop3A_568 = vector.broadcast %parallel_loop3A_567 : f32 to vector<16xf32>
        %parallel_loop3A_569 = arith.cmpf ogt, %parallel_loop3A_566, %parallel_loop3A_568 : vector<16xf32>
        %parallel_loop3A_570 = arith.constant 0 : i32
        %parallel_loop3A_571 = arith.constant 3 : i32
        %parallel_loop3A_572 = arith.index_cast %parallel_loop3A_570 : i32 to index
        %parallel_loop3A_573 = arith.index_cast %parallel_loop3A_571 : i32 to index
        %parallel_loop3A_574 = arith.index_cast %parallel_loop3A_557 : i32 to index
        %parallel_loop3A_575 = tpu.vector_load %arg15[%parallel_loop3A_572, %parallel_loop3A_573, %parallel_loop3A_574] {strides = array<i32>} : memref<11x4x768xf32, #tpu.memory_space<vmem>>, vector<1x1x16xf32>,
        %parallel_loop3A_576 = vector.shape_cast %parallel_loop3A_575 : vector<1x1x16xf32> to vector<16xf32>
        %parallel_loop3A_577 = arith.constant 1 : i32
        %parallel_loop3A_578 = arith.constant 3 : i32
        %parallel_loop3A_579 = arith.index_cast %parallel_loop3A_577 : i32 to index
        %parallel_loop3A_580 = arith.index_cast %parallel_loop3A_578 : i32 to index
        %parallel_loop3A_581 = arith.index_cast %parallel_loop3A_557 : i32 to index
        %parallel_loop3A_582 = tpu.vector_load %arg15[%parallel_loop3A_579, %parallel_loop3A_580, %parallel_loop3A_581] {strides = array<i32>} : memref<11x4x768xf32, #tpu.memory_space<vmem>>, vector<1x1x16xf32>,
        %parallel_loop3A_583 = vector.shape_cast %parallel_loop3A_582 : vector<1x1x16xf32> to vector<16xf32>
        %parallel_loop3A_584 = arith.addf %parallel_loop3A_576, %parallel_loop3A_583 : vector<16xf32>
        %parallel_loop3A_585 = arith.constant 2 : i32
        %parallel_loop3A_586 = arith.constant 3 : i32
        %parallel_loop3A_587 = arith.index_cast %parallel_loop3A_585 : i32 to index
        %parallel_loop3A_588 = arith.index_cast %parallel_loop3A_586 : i32 to index
        %parallel_loop3A_589 = arith.index_cast %parallel_loop3A_557 : i32 to index
        %parallel_loop3A_590 = tpu.vector_load %arg15[%parallel_loop3A_587, %parallel_loop3A_588, %parallel_loop3A_589] {strides = array<i32>} : memref<11x4x768xf32, #tpu.memory_space<vmem>>, vector<1x1x16xf32>,
        %parallel_loop3A_591 = vector.shape_cast %parallel_loop3A_590 : vector<1x1x16xf32> to vector<16xf32>
        %parallel_loop3A_592 = arith.addf %parallel_loop3A_584, %parallel_loop3A_591 : vector<16xf32>
        %parallel_loop3A_593 = arith.constant 3 : i32
        %parallel_loop3A_594 = arith.constant 3 : i32
        %parallel_loop3A_595 = arith.index_cast %parallel_loop3A_593 : i32 to index
        %parallel_loop3A_596 = arith.index_cast %parallel_loop3A_594 : i32 to index
        %parallel_loop3A_597 = arith.index_cast %parallel_loop3A_557 : i32 to index
        %parallel_loop3A_598 = tpu.vector_load %arg15[%parallel_loop3A_595, %parallel_loop3A_596, %parallel_loop3A_597] {strides = array<i32>} : memref<11x4x768xf32, #tpu.memory_space<vmem>>, vector<1x1x16xf32>,
        %parallel_loop3A_599 = vector.shape_cast %parallel_loop3A_598 : vector<1x1x16xf32> to vector<16xf32>
        %parallel_loop3A_600 = arith.addf %parallel_loop3A_592, %parallel_loop3A_599 : vector<16xf32>
        %parallel_loop3A_601 = arith.constant 4 : i32
        %parallel_loop3A_602 = arith.constant 3 : i32
        %parallel_loop3A_603 = arith.index_cast %parallel_loop3A_601 : i32 to index
        %parallel_loop3A_604 = arith.index_cast %parallel_loop3A_602 : i32 to index
        %parallel_loop3A_605 = arith.index_cast %parallel_loop3A_557 : i32 to index
        %parallel_loop3A_606 = tpu.vector_load %arg15[%parallel_loop3A_603, %parallel_loop3A_604, %parallel_loop3A_605] {strides = array<i32>} : memref<11x4x768xf32, #tpu.memory_space<vmem>>, vector<1x1x16xf32>,
        %parallel_loop3A_607 = vector.shape_cast %parallel_loop3A_606 : vector<1x1x16xf32> to vector<16xf32>
        %parallel_loop3A_608 = arith.addf %parallel_loop3A_600, %parallel_loop3A_607 : vector<16xf32>
        %parallel_loop3A_609 = arith.constant 5 : i32
        %parallel_loop3A_610 = arith.constant 3 : i32
        %parallel_loop3A_611 = arith.index_cast %parallel_loop3A_609 : i32 to index
        %parallel_loop3A_612 = arith.index_cast %parallel_loop3A_610 : i32 to index
        %parallel_loop3A_613 = arith.index_cast %parallel_loop3A_557 : i32 to index
        %parallel_loop3A_614 = tpu.vector_load %arg15[%parallel_loop3A_611, %parallel_loop3A_612, %parallel_loop3A_613] {strides = array<i32>} : memref<11x4x768xf32, #tpu.memory_space<vmem>>, vector<1x1x16xf32>,
        %parallel_loop3A_615 = vector.shape_cast %parallel_loop3A_614 : vector<1x1x16xf32> to vector<16xf32>
        %parallel_loop3A_616 = arith.addf %parallel_loop3A_608, %parallel_loop3A_615 : vector<16xf32>
        %parallel_loop3A_617 = arith.constant 6 : i32
        %parallel_loop3A_618 = arith.constant 3 : i32
        %parallel_loop3A_619 = arith.index_cast %parallel_loop3A_617 : i32 to index
        %parallel_loop3A_620 = arith.index_cast %parallel_loop3A_618 : i32 to index
        %parallel_loop3A_621 = arith.index_cast %parallel_loop3A_557 : i32 to index
        %parallel_loop3A_622 = tpu.vector_load %arg15[%parallel_loop3A_619, %parallel_loop3A_620, %parallel_loop3A_621] {strides = array<i32>} : memref<11x4x768xf32, #tpu.memory_space<vmem>>, vector<1x1x16xf32>,
        %parallel_loop3A_623 = vector.shape_cast %parallel_loop3A_622 : vector<1x1x16xf32> to vector<16xf32>
        %parallel_loop3A_624 = arith.addf %parallel_loop3A_616, %parallel_loop3A_623 : vector<16xf32>
        %parallel_loop3A_625 = arith.constant 7 : i32
        %parallel_loop3A_626 = arith.constant 3 : i32
        %parallel_loop3A_627 = arith.index_cast %parallel_loop3A_625 : i32 to index
        %parallel_loop3A_628 = arith.index_cast %parallel_loop3A_626 : i32 to index
        %parallel_loop3A_629 = arith.index_cast %parallel_loop3A_557 : i32 to index
        %parallel_loop3A_630 = tpu.vector_load %arg15[%parallel_loop3A_627, %parallel_loop3A_628, %parallel_loop3A_629] {strides = array<i32>} : memref<11x4x768xf32, #tpu.memory_space<vmem>>, vector<1x1x16xf32>,
        %parallel_loop3A_631 = vector.shape_cast %parallel_loop3A_630 : vector<1x1x16xf32> to vector<16xf32>
        %parallel_loop3A_632 = arith.addf %parallel_loop3A_624, %parallel_loop3A_631 : vector<16xf32>
        %parallel_loop3A_633 = arith.constant 8 : i32
        %parallel_loop3A_634 = arith.constant 3 : i32
        %parallel_loop3A_635 = arith.index_cast %parallel_loop3A_633 : i32 to index
        %parallel_loop3A_636 = arith.index_cast %parallel_loop3A_634 : i32 to index
        %parallel_loop3A_637 = arith.index_cast %parallel_loop3A_557 : i32 to index
        %parallel_loop3A_638 = tpu.vector_load %arg15[%parallel_loop3A_635, %parallel_loop3A_636, %parallel_loop3A_637] {strides = array<i32>} : memref<11x4x768xf32, #tpu.memory_space<vmem>>, vector<1x1x16xf32>,
        %parallel_loop3A_639 = vector.shape_cast %parallel_loop3A_638 : vector<1x1x16xf32> to vector<16xf32>
        %parallel_loop3A_640 = arith.addf %parallel_loop3A_632, %parallel_loop3A_639 : vector<16xf32>
        %parallel_loop3A_641 = arith.constant 9 : i32
        %parallel_loop3A_642 = arith.constant 3 : i32
        %parallel_loop3A_643 = arith.index_cast %parallel_loop3A_641 : i32 to index
        %parallel_loop3A_644 = arith.index_cast %parallel_loop3A_642 : i32 to index
        %parallel_loop3A_645 = arith.index_cast %parallel_loop3A_557 : i32 to index
        %parallel_loop3A_646 = tpu.vector_load %arg15[%parallel_loop3A_643, %parallel_loop3A_644, %parallel_loop3A_645] {strides = array<i32>} : memref<11x4x768xf32, #tpu.memory_space<vmem>>, vector<1x1x16xf32>,
        %parallel_loop3A_647 = vector.shape_cast %parallel_loop3A_646 : vector<1x1x16xf32> to vector<16xf32>
        %parallel_loop3A_648 = arith.addf %parallel_loop3A_640, %parallel_loop3A_647 : vector<16xf32>
        %parallel_loop3A_649 = arith.constant 10 : i32
        %parallel_loop3A_650 = arith.constant 3 : i32
        %parallel_loop3A_651 = arith.index_cast %parallel_loop3A_649 : i32 to index
        %parallel_loop3A_652 = arith.index_cast %parallel_loop3A_650 : i32 to index
        %parallel_loop3A_653 = arith.index_cast %parallel_loop3A_557 : i32 to index
        %parallel_loop3A_654 = tpu.vector_load %arg15[%parallel_loop3A_651, %parallel_loop3A_652, %parallel_loop3A_653] {strides = array<i32>} : memref<11x4x768xf32, #tpu.memory_space<vmem>>, vector<1x1x16xf32>,
        %parallel_loop3A_655 = vector.shape_cast %parallel_loop3A_654 : vector<1x1x16xf32> to vector<16xf32>
        %parallel_loop3A_656 = arith.addf %parallel_loop3A_648, %parallel_loop3A_655 : vector<16xf32>
        %parallel_loop3A_657 = arith.constant 0 : i32
        %parallel_loop3A_658 = arith.index_cast %parallel_loop3A_657 : i32 to index
        %parallel_loop3A_659 = arith.index_cast %parallel_loop3A_557 : i32 to index
        %parallel_loop3A_660 = tpu.vector_load %arg18[%parallel_loop3A_658, %parallel_loop3A_659] {strides = array<i32>} : memref<2x768xf32, #tpu.memory_space<vmem>>, vector<1x16xf32>,
        %parallel_loop3A_661 = vector.shape_cast %parallel_loop3A_660 : vector<1x16xf32> to vector<16xf32>
        %parallel_loop3A_662 = arith.constant 1 : i32
        %parallel_loop3A_663 = arith.index_cast %parallel_loop3A_662 : i32 to index
        %parallel_loop3A_664 = arith.index_cast %parallel_loop3A_557 : i32 to index
        %parallel_loop3A_665 = tpu.vector_load %arg18[%parallel_loop3A_663, %parallel_loop3A_664] {strides = array<i32>} : memref<2x768xf32, #tpu.memory_space<vmem>>, vector<1x16xf32>,
        %parallel_loop3A_666 = vector.shape_cast %parallel_loop3A_665 : vector<1x16xf32> to vector<16xf32>
        %parallel_loop3A_667 = arith.select %parallel_loop3A_569, %parallel_loop3A_666, %parallel_loop3A_661 : vector<16xi1>, vector<16xf32>
        %parallel_loop3A_668 = arith.addf %parallel_loop3A_656, %parallel_loop3A_667 : vector<16xf32>
        %parallel_loop3A_669 = arith.constant 3 : i32
        %parallel_loop3A_670 = arith.index_cast %parallel_loop3A_669 : i32 to index
        %parallel_loop3A_671 = arith.index_cast %parallel_loop3A_557 : i32 to index
        %parallel_loop3A_672 = tpu.vector_load %arg17[%parallel_loop3A_670, %parallel_loop3A_671] {strides = array<i32>} : memref<4x768xf32, #tpu.memory_space<vmem>>, vector<1x16xf32>,
        %parallel_loop3A_673 = vector.shape_cast %parallel_loop3A_672 : vector<1x16xf32> to vector<16xf32>
        %parallel_loop3A_674 = vector.shape_cast %parallel_loop3A_668 : vector<16xf32> to vector<1x16xf32>
        tpu.vector_store %arg17[%parallel_loop3A_670, %parallel_loop3A_671], %parallel_loop3A_674 {strides = array<i32>} : memref<4x768xf32, #tpu.memory_space<vmem>>, vector<1x16xf32>,
      } {sc.loop_unroll_factor = 2 : i64, sc.parallel_access}
      %mul3A_348 = arith.constant 4 : i32
      %mul3A_349 = arith.muli %mul3A_162, %mul3A_348 : i32
      %add3A_350 = arith.addi %mul3A_2, %mul3A_349 : i32
      %dma_start3A_351 = arith.constant 0 : i32
      %dma_start3A_352 = tpu.memref_slice %arg12[%add3A_350, %dma_start3A_351] : memref<8192x768xf32, #tpu.memory_space<hbm>> -> memref<4x768xf32, #tpu.memory_space<hbm>>
      %dma_start3A_353 = arith.constant 0 : i32
      %dma_start3A_354 = tpu.memref_slice %arg12[%add3A_350, %dma_start3A_353] : memref<8192x768xf32, #tpu.memory_space<hbm>> -> memref<4x768xf32, #tpu.memory_space<hbm>>
      tpu.enqueue_dma source(%arg17 : memref<4x768xf32, #tpu.memory_space<vmem>>) target(%dma_start3A_354 : memref<4x768xf32, #tpu.memory_space<hbm>>) target_semaphore(%arg21 : memref<!tpu.dma_semaphore, #tpu.memory_space<semaphore_mem>>)
      %add3A_355 = arith.constant 1 : i32
      %add3A_356 = arith.addi %mul3A_162, %add3A_355 : i32
      %add3A_357 = arith.constant 1 : i32
      %add3A_358 = arith.addi %add3A_356, %add3A_357 : i32
      %lt3A_359 = arith.constant 64 : i32
      %lt3A_360 = arith.cmpi slt, %add3A_358, %lt3A_359 : i32
      %convert_element_type3A_361 = arith.extui %lt3A_360 : i1 to i32
      %cond3A_362 = arith.constant 0 : i32
      %cond3A_363 = arith.cmpi ne, %convert_element_type3A_361, %cond3A_362 : i32
      scf.if %cond3A_363 {
        %add3A_555 = arith.constant 1 : i32
        %add3A_556 = arith.addi %add3A_356, %add3A_555 : i32
        %mul3A_557 = arith.constant 4 : i32
        %mul3A_558 = arith.muli %add3A_556, %mul3A_557 : i32
        %add3A_559 = arith.addi %select_n3A_11, %mul3A_558 : i32
        %dma_start3A_560 = arith.constant 10 : i32
        %dma_start3A_561 = arith.constant 0 : i32
        %dma_start3A_562 = arith.constant 0 : i32
        %dma_start3A_563 = tpu.memref_slice %arg15[%dma_start3A_560, %dma_start3A_561, %dma_start3A_562] : memref<11x4x768xf32, #tpu.memory_space<vmem>> -> memref<1x4x768xf32, #tpu.memory_space<vmem>>
        %dma_start3A_564 = tpu.memref_squeeze %dma_start3A_563 : memref<1x4x768xf32, #tpu.memory_space<vmem>> -> memref<4x768xf32, #tpu.memory_space<vmem>>
        %dma_start3A_565 = arith.constant 0 : i32
        %dma_start3A_566 = tpu.memref_slice %arg11[%add3A_559, %dma_start3A_565] : memref<2048x768xf32, #tpu.memory_space<hbm>> -> memref<4x768xf32, #tpu.memory_space<hbm>>
        %dma_start3A_567 = arith.constant 0 : i32
        %dma_start3A_568 = arith.constant 0 : i32
        %dma_start3A_569 = tpu.memref_slice %arg15[%dma_start3A_560, %dma_start3A_567, %dma_start3A_568] : memref<11x4x768xf32, #tpu.memory_space<vmem>> -> memref<1x4x768xf32, #tpu.memory_space<vmem>>
        %dma_start3A_570 = tpu.memref_squeeze %dma_start3A_569 : memref<1x4x768xf32, #tpu.memory_space<vmem>> -> memref<4x768xf32, #tpu.memory_space<vmem>>
        %dma_start3A_571 = arith.constant 0 : i32
        %dma_start3A_572 = tpu.memref_slice %arg11[%add3A_559, %dma_start3A_571] : memref<2048x768xf32, #tpu.memory_space<hbm>> -> memref<4x768xf32, #tpu.memory_space<hbm>>
        tpu.enqueue_dma source(%dma_start3A_572 : memref<4x768xf32, #tpu.memory_space<hbm>>) target(%dma_start3A_570 : memref<4x768xf32, #tpu.memory_space<vmem>>) target_semaphore(%arg19 : memref<!tpu.dma_semaphore, #tpu.memory_space<semaphore_mem>>)
        %mul3A_573 = arith.constant 4 : i32
        %mul3A_574 = arith.muli %add3A_556, %mul3A_573 : i32
        %dma_start3A_575 = arith.constant 0 : i32
        %dma_start3A_576 = arith.constant 0 : i32
        %dma_start3A_577 = arith.constant 0 : i32
        %dma_start3A_578 = arith.constant 0 : i32
        %dma_start3A_579 = tpu.memref_slice %arg15[%dma_start3A_576, %dma_start3A_577, %dma_start3A_578] : memref<11x4x768xf32, #tpu.memory_space<vmem>> -> memref<1x4x768xf32, #tpu.memory_space<vmem>>
        %dma_start3A_580 = tpu.memref_squeeze %dma_start3A_579 : memref<1x4x768xf32, #tpu.memory_space<vmem>> -> memref<4x768xf32, #tpu.memory_space<vmem>>
        %dma_start3A_581 = tpu.memref_slice %arg13[%dma_start3A_575, %mul3A_574] : memref<10x256xi32, #tpu.memory_space<vmem>> -> memref<1x4xi32, #tpu.memory_space<vmem>>
        %dma_start3A_582 = tpu.memref_squeeze %dma_start3A_581 : memref<1x4xi32, #tpu.memory_space<vmem>> -> memref<4xi32, #tpu.memory_space<vmem>>
        %dma_start3A_583 = arith.constant 0 : i32
        %dma_start3A_584 = arith.constant 0 : i32
        %dma_start3A_585 = tpu.memref_slice %arg4[%dma_start3A_583, %dma_start3A_584] : memref<50000x768xf32, #tpu.memory_space<hbm>> -> memref<50000x768xf32, #tpu.memory_space<hbm>>
        tpu.enqueue_indirect_dma source(%dma_start3A_585 : memref<50000x768xf32, #tpu.memory_space<hbm>>) target(%dma_start3A_580 : memref<4x768xf32, #tpu.memory_space<vmem>>) offsets(%dma_start3A_582 : memref<4xi32, #tpu.memory_space<vmem>>) semaphore(%arg19 : memref<!tpu.dma_semaphore, #tpu.memory_space<semaphore_mem>>)
        %mul3A_586 = arith.constant 4 : i32
        %mul3A_587 = arith.muli %add3A_556, %mul3A_586 : i32
        %dma_start3A_588 = arith.constant 1 : i32
        %dma_start3A_589 = arith.constant 1 : i32
        %dma_start3A_590 = arith.constant 0 : i32
        %dma_start3A_591 = arith.constant 0 : i32
        %dma_start3A_592 = tpu.memref_slice %arg15[%dma_start3A_589, %dma_start3A_590, %dma_start3A_591] : memref<11x4x768xf32, #tpu.memory_space<vmem>> -> memref<1x4x768xf32, #tpu.memory_space<vmem>>
        %dma_start3A_593 = tpu.memref_squeeze %dma_start3A_592 : memref<1x4x768xf32, #tpu.memory_space<vmem>> -> memref<4x768xf32, #tpu.memory_space<vmem>>
        %dma_start3A_594 = tpu.memref_slice %arg13[%dma_start3A_588, %mul3A_587] : memref<10x256xi32, #tpu.memory_space<vmem>> -> memref<1x4xi32, #tpu.memory_space<vmem>>
        %dma_start3A_595 = tpu.memref_squeeze %dma_start3A_594 : memref<1x4xi32, #tpu.memory_space<vmem>> -> memref<4xi32, #tpu.memory_space<vmem>>
        %dma_start3A_596 = arith.constant 0 : i32
        %dma_start3A_597 = arith.constant 0 : i32
        %dma_start3A_598 = tpu.memref_slice %arg5[%dma_start3A_596, %dma_start3A_597] : memref<8128x768xf32, #tpu.memory_space<hbm>> -> memref<8128x768xf32, #tpu.memory_space<hbm>>
        tpu.enqueue_indirect_dma source(%dma_start3A_598 : memref<8128x768xf32, #tpu.memory_space<hbm>>) target(%dma_start3A_593 : memref<4x768xf32, #tpu.memory_space<vmem>>) offsets(%dma_start3A_595 : memref<4xi32, #tpu.memory_space<vmem>>) semaphore(%arg19 : memref<!tpu.dma_semaphore, #tpu.memory_space<semaphore_mem>>)
        %mul3A_599 = arith.constant 4 : i32
        %mul3A_600 = arith.muli %add3A_556, %mul3A_599 : i32
        %dma_start3A_601 = arith.constant 2 : i32
        %dma_start3A_602 = arith.constant 2 : i32
        %dma_start3A_603 = arith.constant 0 : i32
        %dma_start3A_604 = arith.constant 0 : i32
        %dma_start3A_605 = tpu.memref_slice %arg15[%dma_start3A_602, %dma_start3A_603, %dma_start3A_604] : memref<11x4x768xf32, #tpu.memory_space<vmem>> -> memref<1x4x768xf32, #tpu.memory_space<vmem>>
        %dma_start3A_606 = tpu.memref_squeeze %dma_start3A_605 : memref<1x4x768xf32, #tpu.memory_space<vmem>> -> memref<4x768xf32, #tpu.memory_space<vmem>>
        %dma_start3A_607 = tpu.memref_slice %arg13[%dma_start3A_601, %mul3A_600] : memref<10x256xi32, #tpu.memory_space<vmem>> -> memref<1x4xi32, #tpu.memory_space<vmem>>
        %dma_start3A_608 = tpu.memref_squeeze %dma_start3A_607 : memref<1x4xi32, #tpu.memory_space<vmem>> -> memref<4xi32, #tpu.memory_space<vmem>>
        %dma_start3A_609 = arith.constant 0 : i32
        %dma_start3A_610 = arith.constant 0 : i32
        %dma_start3A_611 = tpu.memref_slice %arg5[%dma_start3A_609, %dma_start3A_610] : memref<8128x768xf32, #tpu.memory_space<hbm>> -> memref<8128x768xf32, #tpu.memory_space<hbm>>
        tpu.enqueue_indirect_dma source(%dma_start3A_611 : memref<8128x768xf32, #tpu.memory_space<hbm>>) target(%dma_start3A_606 : memref<4x768xf32, #tpu.memory_space<vmem>>) offsets(%dma_start3A_608 : memref<4xi32, #tpu.memory_space<vmem>>) semaphore(%arg19 : memref<!tpu.dma_semaphore, #tpu.memory_space<semaphore_mem>>)
        %mul3A_612 = arith.constant 4 : i32
        %mul3A_613 = arith.muli %add3A_556, %mul3A_612 : i32
        %dma_start3A_614 = arith.constant 3 : i32
        %dma_start3A_615 = arith.constant 3 : i32
        %dma_start3A_616 = arith.constant 0 : i32
        %dma_start3A_617 = arith.constant 0 : i32
        %dma_start3A_618 = tpu.memref_slice %arg15[%dma_start3A_615, %dma_start3A_616, %dma_start3A_617] : memref<11x4x768xf32, #tpu.memory_space<vmem>> -> memref<1x4x768xf32, #tpu.memory_space<vmem>>
        %dma_start3A_619 = tpu.memref_squeeze %dma_start3A_618 : memref<1x4x768xf32, #tpu.memory_space<vmem>> -> memref<4x768xf32, #tpu.memory_space<vmem>>
        %dma_start3A_620 = tpu.memref_slice %arg13[%dma_start3A_614, %mul3A_613] : memref<10x256xi32, #tpu.memory_space<vmem>> -> memref<1x4xi32, #tpu.memory_space<vmem>>
        %dma_start3A_621 = tpu.memref_squeeze %dma_start3A_620 : memref<1x4xi32, #tpu.memory_space<vmem>> -> memref<4xi32, #tpu.memory_space<vmem>>
        %dma_start3A_622 = arith.constant 0 : i32
        %dma_start3A_623 = arith.constant 0 : i32
        %dma_start3A_624 = tpu.memref_slice %arg6[%dma_start3A_622, %dma_start3A_623] : memref<8128x768xf32, #tpu.memory_space<hbm>> -> memref<8128x768xf32, #tpu.memory_space<hbm>>
        tpu.enqueue_indirect_dma source(%dma_start3A_624 : memref<8128x768xf32, #tpu.memory_space<hbm>>) target(%dma_start3A_619 : memref<4x768xf32, #tpu.memory_space<vmem>>) offsets(%dma_start3A_621 : memref<4xi32, #tpu.memory_space<vmem>>) semaphore(%arg19 : memref<!tpu.dma_semaphore, #tpu.memory_space<semaphore_mem>>)
        %mul3A_625 = arith.constant 4 : i32
        %mul3A_626 = arith.muli %add3A_556, %mul3A_625 : i32
        %dma_start3A_627 = arith.constant 4 : i32
        %dma_start3A_628 = arith.constant 4 : i32
        %dma_start3A_629 = arith.constant 0 : i32
        %dma_start3A_630 = arith.constant 0 : i32
        %dma_start3A_631 = tpu.memref_slice %arg15[%dma_start3A_628, %dma_start3A_629, %dma_start3A_630] : memref<11x4x768xf32, #tpu.memory_space<vmem>> -> memref<1x4x768xf32, #tpu.memory_space<vmem>>
        %dma_start3A_632 = tpu.memref_squeeze %dma_start3A_631 : memref<1x4x768xf32, #tpu.memory_space<vmem>> -> memref<4x768xf32, #tpu.memory_space<vmem>>
        %dma_start3A_633 = tpu.memref_slice %arg13[%dma_start3A_627, %mul3A_626] : memref<10x256xi32, #tpu.memory_space<vmem>> -> memref<1x4xi32, #tpu.memory_space<vmem>>
        %dma_start3A_634 = tpu.memref_squeeze %dma_start3A_633 : memref<1x4xi32, #tpu.memory_space<vmem>> -> memref<4xi32, #tpu.memory_space<vmem>>
        %dma_start3A_635 = arith.constant 0 : i32
        %dma_start3A_636 = arith.constant 0 : i32
        %dma_start3A_637 = tpu.memref_slice %arg6[%dma_start3A_635, %dma_start3A_636] : memref<8128x768xf32, #tpu.memory_space<hbm>> -> memref<8128x768xf32, #tpu.memory_space<hbm>>
        tpu.enqueue_indirect_dma source(%dma_start3A_637 : memref<8128x768xf32, #tpu.memory_space<hbm>>) target(%dma_start3A_632 : memref<4x768xf32, #tpu.memory_space<vmem>>) offsets(%dma_start3A_634 : memref<4xi32, #tpu.memory_space<vmem>>) semaphore(%arg19 : memref<!tpu.dma_semaphore, #tpu.memory_space<semaphore_mem>>)
        %mul3A_638 = arith.constant 4 : i32
        %mul3A_639 = arith.muli %add3A_556, %mul3A_638 : i32
        %dma_start3A_640 = arith.constant 5 : i32
        %dma_start3A_641 = arith.constant 5 : i32
        %dma_start3A_642 = arith.constant 0 : i32
        %dma_start3A_643 = arith.constant 0 : i32
        %dma_start3A_644 = tpu.memref_slice %arg15[%dma_start3A_641, %dma_start3A_642, %dma_start3A_643] : memref<11x4x768xf32, #tpu.memory_space<vmem>> -> memref<1x4x768xf32, #tpu.memory_space<vmem>>
        %dma_start3A_645 = tpu.memref_squeeze %dma_start3A_644 : memref<1x4x768xf32, #tpu.memory_space<vmem>> -> memref<4x768xf32, #tpu.memory_space<vmem>>
        %dma_start3A_646 = tpu.memref_slice %arg13[%dma_start3A_640, %mul3A_639] : memref<10x256xi32, #tpu.memory_space<vmem>> -> memref<1x4xi32, #tpu.memory_space<vmem>>
        %dma_start3A_647 = tpu.memref_squeeze %dma_start3A_646 : memref<1x4xi32, #tpu.memory_space<vmem>> -> memref<4xi32, #tpu.memory_space<vmem>>
        %dma_start3A_648 = arith.constant 0 : i32
        %dma_start3A_649 = arith.constant 0 : i32
        %dma_start3A_650 = tpu.memref_slice %arg7[%dma_start3A_648, %dma_start3A_649] : memref<8128x768xf32, #tpu.memory_space<hbm>> -> memref<8128x768xf32, #tpu.memory_space<hbm>>
        tpu.enqueue_indirect_dma source(%dma_start3A_650 : memref<8128x768xf32, #tpu.memory_space<hbm>>) target(%dma_start3A_645 : memref<4x768xf32, #tpu.memory_space<vmem>>) offsets(%dma_start3A_647 : memref<4xi32, #tpu.memory_space<vmem>>) semaphore(%arg19 : memref<!tpu.dma_semaphore, #tpu.memory_space<semaphore_mem>>)
        %mul3A_651 = arith.constant 4 : i32
        %mul3A_652 = arith.muli %add3A_556, %mul3A_651 : i32
        %dma_start3A_653 = arith.constant 6 : i32
        %dma_start3A_654 = arith.constant 6 : i32
        %dma_start3A_655 = arith.constant 0 : i32
        %dma_start3A_656 = arith.constant 0 : i32
        %dma_start3A_657 = tpu.memref_slice %arg15[%dma_start3A_654, %dma_start3A_655, %dma_start3A_656] : memref<11x4x768xf32, #tpu.memory_space<vmem>> -> memref<1x4x768xf32, #tpu.memory_space<vmem>>
        %dma_start3A_658 = tpu.memref_squeeze %dma_start3A_657 : memref<1x4x768xf32, #tpu.memory_space<vmem>> -> memref<4x768xf32, #tpu.memory_space<vmem>>
        %dma_start3A_659 = tpu.memref_slice %arg13[%dma_start3A_653, %mul3A_652] : memref<10x256xi32, #tpu.memory_space<vmem>> -> memref<1x4xi32, #tpu.memory_space<vmem>>
        %dma_start3A_660 = tpu.memref_squeeze %dma_start3A_659 : memref<1x4xi32, #tpu.memory_space<vmem>> -> memref<4xi32, #tpu.memory_space<vmem>>
        %dma_start3A_661 = arith.constant 0 : i32
        %dma_start3A_662 = arith.constant 0 : i32
        %dma_start3A_663 = tpu.memref_slice %arg7[%dma_start3A_661, %dma_start3A_662] : memref<8128x768xf32, #tpu.memory_space<hbm>> -> memref<8128x768xf32, #tpu.memory_space<hbm>>
        tpu.enqueue_indirect_dma source(%dma_start3A_663 : memref<8128x768xf32, #tpu.memory_space<hbm>>) target(%dma_start3A_658 : memref<4x768xf32, #tpu.memory_space<vmem>>) offsets(%dma_start3A_660 : memref<4xi32, #tpu.memory_space<vmem>>) semaphore(%arg19 : memref<!tpu.dma_semaphore, #tpu.memory_space<semaphore_mem>>)
        %mul3A_664 = arith.constant 4 : i32
        %mul3A_665 = arith.muli %add3A_556, %mul3A_664 : i32
        %dma_start3A_666 = arith.constant 7 : i32
        %dma_start3A_667 = arith.constant 7 : i32
        %dma_start3A_668 = arith.constant 0 : i32
        %dma_start3A_669 = arith.constant 0 : i32
        %dma_start3A_670 = tpu.memref_slice %arg15[%dma_start3A_667, %dma_start3A_668, %dma_start3A_669] : memref<11x4x768xf32, #tpu.memory_space<vmem>> -> memref<1x4x768xf32, #tpu.memory_space<vmem>>
        %dma_start3A_671 = tpu.memref_squeeze %dma_start3A_670 : memref<1x4x768xf32, #tpu.memory_space<vmem>> -> memref<4x768xf32, #tpu.memory_space<vmem>>
        %dma_start3A_672 = tpu.memref_slice %arg13[%dma_start3A_666, %mul3A_665] : memref<10x256xi32, #tpu.memory_space<vmem>> -> memref<1x4xi32, #tpu.memory_space<vmem>>
        %dma_start3A_673 = tpu.memref_squeeze %dma_start3A_672 : memref<1x4xi32, #tpu.memory_space<vmem>> -> memref<4xi32, #tpu.memory_space<vmem>>
        %dma_start3A_674 = arith.constant 0 : i32
        %dma_start3A_675 = arith.constant 0 : i32
        %dma_start3A_676 = tpu.memref_slice %arg8[%dma_start3A_674, %dma_start3A_675] : memref<8128x768xf32, #tpu.memory_space<hbm>> -> memref<8128x768xf32, #tpu.memory_space<hbm>>
        tpu.enqueue_indirect_dma source(%dma_start3A_676 : memref<8128x768xf32, #tpu.memory_space<hbm>>) target(%dma_start3A_671 : memref<4x768xf32, #tpu.memory_space<vmem>>) offsets(%dma_start3A_673 : memref<4xi32, #tpu.memory_space<vmem>>) semaphore(%arg19 : memref<!tpu.dma_semaphore, #tpu.memory_space<semaphore_mem>>)
        %mul3A_677 = arith.constant 4 : i32
        %mul3A_678 = arith.muli %add3A_556, %mul3A_677 : i32
        %dma_start3A_679 = arith.constant 8 : i32
        %dma_start3A_680 = arith.constant 8 : i32
        %dma_start3A_681 = arith.constant 0 : i32
        %dma_start3A_682 = arith.constant 0 : i32
        %dma_start3A_683 = tpu.memref_slice %arg15[%dma_start3A_680, %dma_start3A_681, %dma_start3A_682] : memref<11x4x768xf32, #tpu.memory_space<vmem>> -> memref<1x4x768xf32, #tpu.memory_space<vmem>>
        %dma_start3A_684 = tpu.memref_squeeze %dma_start3A_683 : memref<1x4x768xf32, #tpu.memory_space<vmem>> -> memref<4x768xf32, #tpu.memory_space<vmem>>
        %dma_start3A_685 = tpu.memref_slice %arg13[%dma_start3A_679, %mul3A_678] : memref<10x256xi32, #tpu.memory_space<vmem>> -> memref<1x4xi32, #tpu.memory_space<vmem>>
        %dma_start3A_686 = tpu.memref_squeeze %dma_start3A_685 : memref<1x4xi32, #tpu.memory_space<vmem>> -> memref<4xi32, #tpu.memory_space<vmem>>
        %dma_start3A_687 = arith.constant 0 : i32
        %dma_start3A_688 = arith.constant 0 : i32
        %dma_start3A_689 = tpu.memref_slice %arg8[%dma_start3A_687, %dma_start3A_688] : memref<8128x768xf32, #tpu.memory_space<hbm>> -> memref<8128x768xf32, #tpu.memory_space<hbm>>
        tpu.enqueue_indirect_dma source(%dma_start3A_689 : memref<8128x768xf32, #tpu.memory_space<hbm>>) target(%dma_start3A_684 : memref<4x768xf32, #tpu.memory_space<vmem>>) offsets(%dma_start3A_686 : memref<4xi32, #tpu.memory_space<vmem>>) semaphore(%arg19 : memref<!tpu.dma_semaphore, #tpu.memory_space<semaphore_mem>>)
        %mul3A_690 = arith.constant 4 : i32
        %mul3A_691 = arith.muli %add3A_556, %mul3A_690 : i32
        %dma_start3A_692 = arith.constant 9 : i32
        %dma_start3A_693 = arith.constant 9 : i32
        %dma_start3A_694 = arith.constant 0 : i32
        %dma_start3A_695 = arith.constant 0 : i32
        %dma_start3A_696 = tpu.memref_slice %arg15[%dma_start3A_693, %dma_start3A_694, %dma_start3A_695] : memref<11x4x768xf32, #tpu.memory_space<vmem>> -> memref<1x4x768xf32, #tpu.memory_space<vmem>>
        %dma_start3A_697 = tpu.memref_squeeze %dma_start3A_696 : memref<1x4x768xf32, #tpu.memory_space<vmem>> -> memref<4x768xf32, #tpu.memory_space<vmem>>
        %dma_start3A_698 = tpu.memref_slice %arg13[%dma_start3A_692, %mul3A_691] : memref<10x256xi32, #tpu.memory_space<vmem>> -> memref<1x4xi32, #tpu.memory_space<vmem>>
        %dma_start3A_699 = tpu.memref_squeeze %dma_start3A_698 : memref<1x4xi32, #tpu.memory_space<vmem>> -> memref<4xi32, #tpu.memory_space<vmem>>
        %dma_start3A_700 = arith.constant 0 : i32
        %dma_start3A_701 = arith.constant 0 : i32
        %dma_start3A_702 = tpu.memref_slice %arg9[%dma_start3A_700, %dma_start3A_701] : memref<8128x768xf32, #tpu.memory_space<hbm>> -> memref<8128x768xf32, #tpu.memory_space<hbm>>
        tpu.enqueue_indirect_dma source(%dma_start3A_702 : memref<8128x768xf32, #tpu.memory_space<hbm>>) target(%dma_start3A_697 : memref<4x768xf32, #tpu.memory_space<vmem>>) offsets(%dma_start3A_699 : memref<4xi32, #tpu.memory_space<vmem>>) semaphore(%arg19 : memref<!tpu.dma_semaphore, #tpu.memory_space<semaphore_mem>>)
      } else {
      }
      %dma_wait3A_364 = arith.constant 0 : i32
      %dma_wait3A_365 = arith.constant 0 : i32
      %dma_wait3A_366 = arith.constant 0 : i32
      %dma_wait3A_367 = tpu.memref_slice %arg16[%dma_wait3A_364, %dma_wait3A_365, %dma_wait3A_366] : memref<11x4x768xf32, #tpu.memory_space<vmem>> -> memref<1x4x768xf32, #tpu.memory_space<vmem>>
      %dma_wait3A_368 = tpu.memref_squeeze %dma_wait3A_367 : memref<1x4x768xf32, #tpu.memory_space<vmem>> -> memref<4x768xf32, #tpu.memory_space<vmem>>
      %dma_wait3A_369 = arith.constant 0 : i32
      %dma_wait3A_370 = arith.constant 0 : i32
      %dma_wait3A_371 = tpu.memref_slice %arg11[%dma_wait3A_369, %dma_wait3A_370] : memref<2048x768xf32, #tpu.memory_space<hbm>> -> memref<4x768xf32, #tpu.memory_space<hbm>>
      %dma_wait3A_372 = arith.constant 0 : i32
      %dma_wait3A_373 = arith.constant 0 : i32
      %dma_wait3A_374 = tpu.memref_slice %arg16[%dma_wait3A_364, %dma_wait3A_372, %dma_wait3A_373] : memref<11x4x768xf32, #tpu.memory_space<vmem>> -> memref<1x4x768xf32, #tpu.memory_space<vmem>>
      %dma_wait3A_375 = tpu.memref_squeeze %dma_wait3A_374 : memref<1x4x768xf32, #tpu.memory_space<vmem>> -> memref<4x768xf32, #tpu.memory_space<vmem>>
      %dma_wait3A_376 = arith.constant 0 : i32
      %dma_wait3A_377 = arith.constant 0 : i32
      %dma_wait3A_378 = tpu.memref_slice %arg11[%dma_wait3A_376, %dma_wait3A_377] : memref<2048x768xf32, #tpu.memory_space<hbm>> -> memref<4x768xf32, #tpu.memory_space<hbm>>
      tpu.wait_dma2 semaphore(%arg20 : memref<!tpu.dma_semaphore, #tpu.memory_space<semaphore_mem>>) src(%dma_wait3A_378 : memref<4x768xf32, #tpu.memory_space<hbm>>) dst(%dma_wait3A_375 : memref<4x768xf32, #tpu.memory_space<vmem>>)
      %dma_wait3A_379 = arith.constant 0 : i32
      %dma_wait3A_380 = arith.constant 0 : i32
      %dma_wait3A_381 = arith.constant 0 : i32
      %dma_wait3A_382 = tpu.memref_slice %arg16[%dma_wait3A_379, %dma_wait3A_380, %dma_wait3A_381] : memref<11x4x768xf32, #tpu.memory_space<vmem>> -> memref<1x4x768xf32, #tpu.memory_space<vmem>>
      %dma_wait3A_383 = tpu.memref_squeeze %dma_wait3A_382 : memref<1x4x768xf32, #tpu.memory_space<vmem>> -> memref<4x768xf32, #tpu.memory_space<vmem>>
      %dma_wait3A_384 = arith.constant 0 : i32
      %dma_wait3A_385 = arith.constant 0 : i32
      %dma_wait3A_386 = tpu.memref_slice %arg11[%dma_wait3A_384, %dma_wait3A_385] : memref<2048x768xf32, #tpu.memory_space<hbm>> -> memref<4x768xf32, #tpu.memory_space<hbm>>
      %dma_wait3A_387 = arith.constant 0 : i32
      %dma_wait3A_388 = arith.constant 0 : i32
      %dma_wait3A_389 = tpu.memref_slice %arg16[%dma_wait3A_379, %dma_wait3A_387, %dma_wait3A_388] : memref<11x4x768xf32, #tpu.memory_space<vmem>> -> memref<1x4x768xf32, #tpu.memory_space<vmem>>
      %dma_wait3A_390 = tpu.memref_squeeze %dma_wait3A_389 : memref<1x4x768xf32, #tpu.memory_space<vmem>> -> memref<4x768xf32, #tpu.memory_space<vmem>>
      %dma_wait3A_391 = arith.constant 0 : i32
      %dma_wait3A_392 = arith.constant 0 : i32
      %dma_wait3A_393 = tpu.memref_slice %arg11[%dma_wait3A_391, %dma_wait3A_392] : memref<2048x768xf32, #tpu.memory_space<hbm>> -> memref<4x768xf32, #tpu.memory_space<hbm>>
      tpu.wait_dma2 semaphore(%arg20 : memref<!tpu.dma_semaphore, #tpu.memory_space<semaphore_mem>>) src(%dma_wait3A_393 : memref<4x768xf32, #tpu.memory_space<hbm>>) dst(%dma_wait3A_390 : memref<4x768xf32, #tpu.memory_space<vmem>>)
      %dma_wait3A_394 = arith.constant 0 : i32
      %dma_wait3A_395 = arith.constant 0 : i32
      %dma_wait3A_396 = arith.constant 0 : i32
      %dma_wait3A_397 = tpu.memref_slice %arg16[%dma_wait3A_394, %dma_wait3A_395, %dma_wait3A_396] : memref<11x4x768xf32, #tpu.memory_space<vmem>> -> memref<1x4x768xf32, #tpu.memory_space<vmem>>
      %dma_wait3A_398 = tpu.memref_squeeze %dma_wait3A_397 : memref<1x4x768xf32, #tpu.memory_space<vmem>> -> memref<4x768xf32, #tpu.memory_space<vmem>>
      %dma_wait3A_399 = arith.constant 0 : i32
      %dma_wait3A_400 = arith.constant 0 : i32
      %dma_wait3A_401 = tpu.memref_slice %arg11[%dma_wait3A_399, %dma_wait3A_400] : memref<2048x768xf32, #tpu.memory_space<hbm>> -> memref<4x768xf32, #tpu.memory_space<hbm>>
      %dma_wait3A_402 = arith.constant 0 : i32
      %dma_wait3A_403 = arith.constant 0 : i32
      %dma_wait3A_404 = tpu.memref_slice %arg16[%dma_wait3A_394, %dma_wait3A_402, %dma_wait3A_403] : memref<11x4x768xf32, #tpu.memory_space<vmem>> -> memref<1x4x768xf32, #tpu.memory_space<vmem>>
      %dma_wait3A_405 = tpu.memref_squeeze %dma_wait3A_404 : memref<1x4x768xf32, #tpu.memory_space<vmem>> -> memref<4x768xf32, #tpu.memory_space<vmem>>
      %dma_wait3A_406 = arith.constant 0 : i32
      %dma_wait3A_407 = arith.constant 0 : i32
      %dma_wait3A_408 = tpu.memref_slice %arg11[%dma_wait3A_406, %dma_wait3A_407] : memref<2048x768xf32, #tpu.memory_space<hbm>> -> memref<4x768xf32, #tpu.memory_space<hbm>>
      tpu.wait_dma2 semaphore(%arg20 : memref<!tpu.dma_semaphore, #tpu.memory_space<semaphore_mem>>) src(%dma_wait3A_408 : memref<4x768xf32, #tpu.memory_space<hbm>>) dst(%dma_wait3A_405 : memref<4x768xf32, #tpu.memory_space<vmem>>)
      %dma_wait3A_409 = arith.constant 0 : i32
      %dma_wait3A_410 = arith.constant 0 : i32
      %dma_wait3A_411 = arith.constant 0 : i32
      %dma_wait3A_412 = tpu.memref_slice %arg16[%dma_wait3A_409, %dma_wait3A_410, %dma_wait3A_411] : memref<11x4x768xf32, #tpu.memory_space<vmem>> -> memref<1x4x768xf32, #tpu.memory_space<vmem>>
      %dma_wait3A_413 = tpu.memref_squeeze %dma_wait3A_412 : memref<1x4x768xf32, #tpu.memory_space<vmem>> -> memref<4x768xf32, #tpu.memory_space<vmem>>
      %dma_wait3A_414 = arith.constant 0 : i32
      %dma_wait3A_415 = arith.constant 0 : i32
      %dma_wait3A_416 = tpu.memref_slice %arg11[%dma_wait3A_414, %dma_wait3A_415] : memref<2048x768xf32, #tpu.memory_space<hbm>> -> memref<4x768xf32, #tpu.memory_space<hbm>>
      %dma_wait3A_417 = arith.constant 0 : i32
      %dma_wait3A_418 = arith.constant 0 : i32
      %dma_wait3A_419 = tpu.memref_slice %arg16[%dma_wait3A_409, %dma_wait3A_417, %dma_wait3A_418] : memref<11x4x768xf32, #tpu.memory_space<vmem>> -> memref<1x4x768xf32, #tpu.memory_space<vmem>>
      %dma_wait3A_420 = tpu.memref_squeeze %dma_wait3A_419 : memref<1x4x768xf32, #tpu.memory_space<vmem>> -> memref<4x768xf32, #tpu.memory_space<vmem>>
      %dma_wait3A_421 = arith.constant 0 : i32
      %dma_wait3A_422 = arith.constant 0 : i32
      %dma_wait3A_423 = tpu.memref_slice %arg11[%dma_wait3A_421, %dma_wait3A_422] : memref<2048x768xf32, #tpu.memory_space<hbm>> -> memref<4x768xf32, #tpu.memory_space<hbm>>
      tpu.wait_dma2 semaphore(%arg20 : memref<!tpu.dma_semaphore, #tpu.memory_space<semaphore_mem>>) src(%dma_wait3A_423 : memref<4x768xf32, #tpu.memory_space<hbm>>) dst(%dma_wait3A_420 : memref<4x768xf32, #tpu.memory_space<vmem>>)
      %dma_wait3A_424 = arith.constant 0 : i32
      %dma_wait3A_425 = arith.constant 0 : i32
      %dma_wait3A_426 = arith.constant 0 : i32
      %dma_wait3A_427 = tpu.memref_slice %arg16[%dma_wait3A_424, %dma_wait3A_425, %dma_wait3A_426] : memref<11x4x768xf32, #tpu.memory_space<vmem>> -> memref<1x4x768xf32, #tpu.memory_space<vmem>>
      %dma_wait3A_428 = tpu.memref_squeeze %dma_wait3A_427 : memref<1x4x768xf32, #tpu.memory_space<vmem>> -> memref<4x768xf32, #tpu.memory_space<vmem>>
      %dma_wait3A_429 = arith.constant 0 : i32
      %dma_wait3A_430 = arith.constant 0 : i32
      %dma_wait3A_431 = tpu.memref_slice %arg11[%dma_wait3A_429, %dma_wait3A_430] : memref<2048x768xf32, #tpu.memory_space<hbm>> -> memref<4x768xf32, #tpu.memory_space<hbm>>
      %dma_wait3A_432 = arith.constant 0 : i32
      %dma_wait3A_433 = arith.constant 0 : i32
      %dma_wait3A_434 = tpu.memref_slice %arg16[%dma_wait3A_424, %dma_wait3A_432, %dma_wait3A_433] : memref<11x4x768xf32, #tpu.memory_space<vmem>> -> memref<1x4x768xf32, #tpu.memory_space<vmem>>
      %dma_wait3A_435 = tpu.memref_squeeze %dma_wait3A_434 : memref<1x4x768xf32, #tpu.memory_space<vmem>> -> memref<4x768xf32, #tpu.memory_space<vmem>>
      %dma_wait3A_436 = arith.constant 0 : i32
      %dma_wait3A_437 = arith.constant 0 : i32
      %dma_wait3A_438 = tpu.memref_slice %arg11[%dma_wait3A_436, %dma_wait3A_437] : memref<2048x768xf32, #tpu.memory_space<hbm>> -> memref<4x768xf32, #tpu.memory_space<hbm>>
      tpu.wait_dma2 semaphore(%arg20 : memref<!tpu.dma_semaphore, #tpu.memory_space<semaphore_mem>>) src(%dma_wait3A_438 : memref<4x768xf32, #tpu.memory_space<hbm>>) dst(%dma_wait3A_435 : memref<4x768xf32, #tpu.memory_space<vmem>>)
      %dma_wait3A_439 = arith.constant 0 : i32
      %dma_wait3A_440 = arith.constant 0 : i32
      %dma_wait3A_441 = arith.constant 0 : i32
      %dma_wait3A_442 = tpu.memref_slice %arg16[%dma_wait3A_439, %dma_wait3A_440, %dma_wait3A_441] : memref<11x4x768xf32, #tpu.memory_space<vmem>> -> memref<1x4x768xf32, #tpu.memory_space<vmem>>
      %dma_wait3A_443 = tpu.memref_squeeze %dma_wait3A_442 : memref<1x4x768xf32, #tpu.memory_space<vmem>> -> memref<4x768xf32, #tpu.memory_space<vmem>>
      %dma_wait3A_444 = arith.constant 0 : i32
      %dma_wait3A_445 = arith.constant 0 : i32
      %dma_wait3A_446 = tpu.memref_slice %arg11[%dma_wait3A_444, %dma_wait3A_445] : memref<2048x768xf32, #tpu.memory_space<hbm>> -> memref<4x768xf32, #tpu.memory_space<hbm>>
      %dma_wait3A_447 = arith.constant 0 : i32
      %dma_wait3A_448 = arith.constant 0 : i32
      %dma_wait3A_449 = tpu.memref_slice %arg16[%dma_wait3A_439, %dma_wait3A_447, %dma_wait3A_448] : memref<11x4x768xf32, #tpu.memory_space<vmem>> -> memref<1x4x768xf32, #tpu.memory_space<vmem>>
      %dma_wait3A_450 = tpu.memref_squeeze %dma_wait3A_449 : memref<1x4x768xf32, #tpu.memory_space<vmem>> -> memref<4x768xf32, #tpu.memory_space<vmem>>
      %dma_wait3A_451 = arith.constant 0 : i32
      %dma_wait3A_452 = arith.constant 0 : i32
      %dma_wait3A_453 = tpu.memref_slice %arg11[%dma_wait3A_451, %dma_wait3A_452] : memref<2048x768xf32, #tpu.memory_space<hbm>> -> memref<4x768xf32, #tpu.memory_space<hbm>>
      tpu.wait_dma2 semaphore(%arg20 : memref<!tpu.dma_semaphore, #tpu.memory_space<semaphore_mem>>) src(%dma_wait3A_453 : memref<4x768xf32, #tpu.memory_space<hbm>>) dst(%dma_wait3A_450 : memref<4x768xf32, #tpu.memory_space<vmem>>)
      %dma_wait3A_454 = arith.constant 0 : i32
      %dma_wait3A_455 = arith.constant 0 : i32
      %dma_wait3A_456 = arith.constant 0 : i32
      %dma_wait3A_457 = tpu.memref_slice %arg16[%dma_wait3A_454, %dma_wait3A_455, %dma_wait3A_456] : memref<11x4x768xf32, #tpu.memory_space<vmem>> -> memref<1x4x768xf32, #tpu.memory_space<vmem>>
      %dma_wait3A_458 = tpu.memref_squeeze %dma_wait3A_457 : memref<1x4x768xf32, #tpu.memory_space<vmem>> -> memref<4x768xf32, #tpu.memory_space<vmem>>
      %dma_wait3A_459 = arith.constant 0 : i32
      %dma_wait3A_460 = arith.constant 0 : i32
      %dma_wait3A_461 = tpu.memref_slice %arg11[%dma_wait3A_459, %dma_wait3A_460] : memref<2048x768xf32, #tpu.memory_space<hbm>> -> memref<4x768xf32, #tpu.memory_space<hbm>>
      %dma_wait3A_462 = arith.constant 0 : i32
      %dma_wait3A_463 = arith.constant 0 : i32
      %dma_wait3A_464 = tpu.memref_slice %arg16[%dma_wait3A_454, %dma_wait3A_462, %dma_wait3A_463] : memref<11x4x768xf32, #tpu.memory_space<vmem>> -> memref<1x4x768xf32, #tpu.memory_space<vmem>>
      %dma_wait3A_465 = tpu.memref_squeeze %dma_wait3A_464 : memref<1x4x768xf32, #tpu.memory_space<vmem>> -> memref<4x768xf32, #tpu.memory_space<vmem>>
      %dma_wait3A_466 = arith.constant 0 : i32
      %dma_wait3A_467 = arith.constant 0 : i32
      %dma_wait3A_468 = tpu.memref_slice %arg11[%dma_wait3A_466, %dma_wait3A_467] : memref<2048x768xf32, #tpu.memory_space<hbm>> -> memref<4x768xf32, #tpu.memory_space<hbm>>
      tpu.wait_dma2 semaphore(%arg20 : memref<!tpu.dma_semaphore, #tpu.memory_space<semaphore_mem>>) src(%dma_wait3A_468 : memref<4x768xf32, #tpu.memory_space<hbm>>) dst(%dma_wait3A_465 : memref<4x768xf32, #tpu.memory_space<vmem>>)
      %dma_wait3A_469 = arith.constant 0 : i32
      %dma_wait3A_470 = arith.constant 0 : i32
      %dma_wait3A_471 = arith.constant 0 : i32
      %dma_wait3A_472 = tpu.memref_slice %arg16[%dma_wait3A_469, %dma_wait3A_470, %dma_wait3A_471] : memref<11x4x768xf32, #tpu.memory_space<vmem>> -> memref<1x4x768xf32, #tpu.memory_space<vmem>>
      %dma_wait3A_473 = tpu.memref_squeeze %dma_wait3A_472 : memref<1x4x768xf32, #tpu.memory_space<vmem>> -> memref<4x768xf32, #tpu.memory_space<vmem>>
      %dma_wait3A_474 = arith.constant 0 : i32
      %dma_wait3A_475 = arith.constant 0 : i32
      %dma_wait3A_476 = tpu.memref_slice %arg11[%dma_wait3A_474, %dma_wait3A_475] : memref<2048x768xf32, #tpu.memory_space<hbm>> -> memref<4x768xf32, #tpu.memory_space<hbm>>
      %dma_wait3A_477 = arith.constant 0 : i32
      %dma_wait3A_478 = arith.constant 0 : i32
      %dma_wait3A_479 = tpu.memref_slice %arg16[%dma_wait3A_469, %dma_wait3A_477, %dma_wait3A_478] : memref<11x4x768xf32, #tpu.memory_space<vmem>> -> memref<1x4x768xf32, #tpu.memory_space<vmem>>
      %dma_wait3A_480 = tpu.memref_squeeze %dma_wait3A_479 : memref<1x4x768xf32, #tpu.memory_space<vmem>> -> memref<4x768xf32, #tpu.memory_space<vmem>>
      %dma_wait3A_481 = arith.constant 0 : i32
      %dma_wait3A_482 = arith.constant 0 : i32
      %dma_wait3A_483 = tpu.memref_slice %arg11[%dma_wait3A_481, %dma_wait3A_482] : memref<2048x768xf32, #tpu.memory_space<hbm>> -> memref<4x768xf32, #tpu.memory_space<hbm>>
      tpu.wait_dma2 semaphore(%arg20 : memref<!tpu.dma_semaphore, #tpu.memory_space<semaphore_mem>>) src(%dma_wait3A_483 : memref<4x768xf32, #tpu.memory_space<hbm>>) dst(%dma_wait3A_480 : memref<4x768xf32, #tpu.memory_space<vmem>>)
      %dma_wait3A_484 = arith.constant 0 : i32
      %dma_wait3A_485 = arith.constant 0 : i32
      %dma_wait3A_486 = arith.constant 0 : i32
      %dma_wait3A_487 = tpu.memref_slice %arg16[%dma_wait3A_484, %dma_wait3A_485, %dma_wait3A_486] : memref<11x4x768xf32, #tpu.memory_space<vmem>> -> memref<1x4x768xf32, #tpu.memory_space<vmem>>
      %dma_wait3A_488 = tpu.memref_squeeze %dma_wait3A_487 : memref<1x4x768xf32, #tpu.memory_space<vmem>> -> memref<4x768xf32, #tpu.memory_space<vmem>>
      %dma_wait3A_489 = arith.constant 0 : i32
      %dma_wait3A_490 = arith.constant 0 : i32
      %dma_wait3A_491 = tpu.memref_slice %arg11[%dma_wait3A_489, %dma_wait3A_490] : memref<2048x768xf32, #tpu.memory_space<hbm>> -> memref<4x768xf32, #tpu.memory_space<hbm>>
      %dma_wait3A_492 = arith.constant 0 : i32
      %dma_wait3A_493 = arith.constant 0 : i32
      %dma_wait3A_494 = tpu.memref_slice %arg16[%dma_wait3A_484, %dma_wait3A_492, %dma_wait3A_493] : memref<11x4x768xf32, #tpu.memory_space<vmem>> -> memref<1x4x768xf32, #tpu.memory_space<vmem>>
      %dma_wait3A_495 = tpu.memref_squeeze %dma_wait3A_494 : memref<1x4x768xf32, #tpu.memory_space<vmem>> -> memref<4x768xf32, #tpu.memory_space<vmem>>
      %dma_wait3A_496 = arith.constant 0 : i32
      %dma_wait3A_497 = arith.constant 0 : i32
      %dma_wait3A_498 = tpu.memref_slice %arg11[%dma_wait3A_496, %dma_wait3A_497] : memref<2048x768xf32, #tpu.memory_space<hbm>> -> memref<4x768xf32, #tpu.memory_space<hbm>>
      tpu.wait_dma2 semaphore(%arg20 : memref<!tpu.dma_semaphore, #tpu.memory_space<semaphore_mem>>) src(%dma_wait3A_498 : memref<4x768xf32, #tpu.memory_space<hbm>>) dst(%dma_wait3A_495 : memref<4x768xf32, #tpu.memory_space<vmem>>)
      %dma_wait3A_499 = arith.constant 0 : i32
      %dma_wait3A_500 = arith.constant 0 : i32
      %dma_wait3A_501 = arith.constant 0 : i32
      %dma_wait3A_502 = tpu.memref_slice %arg16[%dma_wait3A_499, %dma_wait3A_500, %dma_wait3A_501] : memref<11x4x768xf32, #tpu.memory_space<vmem>> -> memref<1x4x768xf32, #tpu.memory_space<vmem>>
      %dma_wait3A_503 = tpu.memref_squeeze %dma_wait3A_502 : memref<1x4x768xf32, #tpu.memory_space<vmem>> -> memref<4x768xf32, #tpu.memory_space<vmem>>
      %dma_wait3A_504 = arith.constant 0 : i32
      %dma_wait3A_505 = arith.constant 0 : i32
      %dma_wait3A_506 = tpu.memref_slice %arg11[%dma_wait3A_504, %dma_wait3A_505] : memref<2048x768xf32, #tpu.memory_space<hbm>> -> memref<4x768xf32, #tpu.memory_space<hbm>>
      %dma_wait3A_507 = arith.constant 0 : i32
      %dma_wait3A_508 = arith.constant 0 : i32
      %dma_wait3A_509 = tpu.memref_slice %arg16[%dma_wait3A_499, %dma_wait3A_507, %dma_wait3A_508] : memref<11x4x768xf32, #tpu.memory_space<vmem>> -> memref<1x4x768xf32, #tpu.memory_space<vmem>>
      %dma_wait3A_510 = tpu.memref_squeeze %dma_wait3A_509 : memref<1x4x768xf32, #tpu.memory_space<vmem>> -> memref<4x768xf32, #tpu.memory_space<vmem>>
      %dma_wait3A_511 = arith.constant 0 : i32
      %dma_wait3A_512 = arith.constant 0 : i32
      %dma_wait3A_513 = tpu.memref_slice %arg11[%dma_wait3A_511, %dma_wait3A_512] : memref<2048x768xf32, #tpu.memory_space<hbm>> -> memref<4x768xf32, #tpu.memory_space<hbm>>
      tpu.wait_dma2 semaphore(%arg20 : memref<!tpu.dma_semaphore, #tpu.memory_space<semaphore_mem>>) src(%dma_wait3A_513 : memref<4x768xf32, #tpu.memory_space<hbm>>) dst(%dma_wait3A_510 : memref<4x768xf32, #tpu.memory_space<vmem>>)
      %dma_wait3A_514 = arith.constant 0 : i32
      %dma_wait3A_515 = arith.constant 0 : i32
      %dma_wait3A_516 = arith.constant 0 : i32
      %dma_wait3A_517 = tpu.memref_slice %arg16[%dma_wait3A_514, %dma_wait3A_515, %dma_wait3A_516] : memref<11x4x768xf32, #tpu.memory_space<vmem>> -> memref<1x4x768xf32, #tpu.memory_space<vmem>>
      %dma_wait3A_518 = tpu.memref_squeeze %dma_wait3A_517 : memref<1x4x768xf32, #tpu.memory_space<vmem>> -> memref<4x768xf32, #tpu.memory_space<vmem>>
      %dma_wait3A_519 = arith.constant 0 : i32
      %dma_wait3A_520 = arith.constant 0 : i32
      %dma_wait3A_521 = tpu.memref_slice %arg11[%dma_wait3A_519, %dma_wait3A_520] : memref<2048x768xf32, #tpu.memory_space<hbm>> -> memref<4x768xf32, #tpu.memory_space<hbm>>
      %dma_wait3A_522 = arith.constant 0 : i32
      %dma_wait3A_523 = arith.constant 0 : i32
      %dma_wait3A_524 = tpu.memref_slice %arg16[%dma_wait3A_514, %dma_wait3A_522, %dma_wait3A_523] : memref<11x4x768xf32, #tpu.memory_space<vmem>> -> memref<1x4x768xf32, #tpu.memory_space<vmem>>
      %dma_wait3A_525 = tpu.memref_squeeze %dma_wait3A_524 : memref<1x4x768xf32, #tpu.memory_space<vmem>> -> memref<4x768xf32, #tpu.memory_space<vmem>>
      %dma_wait3A_526 = arith.constant 0 : i32
      %dma_wait3A_527 = arith.constant 0 : i32
      %dma_wait3A_528 = tpu.memref_slice %arg11[%dma_wait3A_526, %dma_wait3A_527] : memref<2048x768xf32, #tpu.memory_space<hbm>> -> memref<4x768xf32, #tpu.memory_space<hbm>>
      tpu.wait_dma2 semaphore(%arg20 : memref<!tpu.dma_semaphore, #tpu.memory_space<semaphore_mem>>) src(%dma_wait3A_528 : memref<4x768xf32, #tpu.memory_space<hbm>>) dst(%dma_wait3A_525 : memref<4x768xf32, #tpu.memory_space<vmem>>)
      %dma_wait3A_529 = arith.constant 0 : i32
      %dma_wait3A_530 = arith.constant 0 : i32
      %dma_wait3A_531 = tpu.memref_slice %arg11[%dma_wait3A_529, %dma_wait3A_530] : memref<2048x768xf32, #tpu.memory_space<hbm>> -> memref<4x768xf32, #tpu.memory_space<hbm>>
      %dma_wait3A_532 = arith.constant 0 : i32
      %dma_wait3A_533 = arith.constant 0 : i32
      %dma_wait3A_534 = tpu.memref_slice %arg11[%dma_wait3A_532, %dma_wait3A_533] : memref<2048x768xf32, #tpu.memory_space<hbm>> -> memref<4x768xf32, #tpu.memory_space<hbm>>
      tpu.wait_dma2 semaphore(%arg21 : memref<!tpu.dma_semaphore, #tpu.memory_space<semaphore_mem>>) src(%dma_wait3A_534 : memref<4x768xf32, #tpu.memory_space<hbm>>) dst(%arg17 : memref<4x768xf32, #tpu.memory_space<vmem>>)
      %parallel_loop3A_535 = arith.constant 0 : i32
      %parallel_loop3A_536 = arith.constant 48 : i32
      %parallel_loop3A_537 = arith.constant 1 : i32
      scf.for %parallel_loop3A_555 = %parallel_loop3A_535 to %parallel_loop3A_536 step %parallel_loop3A_537  : i32 {
        %parallel_loop3A_556 = arith.constant 16 : i32
        %parallel_loop3A_557 = arith.muli %parallel_loop3A_555, %parallel_loop3A_556 : i32
        %parallel_loop3A_558 = arith.constant 4 : i32
        %parallel_loop3A_559 = arith.muli %add3A_356, %parallel_loop3A_558 : i32
        %parallel_loop3A_560 = arith.constant 0 : i32
        %parallel_loop3A_561 = arith.addi %parallel_loop3A_559, %parallel_loop3A_560 : i32
        %parallel_loop3A_562 = arith.constant 16 : i32
        %parallel_loop3A_563 = arith.muli %parallel_loop3A_561, %parallel_loop3A_562 : i32
        %parallel_loop3A_564 = arith.index_cast %parallel_loop3A_563 : i32 to index
        %parallel_loop3A_565 = tpu.vector_load %arg14[%parallel_loop3A_564] {strides = array<i32>} : memref<4096xf32, #tpu.memory_space<vmem>>, vector<16xf32>,
        %parallel_loop3A_566 = vector.shape_cast %parallel_loop3A_565 : vector<16xf32> to vector<16xf32>
        %parallel_loop3A_567 = arith.constant 5.000000e-01 : f32
        %parallel_loop3A_568 = vector.broadcast %parallel_loop3A_567 : f32 to vector<16xf32>
        %parallel_loop3A_569 = arith.cmpf ogt, %parallel_loop3A_566, %parallel_loop3A_568 : vector<16xf32>
        %parallel_loop3A_570 = arith.constant 0 : i32
        %parallel_loop3A_571 = arith.constant 0 : i32
        %parallel_loop3A_572 = arith.index_cast %parallel_loop3A_570 : i32 to index
        %parallel_loop3A_573 = arith.index_cast %parallel_loop3A_571 : i32 to index
        %parallel_loop3A_574 = arith.index_cast %parallel_loop3A_557 : i32 to index
        %parallel_loop3A_575 = tpu.vector_load %arg16[%parallel_loop3A_572, %parallel_loop3A_573, %parallel_loop3A_574] {strides = array<i32>} : memref<11x4x768xf32, #tpu.memory_space<vmem>>, vector<1x1x16xf32>,
        %parallel_loop3A_576 = vector.shape_cast %parallel_loop3A_575 : vector<1x1x16xf32> to vector<16xf32>
        %parallel_loop3A_577 = arith.constant 1 : i32
        %parallel_loop3A_578 = arith.constant 0 : i32
        %parallel_loop3A_579 = arith.index_cast %parallel_loop3A_577 : i32 to index
        %parallel_loop3A_580 = arith.index_cast %parallel_loop3A_578 : i32 to index
        %parallel_loop3A_581 = arith.index_cast %parallel_loop3A_557 : i32 to index
        %parallel_loop3A_582 = tpu.vector_load %arg16[%parallel_loop3A_579, %parallel_loop3A_580, %parallel_loop3A_581] {strides = array<i32>} : memref<11x4x768xf32, #tpu.memory_space<vmem>>, vector<1x1x16xf32>,
        %parallel_loop3A_583 = vector.shape_cast %parallel_loop3A_582 : vector<1x1x16xf32> to vector<16xf32>
        %parallel_loop3A_584 = arith.addf %parallel_loop3A_576, %parallel_loop3A_583 : vector<16xf32>
        %parallel_loop3A_585 = arith.constant 2 : i32
        %parallel_loop3A_586 = arith.constant 0 : i32
        %parallel_loop3A_587 = arith.index_cast %parallel_loop3A_585 : i32 to index
        %parallel_loop3A_588 = arith.index_cast %parallel_loop3A_586 : i32 to index
        %parallel_loop3A_589 = arith.index_cast %parallel_loop3A_557 : i32 to index
        %parallel_loop3A_590 = tpu.vector_load %arg16[%parallel_loop3A_587, %parallel_loop3A_588, %parallel_loop3A_589] {strides = array<i32>} : memref<11x4x768xf32, #tpu.memory_space<vmem>>, vector<1x1x16xf32>,
        %parallel_loop3A_591 = vector.shape_cast %parallel_loop3A_590 : vector<1x1x16xf32> to vector<16xf32>
        %parallel_loop3A_592 = arith.addf %parallel_loop3A_584, %parallel_loop3A_591 : vector<16xf32>
        %parallel_loop3A_593 = arith.constant 3 : i32
        %parallel_loop3A_594 = arith.constant 0 : i32
        %parallel_loop3A_595 = arith.index_cast %parallel_loop3A_593 : i32 to index
        %parallel_loop3A_596 = arith.index_cast %parallel_loop3A_594 : i32 to index
        %parallel_loop3A_597 = arith.index_cast %parallel_loop3A_557 : i32 to index
        %parallel_loop3A_598 = tpu.vector_load %arg16[%parallel_loop3A_595, %parallel_loop3A_596, %parallel_loop3A_597] {strides = array<i32>} : memref<11x4x768xf32, #tpu.memory_space<vmem>>, vector<1x1x16xf32>,
        %parallel_loop3A_599 = vector.shape_cast %parallel_loop3A_598 : vector<1x1x16xf32> to vector<16xf32>
        %parallel_loop3A_600 = arith.addf %parallel_loop3A_592, %parallel_loop3A_599 : vector<16xf32>
        %parallel_loop3A_601 = arith.constant 4 : i32
        %parallel_loop3A_602 = arith.constant 0 : i32
        %parallel_loop3A_603 = arith.index_cast %parallel_loop3A_601 : i32 to index
        %parallel_loop3A_604 = arith.index_cast %parallel_loop3A_602 : i32 to index
        %parallel_loop3A_605 = arith.index_cast %parallel_loop3A_557 : i32 to index
        %parallel_loop3A_606 = tpu.vector_load %arg16[%parallel_loop3A_603, %parallel_loop3A_604, %parallel_loop3A_605] {strides = array<i32>} : memref<11x4x768xf32, #tpu.memory_space<vmem>>, vector<1x1x16xf32>,
        %parallel_loop3A_607 = vector.shape_cast %parallel_loop3A_606 : vector<1x1x16xf32> to vector<16xf32>
        %parallel_loop3A_608 = arith.addf %parallel_loop3A_600, %parallel_loop3A_607 : vector<16xf32>
        %parallel_loop3A_609 = arith.constant 5 : i32
        %parallel_loop3A_610 = arith.constant 0 : i32
        %parallel_loop3A_611 = arith.index_cast %parallel_loop3A_609 : i32 to index
        %parallel_loop3A_612 = arith.index_cast %parallel_loop3A_610 : i32 to index
        %parallel_loop3A_613 = arith.index_cast %parallel_loop3A_557 : i32 to index
        %parallel_loop3A_614 = tpu.vector_load %arg16[%parallel_loop3A_611, %parallel_loop3A_612, %parallel_loop3A_613] {strides = array<i32>} : memref<11x4x768xf32, #tpu.memory_space<vmem>>, vector<1x1x16xf32>,
        %parallel_loop3A_615 = vector.shape_cast %parallel_loop3A_614 : vector<1x1x16xf32> to vector<16xf32>
        %parallel_loop3A_616 = arith.addf %parallel_loop3A_608, %parallel_loop3A_615 : vector<16xf32>
        %parallel_loop3A_617 = arith.constant 6 : i32
        %parallel_loop3A_618 = arith.constant 0 : i32
        %parallel_loop3A_619 = arith.index_cast %parallel_loop3A_617 : i32 to index
        %parallel_loop3A_620 = arith.index_cast %parallel_loop3A_618 : i32 to index
        %parallel_loop3A_621 = arith.index_cast %parallel_loop3A_557 : i32 to index
        %parallel_loop3A_622 = tpu.vector_load %arg16[%parallel_loop3A_619, %parallel_loop3A_620, %parallel_loop3A_621] {strides = array<i32>} : memref<11x4x768xf32, #tpu.memory_space<vmem>>, vector<1x1x16xf32>,
        %parallel_loop3A_623 = vector.shape_cast %parallel_loop3A_622 : vector<1x1x16xf32> to vector<16xf32>
        %parallel_loop3A_624 = arith.addf %parallel_loop3A_616, %parallel_loop3A_623 : vector<16xf32>
        %parallel_loop3A_625 = arith.constant 7 : i32
        %parallel_loop3A_626 = arith.constant 0 : i32
        %parallel_loop3A_627 = arith.index_cast %parallel_loop3A_625 : i32 to index
        %parallel_loop3A_628 = arith.index_cast %parallel_loop3A_626 : i32 to index
        %parallel_loop3A_629 = arith.index_cast %parallel_loop3A_557 : i32 to index
        %parallel_loop3A_630 = tpu.vector_load %arg16[%parallel_loop3A_627, %parallel_loop3A_628, %parallel_loop3A_629] {strides = array<i32>} : memref<11x4x768xf32, #tpu.memory_space<vmem>>, vector<1x1x16xf32>,
        %parallel_loop3A_631 = vector.shape_cast %parallel_loop3A_630 : vector<1x1x16xf32> to vector<16xf32>
        %parallel_loop3A_632 = arith.addf %parallel_loop3A_624, %parallel_loop3A_631 : vector<16xf32>
        %parallel_loop3A_633 = arith.constant 8 : i32
        %parallel_loop3A_634 = arith.constant 0 : i32
        %parallel_loop3A_635 = arith.index_cast %parallel_loop3A_633 : i32 to index
        %parallel_loop3A_636 = arith.index_cast %parallel_loop3A_634 : i32 to index
        %parallel_loop3A_637 = arith.index_cast %parallel_loop3A_557 : i32 to index
        %parallel_loop3A_638 = tpu.vector_load %arg16[%parallel_loop3A_635, %parallel_loop3A_636, %parallel_loop3A_637] {strides = array<i32>} : memref<11x4x768xf32, #tpu.memory_space<vmem>>, vector<1x1x16xf32>,
        %parallel_loop3A_639 = vector.shape_cast %parallel_loop3A_638 : vector<1x1x16xf32> to vector<16xf32>
        %parallel_loop3A_640 = arith.addf %parallel_loop3A_632, %parallel_loop3A_639 : vector<16xf32>
        %parallel_loop3A_641 = arith.constant 9 : i32
        %parallel_loop3A_642 = arith.constant 0 : i32
        %parallel_loop3A_643 = arith.index_cast %parallel_loop3A_641 : i32 to index
        %parallel_loop3A_644 = arith.index_cast %parallel_loop3A_642 : i32 to index
        %parallel_loop3A_645 = arith.index_cast %parallel_loop3A_557 : i32 to index
        %parallel_loop3A_646 = tpu.vector_load %arg16[%parallel_loop3A_643, %parallel_loop3A_644, %parallel_loop3A_645] {strides = array<i32>} : memref<11x4x768xf32, #tpu.memory_space<vmem>>, vector<1x1x16xf32>,
        %parallel_loop3A_647 = vector.shape_cast %parallel_loop3A_646 : vector<1x1x16xf32> to vector<16xf32>
        %parallel_loop3A_648 = arith.addf %parallel_loop3A_640, %parallel_loop3A_647 : vector<16xf32>
        %parallel_loop3A_649 = arith.constant 10 : i32
        %parallel_loop3A_650 = arith.constant 0 : i32
        %parallel_loop3A_651 = arith.index_cast %parallel_loop3A_649 : i32 to index
        %parallel_loop3A_652 = arith.index_cast %parallel_loop3A_650 : i32 to index
        %parallel_loop3A_653 = arith.index_cast %parallel_loop3A_557 : i32 to index
        %parallel_loop3A_654 = tpu.vector_load %arg16[%parallel_loop3A_651, %parallel_loop3A_652, %parallel_loop3A_653] {strides = array<i32>} : memref<11x4x768xf32, #tpu.memory_space<vmem>>, vector<1x1x16xf32>,
        %parallel_loop3A_655 = vector.shape_cast %parallel_loop3A_654 : vector<1x1x16xf32> to vector<16xf32>
        %parallel_loop3A_656 = arith.addf %parallel_loop3A_648, %parallel_loop3A_655 : vector<16xf32>
        %parallel_loop3A_657 = arith.constant 0 : i32
        %parallel_loop3A_658 = arith.index_cast %parallel_loop3A_657 : i32 to index
        %parallel_loop3A_659 = arith.index_cast %parallel_loop3A_557 : i32 to index
        %parallel_loop3A_660 = tpu.vector_load %arg18[%parallel_loop3A_658, %parallel_loop3A_659] {strides = array<i32>} : memref<2x768xf32, #tpu.memory_space<vmem>>, vector<1x16xf32>,
        %parallel_loop3A_661 = vector.shape_cast %parallel_loop3A_660 : vector<1x16xf32> to vector<16xf32>
        %parallel_loop3A_662 = arith.constant 1 : i32
        %parallel_loop3A_663 = arith.index_cast %parallel_loop3A_662 : i32 to index
        %parallel_loop3A_664 = arith.index_cast %parallel_loop3A_557 : i32 to index
        %parallel_loop3A_665 = tpu.vector_load %arg18[%parallel_loop3A_663, %parallel_loop3A_664] {strides = array<i32>} : memref<2x768xf32, #tpu.memory_space<vmem>>, vector<1x16xf32>,
        %parallel_loop3A_666 = vector.shape_cast %parallel_loop3A_665 : vector<1x16xf32> to vector<16xf32>
        %parallel_loop3A_667 = arith.select %parallel_loop3A_569, %parallel_loop3A_666, %parallel_loop3A_661 : vector<16xi1>, vector<16xf32>
        %parallel_loop3A_668 = arith.addf %parallel_loop3A_656, %parallel_loop3A_667 : vector<16xf32>
        %parallel_loop3A_669 = arith.constant 0 : i32
        %parallel_loop3A_670 = arith.index_cast %parallel_loop3A_669 : i32 to index
        %parallel_loop3A_671 = arith.index_cast %parallel_loop3A_557 : i32 to index
        %parallel_loop3A_672 = tpu.vector_load %arg17[%parallel_loop3A_670, %parallel_loop3A_671] {strides = array<i32>} : memref<4x768xf32, #tpu.memory_space<vmem>>, vector<1x16xf32>,
        %parallel_loop3A_673 = vector.shape_cast %parallel_loop3A_672 : vector<1x16xf32> to vector<16xf32>
        %parallel_loop3A_674 = vector.shape_cast %parallel_loop3A_668 : vector<16xf32> to vector<1x16xf32>
        tpu.vector_store %arg17[%parallel_loop3A_670, %parallel_loop3A_671], %parallel_loop3A_674 {strides = array<i32>} : memref<4x768xf32, #tpu.memory_space<vmem>>, vector<1x16xf32>,
      } {sc.loop_unroll_factor = 2 : i64, sc.parallel_access}
      %parallel_loop3A_538 = arith.constant 0 : i32
      %parallel_loop3A_539 = arith.constant 48 : i32
      %parallel_loop3A_540 = arith.constant 1 : i32
      scf.for %parallel_loop3A_555 = %parallel_loop3A_538 to %parallel_loop3A_539 step %parallel_loop3A_540  : i32 {
        %parallel_loop3A_556 = arith.constant 16 : i32
        %parallel_loop3A_557 = arith.muli %parallel_loop3A_555, %parallel_loop3A_556 : i32
        %parallel_loop3A_558 = arith.constant 4 : i32
        %parallel_loop3A_559 = arith.muli %add3A_356, %parallel_loop3A_558 : i32
        %parallel_loop3A_560 = arith.constant 1 : i32
        %parallel_loop3A_561 = arith.addi %parallel_loop3A_559, %parallel_loop3A_560 : i32
        %parallel_loop3A_562 = arith.constant 16 : i32
        %parallel_loop3A_563 = arith.muli %parallel_loop3A_561, %parallel_loop3A_562 : i32
        %parallel_loop3A_564 = arith.index_cast %parallel_loop3A_563 : i32 to index
        %parallel_loop3A_565 = tpu.vector_load %arg14[%parallel_loop3A_564] {strides = array<i32>} : memref<4096xf32, #tpu.memory_space<vmem>>, vector<16xf32>,
        %parallel_loop3A_566 = vector.shape_cast %parallel_loop3A_565 : vector<16xf32> to vector<16xf32>
        %parallel_loop3A_567 = arith.constant 5.000000e-01 : f32
        %parallel_loop3A_568 = vector.broadcast %parallel_loop3A_567 : f32 to vector<16xf32>
        %parallel_loop3A_569 = arith.cmpf ogt, %parallel_loop3A_566, %parallel_loop3A_568 : vector<16xf32>
        %parallel_loop3A_570 = arith.constant 0 : i32
        %parallel_loop3A_571 = arith.constant 1 : i32
        %parallel_loop3A_572 = arith.index_cast %parallel_loop3A_570 : i32 to index
        %parallel_loop3A_573 = arith.index_cast %parallel_loop3A_571 : i32 to index
        %parallel_loop3A_574 = arith.index_cast %parallel_loop3A_557 : i32 to index
        %parallel_loop3A_575 = tpu.vector_load %arg16[%parallel_loop3A_572, %parallel_loop3A_573, %parallel_loop3A_574] {strides = array<i32>} : memref<11x4x768xf32, #tpu.memory_space<vmem>>, vector<1x1x16xf32>,
        %parallel_loop3A_576 = vector.shape_cast %parallel_loop3A_575 : vector<1x1x16xf32> to vector<16xf32>
        %parallel_loop3A_577 = arith.constant 1 : i32
        %parallel_loop3A_578 = arith.constant 1 : i32
        %parallel_loop3A_579 = arith.index_cast %parallel_loop3A_577 : i32 to index
        %parallel_loop3A_580 = arith.index_cast %parallel_loop3A_578 : i32 to index
        %parallel_loop3A_581 = arith.index_cast %parallel_loop3A_557 : i32 to index
        %parallel_loop3A_582 = tpu.vector_load %arg16[%parallel_loop3A_579, %parallel_loop3A_580, %parallel_loop3A_581] {strides = array<i32>} : memref<11x4x768xf32, #tpu.memory_space<vmem>>, vector<1x1x16xf32>,
        %parallel_loop3A_583 = vector.shape_cast %parallel_loop3A_582 : vector<1x1x16xf32> to vector<16xf32>
        %parallel_loop3A_584 = arith.addf %parallel_loop3A_576, %parallel_loop3A_583 : vector<16xf32>
        %parallel_loop3A_585 = arith.constant 2 : i32
        %parallel_loop3A_586 = arith.constant 1 : i32
        %parallel_loop3A_587 = arith.index_cast %parallel_loop3A_585 : i32 to index
        %parallel_loop3A_588 = arith.index_cast %parallel_loop3A_586 : i32 to index
        %parallel_loop3A_589 = arith.index_cast %parallel_loop3A_557 : i32 to index
        %parallel_loop3A_590 = tpu.vector_load %arg16[%parallel_loop3A_587, %parallel_loop3A_588, %parallel_loop3A_589] {strides = array<i32>} : memref<11x4x768xf32, #tpu.memory_space<vmem>>, vector<1x1x16xf32>,
        %parallel_loop3A_591 = vector.shape_cast %parallel_loop3A_590 : vector<1x1x16xf32> to vector<16xf32>
        %parallel_loop3A_592 = arith.addf %parallel_loop3A_584, %parallel_loop3A_591 : vector<16xf32>
        %parallel_loop3A_593 = arith.constant 3 : i32
        %parallel_loop3A_594 = arith.constant 1 : i32
        %parallel_loop3A_595 = arith.index_cast %parallel_loop3A_593 : i32 to index
        %parallel_loop3A_596 = arith.index_cast %parallel_loop3A_594 : i32 to index
        %parallel_loop3A_597 = arith.index_cast %parallel_loop3A_557 : i32 to index
        %parallel_loop3A_598 = tpu.vector_load %arg16[%parallel_loop3A_595, %parallel_loop3A_596, %parallel_loop3A_597] {strides = array<i32>} : memref<11x4x768xf32, #tpu.memory_space<vmem>>, vector<1x1x16xf32>,
        %parallel_loop3A_599 = vector.shape_cast %parallel_loop3A_598 : vector<1x1x16xf32> to vector<16xf32>
        %parallel_loop3A_600 = arith.addf %parallel_loop3A_592, %parallel_loop3A_599 : vector<16xf32>
        %parallel_loop3A_601 = arith.constant 4 : i32
        %parallel_loop3A_602 = arith.constant 1 : i32
        %parallel_loop3A_603 = arith.index_cast %parallel_loop3A_601 : i32 to index
        %parallel_loop3A_604 = arith.index_cast %parallel_loop3A_602 : i32 to index
        %parallel_loop3A_605 = arith.index_cast %parallel_loop3A_557 : i32 to index
        %parallel_loop3A_606 = tpu.vector_load %arg16[%parallel_loop3A_603, %parallel_loop3A_604, %parallel_loop3A_605] {strides = array<i32>} : memref<11x4x768xf32, #tpu.memory_space<vmem>>, vector<1x1x16xf32>,
        %parallel_loop3A_607 = vector.shape_cast %parallel_loop3A_606 : vector<1x1x16xf32> to vector<16xf32>
        %parallel_loop3A_608 = arith.addf %parallel_loop3A_600, %parallel_loop3A_607 : vector<16xf32>
        %parallel_loop3A_609 = arith.constant 5 : i32
        %parallel_loop3A_610 = arith.constant 1 : i32
        %parallel_loop3A_611 = arith.index_cast %parallel_loop3A_609 : i32 to index
        %parallel_loop3A_612 = arith.index_cast %parallel_loop3A_610 : i32 to index
        %parallel_loop3A_613 = arith.index_cast %parallel_loop3A_557 : i32 to index
        %parallel_loop3A_614 = tpu.vector_load %arg16[%parallel_loop3A_611, %parallel_loop3A_612, %parallel_loop3A_613] {strides = array<i32>} : memref<11x4x768xf32, #tpu.memory_space<vmem>>, vector<1x1x16xf32>,
        %parallel_loop3A_615 = vector.shape_cast %parallel_loop3A_614 : vector<1x1x16xf32> to vector<16xf32>
        %parallel_loop3A_616 = arith.addf %parallel_loop3A_608, %parallel_loop3A_615 : vector<16xf32>
        %parallel_loop3A_617 = arith.constant 6 : i32
        %parallel_loop3A_618 = arith.constant 1 : i32
        %parallel_loop3A_619 = arith.index_cast %parallel_loop3A_617 : i32 to index
        %parallel_loop3A_620 = arith.index_cast %parallel_loop3A_618 : i32 to index
        %parallel_loop3A_621 = arith.index_cast %parallel_loop3A_557 : i32 to index
        %parallel_loop3A_622 = tpu.vector_load %arg16[%parallel_loop3A_619, %parallel_loop3A_620, %parallel_loop3A_621] {strides = array<i32>} : memref<11x4x768xf32, #tpu.memory_space<vmem>>, vector<1x1x16xf32>,
        %parallel_loop3A_623 = vector.shape_cast %parallel_loop3A_622 : vector<1x1x16xf32> to vector<16xf32>
        %parallel_loop3A_624 = arith.addf %parallel_loop3A_616, %parallel_loop3A_623 : vector<16xf32>
        %parallel_loop3A_625 = arith.constant 7 : i32
        %parallel_loop3A_626 = arith.constant 1 : i32
        %parallel_loop3A_627 = arith.index_cast %parallel_loop3A_625 : i32 to index
        %parallel_loop3A_628 = arith.index_cast %parallel_loop3A_626 : i32 to index
        %parallel_loop3A_629 = arith.index_cast %parallel_loop3A_557 : i32 to index
        %parallel_loop3A_630 = tpu.vector_load %arg16[%parallel_loop3A_627, %parallel_loop3A_628, %parallel_loop3A_629] {strides = array<i32>} : memref<11x4x768xf32, #tpu.memory_space<vmem>>, vector<1x1x16xf32>,
        %parallel_loop3A_631 = vector.shape_cast %parallel_loop3A_630 : vector<1x1x16xf32> to vector<16xf32>
        %parallel_loop3A_632 = arith.addf %parallel_loop3A_624, %parallel_loop3A_631 : vector<16xf32>
        %parallel_loop3A_633 = arith.constant 8 : i32
        %parallel_loop3A_634 = arith.constant 1 : i32
        %parallel_loop3A_635 = arith.index_cast %parallel_loop3A_633 : i32 to index
        %parallel_loop3A_636 = arith.index_cast %parallel_loop3A_634 : i32 to index
        %parallel_loop3A_637 = arith.index_cast %parallel_loop3A_557 : i32 to index
        %parallel_loop3A_638 = tpu.vector_load %arg16[%parallel_loop3A_635, %parallel_loop3A_636, %parallel_loop3A_637] {strides = array<i32>} : memref<11x4x768xf32, #tpu.memory_space<vmem>>, vector<1x1x16xf32>,
        %parallel_loop3A_639 = vector.shape_cast %parallel_loop3A_638 : vector<1x1x16xf32> to vector<16xf32>
        %parallel_loop3A_640 = arith.addf %parallel_loop3A_632, %parallel_loop3A_639 : vector<16xf32>
        %parallel_loop3A_641 = arith.constant 9 : i32
        %parallel_loop3A_642 = arith.constant 1 : i32
        %parallel_loop3A_643 = arith.index_cast %parallel_loop3A_641 : i32 to index
        %parallel_loop3A_644 = arith.index_cast %parallel_loop3A_642 : i32 to index
        %parallel_loop3A_645 = arith.index_cast %parallel_loop3A_557 : i32 to index
        %parallel_loop3A_646 = tpu.vector_load %arg16[%parallel_loop3A_643, %parallel_loop3A_644, %parallel_loop3A_645] {strides = array<i32>} : memref<11x4x768xf32, #tpu.memory_space<vmem>>, vector<1x1x16xf32>,
        %parallel_loop3A_647 = vector.shape_cast %parallel_loop3A_646 : vector<1x1x16xf32> to vector<16xf32>
        %parallel_loop3A_648 = arith.addf %parallel_loop3A_640, %parallel_loop3A_647 : vector<16xf32>
        %parallel_loop3A_649 = arith.constant 10 : i32
        %parallel_loop3A_650 = arith.constant 1 : i32
        %parallel_loop3A_651 = arith.index_cast %parallel_loop3A_649 : i32 to index
        %parallel_loop3A_652 = arith.index_cast %parallel_loop3A_650 : i32 to index
        %parallel_loop3A_653 = arith.index_cast %parallel_loop3A_557 : i32 to index
        %parallel_loop3A_654 = tpu.vector_load %arg16[%parallel_loop3A_651, %parallel_loop3A_652, %parallel_loop3A_653] {strides = array<i32>} : memref<11x4x768xf32, #tpu.memory_space<vmem>>, vector<1x1x16xf32>,
        %parallel_loop3A_655 = vector.shape_cast %parallel_loop3A_654 : vector<1x1x16xf32> to vector<16xf32>
        %parallel_loop3A_656 = arith.addf %parallel_loop3A_648, %parallel_loop3A_655 : vector<16xf32>
        %parallel_loop3A_657 = arith.constant 0 : i32
        %parallel_loop3A_658 = arith.index_cast %parallel_loop3A_657 : i32 to index
        %parallel_loop3A_659 = arith.index_cast %parallel_loop3A_557 : i32 to index
        %parallel_loop3A_660 = tpu.vector_load %arg18[%parallel_loop3A_658, %parallel_loop3A_659] {strides = array<i32>} : memref<2x768xf32, #tpu.memory_space<vmem>>, vector<1x16xf32>,
        %parallel_loop3A_661 = vector.shape_cast %parallel_loop3A_660 : vector<1x16xf32> to vector<16xf32>
        %parallel_loop3A_662 = arith.constant 1 : i32
        %parallel_loop3A_663 = arith.index_cast %parallel_loop3A_662 : i32 to index
        %parallel_loop3A_664 = arith.index_cast %parallel_loop3A_557 : i32 to index
        %parallel_loop3A_665 = tpu.vector_load %arg18[%parallel_loop3A_663, %parallel_loop3A_664] {strides = array<i32>} : memref<2x768xf32, #tpu.memory_space<vmem>>, vector<1x16xf32>,
        %parallel_loop3A_666 = vector.shape_cast %parallel_loop3A_665 : vector<1x16xf32> to vector<16xf32>
        %parallel_loop3A_667 = arith.select %parallel_loop3A_569, %parallel_loop3A_666, %parallel_loop3A_661 : vector<16xi1>, vector<16xf32>
        %parallel_loop3A_668 = arith.addf %parallel_loop3A_656, %parallel_loop3A_667 : vector<16xf32>
        %parallel_loop3A_669 = arith.constant 1 : i32
        %parallel_loop3A_670 = arith.index_cast %parallel_loop3A_669 : i32 to index
        %parallel_loop3A_671 = arith.index_cast %parallel_loop3A_557 : i32 to index
        %parallel_loop3A_672 = tpu.vector_load %arg17[%parallel_loop3A_670, %parallel_loop3A_671] {strides = array<i32>} : memref<4x768xf32, #tpu.memory_space<vmem>>, vector<1x16xf32>,
        %parallel_loop3A_673 = vector.shape_cast %parallel_loop3A_672 : vector<1x16xf32> to vector<16xf32>
        %parallel_loop3A_674 = vector.shape_cast %parallel_loop3A_668 : vector<16xf32> to vector<1x16xf32>
        tpu.vector_store %arg17[%parallel_loop3A_670, %parallel_loop3A_671], %parallel_loop3A_674 {strides = array<i32>} : memref<4x768xf32, #tpu.memory_space<vmem>>, vector<1x16xf32>,
      } {sc.loop_unroll_factor = 2 : i64, sc.parallel_access}
      %parallel_loop3A_541 = arith.constant 0 : i32
      %parallel_loop3A_542 = arith.constant 48 : i32
      %parallel_loop3A_543 = arith.constant 1 : i32
      scf.for %parallel_loop3A_555 = %parallel_loop3A_541 to %parallel_loop3A_542 step %parallel_loop3A_543  : i32 {
        %parallel_loop3A_556 = arith.constant 16 : i32
        %parallel_loop3A_557 = arith.muli %parallel_loop3A_555, %parallel_loop3A_556 : i32
        %parallel_loop3A_558 = arith.constant 4 : i32
        %parallel_loop3A_559 = arith.muli %add3A_356, %parallel_loop3A_558 : i32
        %parallel_loop3A_560 = arith.constant 2 : i32
        %parallel_loop3A_561 = arith.addi %parallel_loop3A_559, %parallel_loop3A_560 : i32
        %parallel_loop3A_562 = arith.constant 16 : i32
        %parallel_loop3A_563 = arith.muli %parallel_loop3A_561, %parallel_loop3A_562 : i32
        %parallel_loop3A_564 = arith.index_cast %parallel_loop3A_563 : i32 to index
        %parallel_loop3A_565 = tpu.vector_load %arg14[%parallel_loop3A_564] {strides = array<i32>} : memref<4096xf32, #tpu.memory_space<vmem>>, vector<16xf32>,
        %parallel_loop3A_566 = vector.shape_cast %parallel_loop3A_565 : vector<16xf32> to vector<16xf32>
        %parallel_loop3A_567 = arith.constant 5.000000e-01 : f32
        %parallel_loop3A_568 = vector.broadcast %parallel_loop3A_567 : f32 to vector<16xf32>
        %parallel_loop3A_569 = arith.cmpf ogt, %parallel_loop3A_566, %parallel_loop3A_568 : vector<16xf32>
        %parallel_loop3A_570 = arith.constant 0 : i32
        %parallel_loop3A_571 = arith.constant 2 : i32
        %parallel_loop3A_572 = arith.index_cast %parallel_loop3A_570 : i32 to index
        %parallel_loop3A_573 = arith.index_cast %parallel_loop3A_571 : i32 to index
        %parallel_loop3A_574 = arith.index_cast %parallel_loop3A_557 : i32 to index
        %parallel_loop3A_575 = tpu.vector_load %arg16[%parallel_loop3A_572, %parallel_loop3A_573, %parallel_loop3A_574] {strides = array<i32>} : memref<11x4x768xf32, #tpu.memory_space<vmem>>, vector<1x1x16xf32>,
        %parallel_loop3A_576 = vector.shape_cast %parallel_loop3A_575 : vector<1x1x16xf32> to vector<16xf32>
        %parallel_loop3A_577 = arith.constant 1 : i32
        %parallel_loop3A_578 = arith.constant 2 : i32
        %parallel_loop3A_579 = arith.index_cast %parallel_loop3A_577 : i32 to index
        %parallel_loop3A_580 = arith.index_cast %parallel_loop3A_578 : i32 to index
        %parallel_loop3A_581 = arith.index_cast %parallel_loop3A_557 : i32 to index
        %parallel_loop3A_582 = tpu.vector_load %arg16[%parallel_loop3A_579, %parallel_loop3A_580, %parallel_loop3A_581] {strides = array<i32>} : memref<11x4x768xf32, #tpu.memory_space<vmem>>, vector<1x1x16xf32>,
        %parallel_loop3A_583 = vector.shape_cast %parallel_loop3A_582 : vector<1x1x16xf32> to vector<16xf32>
        %parallel_loop3A_584 = arith.addf %parallel_loop3A_576, %parallel_loop3A_583 : vector<16xf32>
        %parallel_loop3A_585 = arith.constant 2 : i32
        %parallel_loop3A_586 = arith.constant 2 : i32
        %parallel_loop3A_587 = arith.index_cast %parallel_loop3A_585 : i32 to index
        %parallel_loop3A_588 = arith.index_cast %parallel_loop3A_586 : i32 to index
        %parallel_loop3A_589 = arith.index_cast %parallel_loop3A_557 : i32 to index
        %parallel_loop3A_590 = tpu.vector_load %arg16[%parallel_loop3A_587, %parallel_loop3A_588, %parallel_loop3A_589] {strides = array<i32>} : memref<11x4x768xf32, #tpu.memory_space<vmem>>, vector<1x1x16xf32>,
        %parallel_loop3A_591 = vector.shape_cast %parallel_loop3A_590 : vector<1x1x16xf32> to vector<16xf32>
        %parallel_loop3A_592 = arith.addf %parallel_loop3A_584, %parallel_loop3A_591 : vector<16xf32>
        %parallel_loop3A_593 = arith.constant 3 : i32
        %parallel_loop3A_594 = arith.constant 2 : i32
        %parallel_loop3A_595 = arith.index_cast %parallel_loop3A_593 : i32 to index
        %parallel_loop3A_596 = arith.index_cast %parallel_loop3A_594 : i32 to index
        %parallel_loop3A_597 = arith.index_cast %parallel_loop3A_557 : i32 to index
        %parallel_loop3A_598 = tpu.vector_load %arg16[%parallel_loop3A_595, %parallel_loop3A_596, %parallel_loop3A_597] {strides = array<i32>} : memref<11x4x768xf32, #tpu.memory_space<vmem>>, vector<1x1x16xf32>,
        %parallel_loop3A_599 = vector.shape_cast %parallel_loop3A_598 : vector<1x1x16xf32> to vector<16xf32>
        %parallel_loop3A_600 = arith.addf %parallel_loop3A_592, %parallel_loop3A_599 : vector<16xf32>
        %parallel_loop3A_601 = arith.constant 4 : i32
        %parallel_loop3A_602 = arith.constant 2 : i32
        %parallel_loop3A_603 = arith.index_cast %parallel_loop3A_601 : i32 to index
        %parallel_loop3A_604 = arith.index_cast %parallel_loop3A_602 : i32 to index
        %parallel_loop3A_605 = arith.index_cast %parallel_loop3A_557 : i32 to index
        %parallel_loop3A_606 = tpu.vector_load %arg16[%parallel_loop3A_603, %parallel_loop3A_604, %parallel_loop3A_605] {strides = array<i32>} : memref<11x4x768xf32, #tpu.memory_space<vmem>>, vector<1x1x16xf32>,
        %parallel_loop3A_607 = vector.shape_cast %parallel_loop3A_606 : vector<1x1x16xf32> to vector<16xf32>
        %parallel_loop3A_608 = arith.addf %parallel_loop3A_600, %parallel_loop3A_607 : vector<16xf32>
        %parallel_loop3A_609 = arith.constant 5 : i32
        %parallel_loop3A_610 = arith.constant 2 : i32
        %parallel_loop3A_611 = arith.index_cast %parallel_loop3A_609 : i32 to index
        %parallel_loop3A_612 = arith.index_cast %parallel_loop3A_610 : i32 to index
        %parallel_loop3A_613 = arith.index_cast %parallel_loop3A_557 : i32 to index
        %parallel_loop3A_614 = tpu.vector_load %arg16[%parallel_loop3A_611, %parallel_loop3A_612, %parallel_loop3A_613] {strides = array<i32>} : memref<11x4x768xf32, #tpu.memory_space<vmem>>, vector<1x1x16xf32>,
        %parallel_loop3A_615 = vector.shape_cast %parallel_loop3A_614 : vector<1x1x16xf32> to vector<16xf32>
        %parallel_loop3A_616 = arith.addf %parallel_loop3A_608, %parallel_loop3A_615 : vector<16xf32>
        %parallel_loop3A_617 = arith.constant 6 : i32
        %parallel_loop3A_618 = arith.constant 2 : i32
        %parallel_loop3A_619 = arith.index_cast %parallel_loop3A_617 : i32 to index
        %parallel_loop3A_620 = arith.index_cast %parallel_loop3A_618 : i32 to index
        %parallel_loop3A_621 = arith.index_cast %parallel_loop3A_557 : i32 to index
        %parallel_loop3A_622 = tpu.vector_load %arg16[%parallel_loop3A_619, %parallel_loop3A_620, %parallel_loop3A_621] {strides = array<i32>} : memref<11x4x768xf32, #tpu.memory_space<vmem>>, vector<1x1x16xf32>,
        %parallel_loop3A_623 = vector.shape_cast %parallel_loop3A_622 : vector<1x1x16xf32> to vector<16xf32>
        %parallel_loop3A_624 = arith.addf %parallel_loop3A_616, %parallel_loop3A_623 : vector<16xf32>
        %parallel_loop3A_625 = arith.constant 7 : i32
        %parallel_loop3A_626 = arith.constant 2 : i32
        %parallel_loop3A_627 = arith.index_cast %parallel_loop3A_625 : i32 to index
        %parallel_loop3A_628 = arith.index_cast %parallel_loop3A_626 : i32 to index
        %parallel_loop3A_629 = arith.index_cast %parallel_loop3A_557 : i32 to index
        %parallel_loop3A_630 = tpu.vector_load %arg16[%parallel_loop3A_627, %parallel_loop3A_628, %parallel_loop3A_629] {strides = array<i32>} : memref<11x4x768xf32, #tpu.memory_space<vmem>>, vector<1x1x16xf32>,
        %parallel_loop3A_631 = vector.shape_cast %parallel_loop3A_630 : vector<1x1x16xf32> to vector<16xf32>
        %parallel_loop3A_632 = arith.addf %parallel_loop3A_624, %parallel_loop3A_631 : vector<16xf32>
        %parallel_loop3A_633 = arith.constant 8 : i32
        %parallel_loop3A_634 = arith.constant 2 : i32
        %parallel_loop3A_635 = arith.index_cast %parallel_loop3A_633 : i32 to index
        %parallel_loop3A_636 = arith.index_cast %parallel_loop3A_634 : i32 to index
        %parallel_loop3A_637 = arith.index_cast %parallel_loop3A_557 : i32 to index
        %parallel_loop3A_638 = tpu.vector_load %arg16[%parallel_loop3A_635, %parallel_loop3A_636, %parallel_loop3A_637] {strides = array<i32>} : memref<11x4x768xf32, #tpu.memory_space<vmem>>, vector<1x1x16xf32>,
        %parallel_loop3A_639 = vector.shape_cast %parallel_loop3A_638 : vector<1x1x16xf32> to vector<16xf32>
        %parallel_loop3A_640 = arith.addf %parallel_loop3A_632, %parallel_loop3A_639 : vector<16xf32>
        %parallel_loop3A_641 = arith.constant 9 : i32
        %parallel_loop3A_642 = arith.constant 2 : i32
        %parallel_loop3A_643 = arith.index_cast %parallel_loop3A_641 : i32 to index
        %parallel_loop3A_644 = arith.index_cast %parallel_loop3A_642 : i32 to index
        %parallel_loop3A_645 = arith.index_cast %parallel_loop3A_557 : i32 to index
        %parallel_loop3A_646 = tpu.vector_load %arg16[%parallel_loop3A_643, %parallel_loop3A_644, %parallel_loop3A_645] {strides = array<i32>} : memref<11x4x768xf32, #tpu.memory_space<vmem>>, vector<1x1x16xf32>,
        %parallel_loop3A_647 = vector.shape_cast %parallel_loop3A_646 : vector<1x1x16xf32> to vector<16xf32>
        %parallel_loop3A_648 = arith.addf %parallel_loop3A_640, %parallel_loop3A_647 : vector<16xf32>
        %parallel_loop3A_649 = arith.constant 10 : i32
        %parallel_loop3A_650 = arith.constant 2 : i32
        %parallel_loop3A_651 = arith.index_cast %parallel_loop3A_649 : i32 to index
        %parallel_loop3A_652 = arith.index_cast %parallel_loop3A_650 : i32 to index
        %parallel_loop3A_653 = arith.index_cast %parallel_loop3A_557 : i32 to index
        %parallel_loop3A_654 = tpu.vector_load %arg16[%parallel_loop3A_651, %parallel_loop3A_652, %parallel_loop3A_653] {strides = array<i32>} : memref<11x4x768xf32, #tpu.memory_space<vmem>>, vector<1x1x16xf32>,
        %parallel_loop3A_655 = vector.shape_cast %parallel_loop3A_654 : vector<1x1x16xf32> to vector<16xf32>
        %parallel_loop3A_656 = arith.addf %parallel_loop3A_648, %parallel_loop3A_655 : vector<16xf32>
        %parallel_loop3A_657 = arith.constant 0 : i32
        %parallel_loop3A_658 = arith.index_cast %parallel_loop3A_657 : i32 to index
        %parallel_loop3A_659 = arith.index_cast %parallel_loop3A_557 : i32 to index
        %parallel_loop3A_660 = tpu.vector_load %arg18[%parallel_loop3A_658, %parallel_loop3A_659] {strides = array<i32>} : memref<2x768xf32, #tpu.memory_space<vmem>>, vector<1x16xf32>,
        %parallel_loop3A_661 = vector.shape_cast %parallel_loop3A_660 : vector<1x16xf32> to vector<16xf32>
        %parallel_loop3A_662 = arith.constant 1 : i32
        %parallel_loop3A_663 = arith.index_cast %parallel_loop3A_662 : i32 to index
        %parallel_loop3A_664 = arith.index_cast %parallel_loop3A_557 : i32 to index
        %parallel_loop3A_665 = tpu.vector_load %arg18[%parallel_loop3A_663, %parallel_loop3A_664] {strides = array<i32>} : memref<2x768xf32, #tpu.memory_space<vmem>>, vector<1x16xf32>,
        %parallel_loop3A_666 = vector.shape_cast %parallel_loop3A_665 : vector<1x16xf32> to vector<16xf32>
        %parallel_loop3A_667 = arith.select %parallel_loop3A_569, %parallel_loop3A_666, %parallel_loop3A_661 : vector<16xi1>, vector<16xf32>
        %parallel_loop3A_668 = arith.addf %parallel_loop3A_656, %parallel_loop3A_667 : vector<16xf32>
        %parallel_loop3A_669 = arith.constant 2 : i32
        %parallel_loop3A_670 = arith.index_cast %parallel_loop3A_669 : i32 to index
        %parallel_loop3A_671 = arith.index_cast %parallel_loop3A_557 : i32 to index
        %parallel_loop3A_672 = tpu.vector_load %arg17[%parallel_loop3A_670, %parallel_loop3A_671] {strides = array<i32>} : memref<4x768xf32, #tpu.memory_space<vmem>>, vector<1x16xf32>,
        %parallel_loop3A_673 = vector.shape_cast %parallel_loop3A_672 : vector<1x16xf32> to vector<16xf32>
        %parallel_loop3A_674 = vector.shape_cast %parallel_loop3A_668 : vector<16xf32> to vector<1x16xf32>
        tpu.vector_store %arg17[%parallel_loop3A_670, %parallel_loop3A_671], %parallel_loop3A_674 {strides = array<i32>} : memref<4x768xf32, #tpu.memory_space<vmem>>, vector<1x16xf32>,
      } {sc.loop_unroll_factor = 2 : i64, sc.parallel_access}
      %parallel_loop3A_544 = arith.constant 0 : i32
      %parallel_loop3A_545 = arith.constant 48 : i32
      %parallel_loop3A_546 = arith.constant 1 : i32
      scf.for %parallel_loop3A_555 = %parallel_loop3A_544 to %parallel_loop3A_545 step %parallel_loop3A_546  : i32 {
        %parallel_loop3A_556 = arith.constant 16 : i32
        %parallel_loop3A_557 = arith.muli %parallel_loop3A_555, %parallel_loop3A_556 : i32
        %parallel_loop3A_558 = arith.constant 4 : i32
        %parallel_loop3A_559 = arith.muli %add3A_356, %parallel_loop3A_558 : i32
        %parallel_loop3A_560 = arith.constant 3 : i32
        %parallel_loop3A_561 = arith.addi %parallel_loop3A_559, %parallel_loop3A_560 : i32
        %parallel_loop3A_562 = arith.constant 16 : i32
        %parallel_loop3A_563 = arith.muli %parallel_loop3A_561, %parallel_loop3A_562 : i32
        %parallel_loop3A_564 = arith.index_cast %parallel_loop3A_563 : i32 to index
        %parallel_loop3A_565 = tpu.vector_load %arg14[%parallel_loop3A_564] {strides = array<i32>} : memref<4096xf32, #tpu.memory_space<vmem>>, vector<16xf32>,
        %parallel_loop3A_566 = vector.shape_cast %parallel_loop3A_565 : vector<16xf32> to vector<16xf32>
        %parallel_loop3A_567 = arith.constant 5.000000e-01 : f32
        %parallel_loop3A_568 = vector.broadcast %parallel_loop3A_567 : f32 to vector<16xf32>
        %parallel_loop3A_569 = arith.cmpf ogt, %parallel_loop3A_566, %parallel_loop3A_568 : vector<16xf32>
        %parallel_loop3A_570 = arith.constant 0 : i32
        %parallel_loop3A_571 = arith.constant 3 : i32
        %parallel_loop3A_572 = arith.index_cast %parallel_loop3A_570 : i32 to index
        %parallel_loop3A_573 = arith.index_cast %parallel_loop3A_571 : i32 to index
        %parallel_loop3A_574 = arith.index_cast %parallel_loop3A_557 : i32 to index
        %parallel_loop3A_575 = tpu.vector_load %arg16[%parallel_loop3A_572, %parallel_loop3A_573, %parallel_loop3A_574] {strides = array<i32>} : memref<11x4x768xf32, #tpu.memory_space<vmem>>, vector<1x1x16xf32>,
        %parallel_loop3A_576 = vector.shape_cast %parallel_loop3A_575 : vector<1x1x16xf32> to vector<16xf32>
        %parallel_loop3A_577 = arith.constant 1 : i32
        %parallel_loop3A_578 = arith.constant 3 : i32
        %parallel_loop3A_579 = arith.index_cast %parallel_loop3A_577 : i32 to index
        %parallel_loop3A_580 = arith.index_cast %parallel_loop3A_578 : i32 to index
        %parallel_loop3A_581 = arith.index_cast %parallel_loop3A_557 : i32 to index
        %parallel_loop3A_582 = tpu.vector_load %arg16[%parallel_loop3A_579, %parallel_loop3A_580, %parallel_loop3A_581] {strides = array<i32>} : memref<11x4x768xf32, #tpu.memory_space<vmem>>, vector<1x1x16xf32>,
        %parallel_loop3A_583 = vector.shape_cast %parallel_loop3A_582 : vector<1x1x16xf32> to vector<16xf32>
        %parallel_loop3A_584 = arith.addf %parallel_loop3A_576, %parallel_loop3A_583 : vector<16xf32>
        %parallel_loop3A_585 = arith.constant 2 : i32
        %parallel_loop3A_586 = arith.constant 3 : i32
        %parallel_loop3A_587 = arith.index_cast %parallel_loop3A_585 : i32 to index
        %parallel_loop3A_588 = arith.index_cast %parallel_loop3A_586 : i32 to index
        %parallel_loop3A_589 = arith.index_cast %parallel_loop3A_557 : i32 to index
        %parallel_loop3A_590 = tpu.vector_load %arg16[%parallel_loop3A_587, %parallel_loop3A_588, %parallel_loop3A_589] {strides = array<i32>} : memref<11x4x768xf32, #tpu.memory_space<vmem>>, vector<1x1x16xf32>,
        %parallel_loop3A_591 = vector.shape_cast %parallel_loop3A_590 : vector<1x1x16xf32> to vector<16xf32>
        %parallel_loop3A_592 = arith.addf %parallel_loop3A_584, %parallel_loop3A_591 : vector<16xf32>
        %parallel_loop3A_593 = arith.constant 3 : i32
        %parallel_loop3A_594 = arith.constant 3 : i32
        %parallel_loop3A_595 = arith.index_cast %parallel_loop3A_593 : i32 to index
        %parallel_loop3A_596 = arith.index_cast %parallel_loop3A_594 : i32 to index
        %parallel_loop3A_597 = arith.index_cast %parallel_loop3A_557 : i32 to index
        %parallel_loop3A_598 = tpu.vector_load %arg16[%parallel_loop3A_595, %parallel_loop3A_596, %parallel_loop3A_597] {strides = array<i32>} : memref<11x4x768xf32, #tpu.memory_space<vmem>>, vector<1x1x16xf32>,
        %parallel_loop3A_599 = vector.shape_cast %parallel_loop3A_598 : vector<1x1x16xf32> to vector<16xf32>
        %parallel_loop3A_600 = arith.addf %parallel_loop3A_592, %parallel_loop3A_599 : vector<16xf32>
        %parallel_loop3A_601 = arith.constant 4 : i32
        %parallel_loop3A_602 = arith.constant 3 : i32
        %parallel_loop3A_603 = arith.index_cast %parallel_loop3A_601 : i32 to index
        %parallel_loop3A_604 = arith.index_cast %parallel_loop3A_602 : i32 to index
        %parallel_loop3A_605 = arith.index_cast %parallel_loop3A_557 : i32 to index
        %parallel_loop3A_606 = tpu.vector_load %arg16[%parallel_loop3A_603, %parallel_loop3A_604, %parallel_loop3A_605] {strides = array<i32>} : memref<11x4x768xf32, #tpu.memory_space<vmem>>, vector<1x1x16xf32>,
        %parallel_loop3A_607 = vector.shape_cast %parallel_loop3A_606 : vector<1x1x16xf32> to vector<16xf32>
        %parallel_loop3A_608 = arith.addf %parallel_loop3A_600, %parallel_loop3A_607 : vector<16xf32>
        %parallel_loop3A_609 = arith.constant 5 : i32
        %parallel_loop3A_610 = arith.constant 3 : i32
        %parallel_loop3A_611 = arith.index_cast %parallel_loop3A_609 : i32 to index
        %parallel_loop3A_612 = arith.index_cast %parallel_loop3A_610 : i32 to index
        %parallel_loop3A_613 = arith.index_cast %parallel_loop3A_557 : i32 to index
        %parallel_loop3A_614 = tpu.vector_load %arg16[%parallel_loop3A_611, %parallel_loop3A_612, %parallel_loop3A_613] {strides = array<i32>} : memref<11x4x768xf32, #tpu.memory_space<vmem>>, vector<1x1x16xf32>,
        %parallel_loop3A_615 = vector.shape_cast %parallel_loop3A_614 : vector<1x1x16xf32> to vector<16xf32>
        %parallel_loop3A_616 = arith.addf %parallel_loop3A_608, %parallel_loop3A_615 : vector<16xf32>
        %parallel_loop3A_617 = arith.constant 6 : i32
        %parallel_loop3A_618 = arith.constant 3 : i32
        %parallel_loop3A_619 = arith.index_cast %parallel_loop3A_617 : i32 to index
        %parallel_loop3A_620 = arith.index_cast %parallel_loop3A_618 : i32 to index
        %parallel_loop3A_621 = arith.index_cast %parallel_loop3A_557 : i32 to index
        %parallel_loop3A_622 = tpu.vector_load %arg16[%parallel_loop3A_619, %parallel_loop3A_620, %parallel_loop3A_621] {strides = array<i32>} : memref<11x4x768xf32, #tpu.memory_space<vmem>>, vector<1x1x16xf32>,
        %parallel_loop3A_623 = vector.shape_cast %parallel_loop3A_622 : vector<1x1x16xf32> to vector<16xf32>
        %parallel_loop3A_624 = arith.addf %parallel_loop3A_616, %parallel_loop3A_623 : vector<16xf32>
        %parallel_loop3A_625 = arith.constant 7 : i32
        %parallel_loop3A_626 = arith.constant 3 : i32
        %parallel_loop3A_627 = arith.index_cast %parallel_loop3A_625 : i32 to index
        %parallel_loop3A_628 = arith.index_cast %parallel_loop3A_626 : i32 to index
        %parallel_loop3A_629 = arith.index_cast %parallel_loop3A_557 : i32 to index
        %parallel_loop3A_630 = tpu.vector_load %arg16[%parallel_loop3A_627, %parallel_loop3A_628, %parallel_loop3A_629] {strides = array<i32>} : memref<11x4x768xf32, #tpu.memory_space<vmem>>, vector<1x1x16xf32>,
        %parallel_loop3A_631 = vector.shape_cast %parallel_loop3A_630 : vector<1x1x16xf32> to vector<16xf32>
        %parallel_loop3A_632 = arith.addf %parallel_loop3A_624, %parallel_loop3A_631 : vector<16xf32>
        %parallel_loop3A_633 = arith.constant 8 : i32
        %parallel_loop3A_634 = arith.constant 3 : i32
        %parallel_loop3A_635 = arith.index_cast %parallel_loop3A_633 : i32 to index
        %parallel_loop3A_636 = arith.index_cast %parallel_loop3A_634 : i32 to index
        %parallel_loop3A_637 = arith.index_cast %parallel_loop3A_557 : i32 to index
        %parallel_loop3A_638 = tpu.vector_load %arg16[%parallel_loop3A_635, %parallel_loop3A_636, %parallel_loop3A_637] {strides = array<i32>} : memref<11x4x768xf32, #tpu.memory_space<vmem>>, vector<1x1x16xf32>,
        %parallel_loop3A_639 = vector.shape_cast %parallel_loop3A_638 : vector<1x1x16xf32> to vector<16xf32>
        %parallel_loop3A_640 = arith.addf %parallel_loop3A_632, %parallel_loop3A_639 : vector<16xf32>
        %parallel_loop3A_641 = arith.constant 9 : i32
        %parallel_loop3A_642 = arith.constant 3 : i32
        %parallel_loop3A_643 = arith.index_cast %parallel_loop3A_641 : i32 to index
        %parallel_loop3A_644 = arith.index_cast %parallel_loop3A_642 : i32 to index
        %parallel_loop3A_645 = arith.index_cast %parallel_loop3A_557 : i32 to index
        %parallel_loop3A_646 = tpu.vector_load %arg16[%parallel_loop3A_643, %parallel_loop3A_644, %parallel_loop3A_645] {strides = array<i32>} : memref<11x4x768xf32, #tpu.memory_space<vmem>>, vector<1x1x16xf32>,
        %parallel_loop3A_647 = vector.shape_cast %parallel_loop3A_646 : vector<1x1x16xf32> to vector<16xf32>
        %parallel_loop3A_648 = arith.addf %parallel_loop3A_640, %parallel_loop3A_647 : vector<16xf32>
        %parallel_loop3A_649 = arith.constant 10 : i32
        %parallel_loop3A_650 = arith.constant 3 : i32
        %parallel_loop3A_651 = arith.index_cast %parallel_loop3A_649 : i32 to index
        %parallel_loop3A_652 = arith.index_cast %parallel_loop3A_650 : i32 to index
        %parallel_loop3A_653 = arith.index_cast %parallel_loop3A_557 : i32 to index
        %parallel_loop3A_654 = tpu.vector_load %arg16[%parallel_loop3A_651, %parallel_loop3A_652, %parallel_loop3A_653] {strides = array<i32>} : memref<11x4x768xf32, #tpu.memory_space<vmem>>, vector<1x1x16xf32>,
        %parallel_loop3A_655 = vector.shape_cast %parallel_loop3A_654 : vector<1x1x16xf32> to vector<16xf32>
        %parallel_loop3A_656 = arith.addf %parallel_loop3A_648, %parallel_loop3A_655 : vector<16xf32>
        %parallel_loop3A_657 = arith.constant 0 : i32
        %parallel_loop3A_658 = arith.index_cast %parallel_loop3A_657 : i32 to index
        %parallel_loop3A_659 = arith.index_cast %parallel_loop3A_557 : i32 to index
        %parallel_loop3A_660 = tpu.vector_load %arg18[%parallel_loop3A_658, %parallel_loop3A_659] {strides = array<i32>} : memref<2x768xf32, #tpu.memory_space<vmem>>, vector<1x16xf32>,
        %parallel_loop3A_661 = vector.shape_cast %parallel_loop3A_660 : vector<1x16xf32> to vector<16xf32>
        %parallel_loop3A_662 = arith.constant 1 : i32
        %parallel_loop3A_663 = arith.index_cast %parallel_loop3A_662 : i32 to index
        %parallel_loop3A_664 = arith.index_cast %parallel_loop3A_557 : i32 to index
        %parallel_loop3A_665 = tpu.vector_load %arg18[%parallel_loop3A_663, %parallel_loop3A_664] {strides = array<i32>} : memref<2x768xf32, #tpu.memory_space<vmem>>, vector<1x16xf32>,
        %parallel_loop3A_666 = vector.shape_cast %parallel_loop3A_665 : vector<1x16xf32> to vector<16xf32>
        %parallel_loop3A_667 = arith.select %parallel_loop3A_569, %parallel_loop3A_666, %parallel_loop3A_661 : vector<16xi1>, vector<16xf32>
        %parallel_loop3A_668 = arith.addf %parallel_loop3A_656, %parallel_loop3A_667 : vector<16xf32>
        %parallel_loop3A_669 = arith.constant 3 : i32
        %parallel_loop3A_670 = arith.index_cast %parallel_loop3A_669 : i32 to index
        %parallel_loop3A_671 = arith.index_cast %parallel_loop3A_557 : i32 to index
        %parallel_loop3A_672 = tpu.vector_load %arg17[%parallel_loop3A_670, %parallel_loop3A_671] {strides = array<i32>} : memref<4x768xf32, #tpu.memory_space<vmem>>, vector<1x16xf32>,
        %parallel_loop3A_673 = vector.shape_cast %parallel_loop3A_672 : vector<1x16xf32> to vector<16xf32>
        %parallel_loop3A_674 = vector.shape_cast %parallel_loop3A_668 : vector<16xf32> to vector<1x16xf32>
        tpu.vector_store %arg17[%parallel_loop3A_670, %parallel_loop3A_671], %parallel_loop3A_674 {strides = array<i32>} : memref<4x768xf32, #tpu.memory_space<vmem>>, vector<1x16xf32>,
      } {sc.loop_unroll_factor = 2 : i64, sc.parallel_access}
      %mul3A_547 = arith.constant 4 : i32
      %mul3A_548 = arith.muli %add3A_356, %mul3A_547 : i32
      %add3A_549 = arith.addi %mul3A_2, %mul3A_548 : i32
      %dma_start3A_550 = arith.constant 0 : i32
      %dma_start3A_551 = tpu.memref_slice %arg12[%add3A_549, %dma_start3A_550] : memref<8192x768xf32, #tpu.memory_space<hbm>> -> memref<4x768xf32, #tpu.memory_space<hbm>>
      %dma_start3A_552 = arith.constant 0 : i32
      %dma_start3A_553 = tpu.memref_slice %arg12[%add3A_549, %dma_start3A_552] : memref<8192x768xf32, #tpu.memory_space<hbm>> -> memref<4x768xf32, #tpu.memory_space<hbm>>
      tpu.enqueue_dma source(%arg17 : memref<4x768xf32, #tpu.memory_space<vmem>>) target(%dma_start3A_553 : memref<4x768xf32, #tpu.memory_space<hbm>>) target_semaphore(%arg21 : memref<!tpu.dma_semaphore, #tpu.memory_space<semaphore_mem>>)
      %scan3A_554 = arith.constant 0 : i32
      scf.yield %scan3A_554 : i32
    }
    %scan3A_153 = arith.constant 32 : i32
    %dma_wait3A = arith.constant 0 : i32
    %dma_wait3A_154 = arith.constant 0 : i32
    %dma_wait3A_155 = tpu.memref_slice %arg11[%dma_wait3A, %dma_wait3A_154] : memref<2048x768xf32, #tpu.memory_space<hbm>> -> memref<4x768xf32, #tpu.memory_space<hbm>>
    %dma_wait3A_156 = arith.constant 0 : i32
    %dma_wait3A_157 = arith.constant 0 : i32
    %dma_wait3A_158 = tpu.memref_slice %arg11[%dma_wait3A_156, %dma_wait3A_157] : memref<2048x768xf32, #tpu.memory_space<hbm>> -> memref<4x768xf32, #tpu.memory_space<hbm>>
    tpu.wait_dma2 semaphore(%arg21 : memref<!tpu.dma_semaphore, #tpu.memory_space<semaphore_mem>>) src(%dma_wait3A_158 : memref<4x768xf32, #tpu.memory_space<hbm>>) dst(%arg17 : memref<4x768xf32, #tpu.memory_space<vmem>>)
    return
  }
}

</mosaic_0001>

<sc_bundles>
// kernel: kernel.3.cloned.1.call-start
scs
__scs_entry_jumppad:
0x0: {  	(pc) =	sbr.rel $0x88, $3  }
0x1: {  	(tag) =	ssettag $0x0;
	lr =	simm.s32 $0x1  }
0x2: {  	[smem:$0x3F96] =	sst lr;
	_ =	strace $0xD0000000  }
0x3: {  	_ = 	snop  }
0x4: {  	_ = 	snop  }
0x5: {  	_ = 	snop  }
0x6: {  	_ = 	snop  }
0x7: {  	_ = 	snop  }
__scs_overlays_trampoline_lowered:
0x8: {  	[smem:$0x3FA5] =	sst s0  }
0x9: {  	[smem:$0x3FA6] =	sst s1  }
0xa: {  	[smem:$0x3FA7] =	sst s2  }
0xb: {  	[smem:$0x3FA8] =	sst s3  }
0xc: {  	[smem:$0x3FA9] =	sst s4  }
0xd: {  	[smem:$0x3FAA] =	sst s5  }
0xe: {  	[smem:$0x3FAB] =	sst s6  }
0xf: {  	[smem:$0x3FAC] =	sst s7  }
0x10: {  	[smem:$0x3FAD] =	sst s8  }
0x11: {  	[smem:$0x3FAE] =	sst s9;
	s0 =	simm.s32 @!p0 $0x0  }
0x12: {  	s1 =	sld [smem:$0x3F94];
	s0 =	simm.s32 @p0 $0x1  }
0x13: {  	[smem:$0x3FAF] =	sst s0;
	s0 =	simm.s32 @!p1 $0x0  }
0x14: {  	s2 =	sld [smem:$0x3F93];
	s0 =	simm.s32 @p1 $0x1  }
0x15: {  	[smem:$0x3FB0] =	sst s0;
	s0 =	simm.s32 @!p2 $0x0  }
0x16: {  	s3 =	sld [smem:$0x3FDB];
	s0 =	simm.s32 @p2 $0x1  }
0x17: {  	s4 =	simm.s32 $0x1BF5;
	[smem:$0x3FB2] =	sst s0  }
0x18: {  	s0 =	sld [smem:$0x3F95];
	_ =	swait.ge [sflag:s4], $0x0  }
0x19: {  	s7 =	sld [smem:$0x3F96]  }
0x1a: {  	s8 =	sadd.s32 $0xFFFFE003, lr  }
0x1b: {  	s9 =	sadd.s32 $0xFFFFFEF7, lr;
	s5 =	simm.s32 $0xFFFFFFFF;
	p2 =	slt.u32 s8, $0xFFFFF086  }
0x1c: {  	p1 =	slt.u32 s9, $0xF7A;
	s5 =	simm.s32 @!p2 $0x0  }
0x1d: {  	s5 =	simm.s32 @p1 $0x1;
	p0 =	seq.s32 s7, s2  }
0x1e: {  	s7 =	smul.u32 @!p0 $0xF7A, s2;
	p2 =	seq.s32 @!p0 s5, $0x0  }
0x1f: {  	s9 =	smul.u32 $0xF7A, s1;
	s8 =	simm.s32 @!p0 $0x1BF5;
	p2 =	por !p2, p0  }
0x20: {  	[sflag:s8] =	ssyncset.s32 @!p0 $0xFFFFF086;
	s6 =	sadd.s32 @!p0 s3, s7;
	s7 =	simm.s32 @!p0 $0x108  }
0x21: {  	s3 =	sadd.s32 s3, s9;
	s6 =	sadd.s32 @!p0 $0x88, s6;
	s7 =	simm.s32 @p2 $0x1082  }
0x22: {  	[simem:s7], [sflag:s8] =	dma.local @!p0 [hbm:s6], $0xF7A  }
0x23: {  	s9 =	sor.u32 $0xD0000000, s2;
	s6 =	simm.s32 $0x108;
	_ =	swait.ge @!p0 [sflag:s8], $0x0  }
0x24: {  	s3 =	sadd.s32 $0x88, s3;
	s6 =	simm.s32 @!p1 $0x1082;
	[sflag:s4] =	ssyncset.s32 $0xFFFFF086  }
0x25: {  	[simem:s6], [sflag:s4] =	dma.local [hbm:s3], $0xF7A  }
0x26: {  	[smem:$0x3F96] =	sst s1;
	(tag) =	ssettag s2;
	_ =	strace s9  }
0x27: {  	s1 =	sld [smem:$0x3FA6]  }
0x28: {  	s2 =	sld [smem:$0x3FA7]  }
0x29: {  	s4 =	sld [smem:$0x3FA9]  }
0x2a: {  	p0 =	seq.s32 s5, $0x0;
	s5 =	sld [smem:$0x3FAA]  }
0x2b: {  	s6 =	sld [smem:$0x3FAB]  }
0x2c: {  	s7 =	sld [smem:$0x3FAC]  }
0x2d: {  	s3 =	simm.s32 $0x108;
	s8 =	sld [smem:$0x3FAD]  }
0x2e: {  	s3 =	simm.s32 @!p0 $0x1082;
	s9 =	sld [smem:$0x3FAE]  }
0x2f: {  	lr =	sadd.s32 s0, s3;
	s0 =	sld [smem:$0x3FA5]  }
0x30: {  	s3 =	sld [smem:$0x3FA8]  }
0x31: {  	[smem:$0x3FB1] =	sst s10  }
0x32: {  	s10 =	sld [smem:$0x3FAF];
	_ =	sdelay $0x3  }
0x33: {  	p0 =	seq.s32 s10, $0x1;
	s10 =	sld [smem:$0x3FB1];
	_ =	sdelay $0x3  }
0x34: {  	[smem:$0x3FB1] =	sst s10  }
0x35: {  	s10 =	sld [smem:$0x3FB0];
	_ =	sdelay $0x3  }
0x36: {  	p1 =	seq.s32 s10, $0x1;
	s10 =	sld [smem:$0x3FB1];
	_ =	sdelay $0x3  }
0x37: {  	[smem:$0x3FB1] =	sst s10  }
0x38: {  	s10 =	sld [smem:$0x3FB2]  }
0x39: {  	_ = 	snop;
	(pc) =	sbr.ind lr, $3  }
0x3a: {  	_ = 	snop  }
0x3b: {  	_ = 	snop  }
0x3c: {  	p2 =	seq.s32 s10, $0x1;
	s10 =	sld [smem:$0x3FB1]  }
0x3d: {  	_ =	shalt  }
0x3e: {  	_ =	shalt  }
0x3f: {  	_ =	shalt  }
0x40: {  	_ =	shalt  }
0x41: {  	_ =	shalt  }
0x42: {  	_ =	shalt  }
0x43: {  	_ =	shalt  }
0x44: {  	_ =	shalt  }
0x45: {  	_ =	shalt  }
0x46: {  	_ =	shalt  }
0x47: {  	_ =	shalt  }
0x48: {  	_ =	shalt  }
0x49: {  	_ =	shalt  }
0x4a: {  	_ =	shalt  }
0x4b: {  	_ =	shalt  }
0x4c: {  	_ =	shalt  }
0x4d: {  	_ =	shalt  }
0x4e: {  	_ =	shalt  }
0x4f: {  	_ =	shalt  }
0x50: {  	_ =	shalt  }
0x51: {  	_ =	shalt  }
0x52: {  	_ =	shalt  }
0x53: {  	_ =	shalt  }
0x54: {  	_ =	shalt  }
0x55: {  	_ =	shalt  }
0x56: {  	_ =	shalt  }
0x57: {  	_ =	shalt  }
0x58: {  	_ =	shalt  }
0x59: {  	_ =	shalt  }
0x5a: {  	_ =	shalt  }
0x5b: {  	_ =	shalt  }
0x5c: {  	_ =	shalt  }
0x5d: {  	_ =	shalt  }
0x5e: {  	_ =	shalt  }
0x5f: {  	_ =	shalt  }
0x60: {  	_ =	shalt  }
0x61: {  	_ =	shalt  }
0x62: {  	_ =	shalt  }
0x63: {  	_ =	shalt  }
0x64: {  	_ =	shalt  }
0x65: {  	_ =	shalt  }
0x66: {  	_ =	shalt  }
0x67: {  	_ =	shalt  }
0x68: {  	_ =	shalt  }
0x69: {  	_ =	shalt  }
0x6a: {  	_ =	shalt  }
0x6b: {  	_ =	shalt  }
0x6c: {  	_ =	shalt  }
0x6d: {  	_ =	shalt  }
0x6e: {  	_ =	shalt  }
0x6f: {  	_ =	shalt  }
0x70: {  	_ =	shalt  }
0x71: {  	_ =	shalt  }
0x72: {  	_ =	shalt  }
0x73: {  	_ =	shalt  }
0x74: {  	_ =	shalt  }
0x75: {  	_ =	shalt  }
0x76: {  	_ =	shalt  }
0x77: {  	_ =	shalt  }
0x78: {  	_ =	shalt  }
0x79: {  	_ =	shalt  }
0x7a: {  	_ =	shalt  }
0x7b: {  	_ =	shalt  }
0x7c: {  	_ =	shalt  }
0x7d: {  	_ =	shalt  }
0x7e: {  	_ =	shalt  }
0x7f: {  	_ =	shalt  }
0x80: {  	_ =	shalt  }
0x81: {  	_ =	shalt  }
0x82: {  	_ =	shalt  }
0x83: {  	_ =	shalt  }
0x84: {  	_ =	shalt  }
0x85: {  	_ =	shalt  }
0x86: {  	_ =	shalt  }
0x87: {  	_ =	shalt  }
.Lfunc_end0:
.L_simem_size_0:
called_computation_lowered:
.L_overlay_start_0:
0x88: {  	s2 =	sld [smem:$0x3FD9]  }
0x89: {  	s3 =	sld [smem:$0x3FFE];
	_ =	sdelay $0x1  }
0x8a: {  	s1 =	srdreg.scid  }
0x8b: {  	s0 =	sand.u32 $0x1, s1  }
0x8c: {  	s17 =	sshll.u32 s0, $0xA;
	s2 =	sadd.s32 s3, s2  }
0x8d: {  	s2 =	sadd.s32 s2, s17  }
0x8e: {  	[smem:$0x3FBD] =	sst s2  }
0x8f: {  	_ = 	snop  }
0x90: {  	s2 =	sld [smem:$0x3FC6]  }
0x91: {  	s18 =	sld [smem:$0x3FC5]  }
0x92: {  	s4 =	sld [smem:$0x3FC4]  }
0x93: {  	s5 =	sld [smem:$0x3FC3]  }
0x94: {  	s6 =	sld [smem:$0x3FC2]  }
0x95: {  	s7 =	sld [smem:$0x3FC1]  }
0x96: {  	s8 =	sld [smem:$0x3FC0]  }
0x97: {  	s9 =	sld [smem:$0x3FBF]  }
0x98: {  	s10 =	sld [smem:$0x3FD0];
	(tm) =	ssettm $0x1  }
0x99: {  	s11 =	sld [smem:$0x3FFB];
	_ =	sdelay $0x3  }
0x9a: {  	_ =	strace s11  }
0x9b: {  	s11 =	sld [smem:$0x3FFC];
	_ =	sdelay $0x3  }
0x9c: {  	_ =	strace s11  }
0x9d: {  	s11 =	sld [smem:$0x3FFD];
	_ =	sdelay $0x3  }
0x9e: {  	_ =	strace s11  }
0x9f: {  	_ =	strace $0x8FFFFFFF  }
0xa0: {  	s19 =	sld [smem:$0x3FDB];
	_ =	sdelay $0x1  }
0xa1: {  	s12 =	simm.s32 $_scs_section_size  }
0xa2: {  	s13 =	simm.s32 $_size__tile_overlayer_lowered;
	s14 =	simm.s32 $_tile_overlayer_lowered  }
0xa3: {  	s22 =	simm.s32 $0x1BFF;
	s21 =	sshll.u32 s14, $0x1;
	s11 =	sadd.s32 s12, s19  }
0xa4: {  	s15 =	simm.s32 $0x0;
	s20 =	sshll.u32 s13, $0x1;
	s13 =	sadd.s32 s21, s11  }
0xa5: {  	[timem:s15], [sflag:s22] =	dma.local [hbm:s13], s20  }
0xa6: {  	_ =	swait.ge [sflag:s22], s20  }
0xa7: {  	s12 =	ssub.s32 $0x0, s20;
	[sflag:s22] =	ssyncset.done $0x0  }
0xa8: {  	[sflag:s22] =	ssyncadd.s32 s12;
	_ =	sdelay $0x1  }
0xa9: {  	s23 =	simm.s32 $0x1B8B  }
0xaa: {  	_ =	swait.ge [sflag:s23], $0x1  }
0xab: {  	[sflag:s23] =	ssyncset.done $0x0  }
0xac: {  	s25 =	simm.s32 $0x1B8E;
	s24 =	sld [smem:$0x3FFE];
	[sflag:s23] =	ssyncadd.s32 $0xFFFFFFFF  }
0xad: {  	s26 =	simm.s32 $execute0_lowered;
	[smem:$0x3FD2] =	sst s25  }
0xae: {  	s13 =	sshll.u32 s26, $0x1;
	_ =	strace $0x80000046;
	[dreg:$0x1] =	wrdreg $0xFFFFFFFF  }
0xaf: {  	s28 =	simm.s32 $_size_execute0_lowered;
	s11 =	sadd.s32 s11, s13;
	[dreg:$0x0] =	wrdreg $0x0  }
0xb0: {  	s13 =	sshll.u32 s28, $0x1;
	[dreg:$0x2] =	wrdreg s11  }
0xb1: {  	[dreg:$0x3] =	wrdreg s13  }
0xb2: {  	[dreg:$0x4] =	wrdreg $0xC0  }
0xb3: {  	_ =	task [dreg:s15], $0x5FFFF  }
0xb4: {  	[dreg:$0x1] =	wrdreg $0xFFFFFFFF  }
0xb5: {  	[dreg:$0x0] =	wrdreg $0x60  }
0xb6: {  	[dreg:$0x2] =	wrdreg s24  }
0xb7: {  	[dreg:$0x3] =	wrdreg s2  }
0xb8: {  	[dreg:$0x4] =	wrdreg s4  }
0xb9: {  	[dreg:$0x5] =	wrdreg s5  }
0xba: {  	[dreg:$0x6] =	wrdreg s6  }
0xbb: {  	[dreg:$0x7] =	wrdreg s7  }
0xbc: {  	[dreg:$0x8] =	wrdreg s8  }
0xbd: {  	[dreg:$0x9] =	wrdreg s9  }
0xbe: {  	[dreg:$0xa] =	wrdreg s18  }
0xbf: {  	[dreg:$0xb] =	wrdreg s10  }
0xc0: {  	[dreg:$0xc] =	wrdreg $0x9  }
0xc1: {  	_ =	task.clear_ibuf [dreg:s15], $0xDFFFF;
	_ =	strace $0x90000046  }
0xc2: {  	s29 =	simm.s32 $0x9;
	_ =	strace $0x80000048  }
0xc3: {  	_ =	swait.ge [sflag:s29], $0x1  }
0xc4: {  	[sflag:s29] =	ssyncadd.s32 $0xFFFFFFFF  }
0xc5: {  	_ =	strace $0x90000048  }
0xc6: {  	_ =	sfence  }
0xc7: {  	s30 =	sld [smem:$0x0];
	_ =	sdelay $0x2  }
0xc8: {  	s31 =	sshll.u32 s1, $0xD;
	s1 =	sshrl.u32 s1, $0x2  }
0xc9: {  	s3 =	sand.u32 $0x4000, s31;
	s1 =	sadd.s32 s1, s30  }
0xca: {  	s0 =	sor.u32 s3, s0;
	s1 =	sshll.u32 s1, $0x11  }
0xcb: {  	s0 =	sor.u32 s1, s0  }
0xcc: {  	s0 =	sadd.s32 $0x8F2B, s0  }
0xcd: {  	[sflag:s0] =	ssyncadd.remote.s32 $0x1  }
0xce: {  	_ =	sfence.sel $0xFFFF  }
0xcf: {  	[dreg:$0x0] =	wrdreg $0xFFFFFFFF;
	(pc) =	sbr.abs _section_cstart, $3  }
0xd0: {  	[dreg:$0x1] =	wrdreg $0xFFFFFFFF  }
0xd1: {  	_ =	task.clear_ibuf [dreg:s15], $0x2FFFF;
	_ =	strace $0x9FFFFFFF  }
0xd2: {  	(tm) =	ssettm $0x7FFFFFFF  }
0xd3: {  	_ =	shalt  }
tec
execute0_lowered:
.L_overlay_start_1:
0x0: {  	(tag) =	ssettag $0x1  }
0x1: {  	s0 =	rddreg [dreg:$0x0]  }
0x2: {  	s1 =	rddreg [dreg:$0x1]  }
0x3: {  	s2 =	rddreg [dreg:$0x2]  }
0x4: {  	s3 =	rddreg [dreg:$0x3]  }
0x5: {  	s5 =	rddreg [dreg:$0x4]  }
0x6: {  	s12 =	rddreg [dreg:$0x5]  }
0x7: {  	s13 =	rddreg [dreg:$0x6]  }
0x8: {  	s4 =	srdreg.scid;
	s14 =	rddreg [dreg:$0x8]  }
0x9: {  	s6 =	stileid.u32;
	s15 =	rddreg [dreg:$0x9]  }
0xa: {  	s11 =	simm.s32 $0x0;
	s4 =	sand.u32 $0x1, s4;
	s6 =	sshll.u32 s6, $0x1  }
0xb: {  	[smem:$0x7FF] =	sst s11;
	s26 =	sadd.s32 $0x200, s1;
	s18 =	sadd.s32 $0x200, s2  }
0xc: {  	s19 =	sadd.s32 $0x200, s3;
	s20 =	sadd.s32 $0x200, s5;
	s21 =	sadd.s32 $0x200, s12  }
0xd: {  	s22 =	sadd.s32 $0x200, s13;
	s28 =	sadd.s32 $0x40, s14;
	s31 =	sadd.s32 $0x40, s15  }
0xe: {  	s15 =	simm.s32 $0x3;
	_ =	strace $0x80000047;
	[dreg:$0x10] =	wrdreg s26  }
0xf: {  	s1 =	simm.s32 $0x0;
	s6 =	sor.u32 s4, s6;
	[dreg:$0x11] =	wrdreg s28  }
0x10: {  	s4 =	ssub.s32 $0x2, s4;
	[dreg:$0x14] =	wrdreg s31;
	s7 =	sshll.u32 s6, $0x8  }
0x11: {  	s24 =	sshll.u32 s6, $0x9;
	s9 =	sshrl.u32 s4, $0x1;
	s29 =	sshll.u32 s6, $0x5  }
0x12: {  	s8 =	sand.u32 $0x700, s7;
	s7 =	sadd.s32 s7, s0;
	[dreg:$0x12] =	wrdreg s29  }
0x13: {  	s0 =	sadd.s32 s24, s0;
	[dreg:$0xb] =	wrdreg s8;
	s10 =	sshrl.u32 s8, $0x3  }
0x14: {  	s4 =	ssub.s32 s4, s9;
	s7 =	sadd.s32 $0x4800, s7;
	[dreg:$0xc] =	wrdreg s10  }
0x15: {  	s0 =	sadd.s32 $0x800, s0;
	s10 =	smul.u32 $0x300, s10;
	[dreg:$0xd] =	wrdreg s7  }
0x16: {  	v1 =	vlaneseq.u32;
	s30 =	smax.u32 s4, $0x1;
	s4 =	simm.s32 $0x200;
	[dreg:$0xe] =	wrdreg s0  }
0x17: {  	v0 =	vand.u32 $0x3, v1;
	v1 =	vshrl.u32 v1, $0x2;
	[dreg:$0x13] =	wrdreg s30;
	s7 =	simm.s32 $0x400;
	s25 =	sadd.s32 s14, s10  }
0x18: {  	vm0 =	vmmov $0xffff;
	vm1 =	vmmov $0xff;
	v1 =	vmul.u32 $0x8, v1;
	s10 =	simm.s32 $0x1;
	s14 =	simm.s32 $0x2;
	[dreg:$0xf] =	wrdreg s25  }
.LBB2_1:
0x19: {  	[dreg:$0x15] =	wrdreg s1  }
0x1a: {  	s0 =	rddreg [dreg:$0xd]  }
0x1b: {  	s5 =	simm.s32 $0x800;
	s2 =	simm.s32 $0x10000;
	s6 =	simm.s32 $0x4  }
0x1c: {  	[tilespmem:s11], [sflag:$0x4] =	stream.strided.gather [hbm4b:s0+s5], $0x1000, s2, s5, $0x38;
	[tilespmem:$0x13A00] =	vst v63  }
0x1d: {  	_ =	swait.ge [sflag:s6], $0x1000  }
0x1e: {  	[sflag:s6] =	ssyncset.done $0x0  }
0x1f: {  	[sflag:s6] =	ssyncadd.s32 $0xFFFFF000  }
0x20: {  	s9 =	simm.s32 $0x13400;
	s8 =	rddreg [dreg:$0x7]  }
0x21: {  	[tilespmem:s9], [sflag:$0x4] =	stream.linear.gather [hbm4b:s8+s11], $0x600, $0x38;
	[tilespmem:$0x13A00] =	vst v63  }
0x22: {  	_ =	swait.ge [sflag:s6], $0x600  }
0x23: {  	[sflag:s6] =	ssyncset.done $0x0  }
0x24: {  	s13 =	simm.s32 $0x1000;
	s12 =	rddreg [dreg:$0xe];
	[sflag:s6] =	ssyncadd.s32 $0xFFFFFA00  }
0x25: {  	[tilespmem:s13], [sflag:$0x4] =	stream.linear.gather [hbm4b:s12+s11], $0x1000, $0x38;
	[tilespmem:$0x13A00] =	vst v63  }
0x26: {  	_ =	swait.ge [sflag:s6], $0x1000  }
0x27: {  	[sflag:s6] =	ssyncset.done $0x0  }
0x28: {  	s17 =	simm.s32 $0x9800;
	s16 =	rddreg [dreg:$0xf];
	[sflag:s6] =	ssyncadd.s32 $0xFFFFF000  }
0x29: {  	[tilespmem:s17], [sflag:$0x1] =	stream.strided.gather [hbm4b:s16+s4], $0xC00, s7, s4, $0x38;
	[tilespmem:$0x13A00] =	vst v63  }
0x2a: {  	v2 =	vld.msk [tilespmem:$0x0], $0xf;
	_ =	sdelay $0x4  }
0x2b: {  	v3 =	vshrl.u32 v2, $0x3  }
0x2c: {  	v3 =	vmul.u32 $0x30, v3  }
0x2d: {  	v2 =	vand.u32 $0x7, v2  }
0x2e: {  	v2 =	vor.u32 v2, v3  }
0x2f: {  	v2 =	vperm.xlane v2, v0;
	_ =	sdelay $0x1  }
0x30: {  	v2 =	vadd.s32 v1, v2;
	_ =	sdelay $0x3  }
0x31: {  	s24 =	simm.s32 $0x2000;
	s23 =	rddreg [dreg:$0x1]  }
0x32: {  	[tilespmem:s24], [sflag:$0x1] =	stream.indirect_vreg.gather [hbm4b:s23+s11], $0x80, v2, vm0, $0xb8;
	[tilespmem:$0x13A00] =	vst v63  }
0x33: {  	s26 =	simm.s32 $0x2800;
	s25 =	rddreg [dreg:$0x10]  }
0x34: {  	[tilespmem:s26], [sflag:$0x1] =	stream.indirect_vreg.gather [hbm4b:s25+s11], $0x80, v2, vm1, $0xb8;
	[tilespmem:$0x13A00] =	vst v63  }
0x35: {  	v2 =	vld.msk [tilespmem:$0x80], $0xf;
	_ =	sdelay $0x4  }
0x36: {  	v3 =	vshrl.u32 v2, $0x3  }
0x37: {  	v3 =	vmul.u32 $0x30, v3  }
0x38: {  	v2 =	vand.u32 $0x7, v2  }
0x39: {  	v2 =	vor.u32 v2, v3  }
0x3a: {  	v2 =	vperm.xlane v2, v0;
	_ =	sdelay $0x1  }
0x3b: {  	v2 =	vadd.s32 v1, v2;
	_ =	sdelay $0x3  }
0x3c: {  	s29 =	simm.s32 $0x2C00;
	s28 =	rddreg [dreg:$0x2]  }
0x3d: {  	[tilespmem:s29], [sflag:$0x1] =	stream.indirect_vreg.gather [hbm4b:s28+s11], $0x80, v2, vm0, $0xb8;
	[tilespmem:$0x13A00] =	vst v63  }
0x3e: {  	s30 =	simm.s32 $0x3400  }
0x3f: {  	[tilespmem:s30], [sflag:$0x1] =	stream.indirect_vreg.gather [hbm4b:s18+s11], $0x80, v2, vm1, $0xb8;
	[tilespmem:$0x13A00] =	vst v63  }
0x40: {  	v2 =	vld.msk [tilespmem:$0x100], $0xf;
	_ =	sdelay $0x4  }
0x41: {  	v3 =	vshrl.u32 v2, $0x3  }
0x42: {  	v3 =	vmul.u32 $0x30, v3  }
0x43: {  	v2 =	vand.u32 $0x7, v2  }
0x44: {  	v2 =	vor.u32 v2, v3  }
0x45: {  	v2 =	vperm.xlane v2, v0;
	_ =	sdelay $0x1  }
0x46: {  	v2 =	vadd.s32 v1, v2;
	_ =	sdelay $0x3  }
0x47: {  	s31 =	simm.s32 $0x3800  }
0x48: {  	[tilespmem:s31], [sflag:$0x1] =	stream.indirect_vreg.gather [hbm4b:s28+s11], $0x80, v2, vm0, $0xb8;
	[tilespmem:$0x13A00] =	vst v63  }
0x49: {  	s1 =	simm.s32 $0x4000  }
0x4a: {  	[tilespmem:s1], [sflag:$0x1] =	stream.indirect_vreg.gather [hbm4b:s18+s11], $0x80, v2, vm1, $0xb8;
	[tilespmem:$0x13A00] =	vst v63  }
0x4b: {  	v2 =	vld.msk [tilespmem:$0x180], $0xf;
	_ =	sdelay $0x4  }
0x4c: {  	v3 =	vshrl.u32 v2, $0x3  }
0x4d: {  	v3 =	vmul.u32 $0x30, v3  }
0x4e: {  	v2 =	vand.u32 $0x7, v2  }
0x4f: {  	v2 =	vor.u32 v2, v3  }
0x50: {  	v2 =	vperm.xlane v2, v0;
	_ =	sdelay $0x1  }
0x51: {  	v2 =	vadd.s32 v1, v2;
	_ =	sdelay $0x3  }
0x52: {  	s3 =	simm.s32 $0x4400;
	s2 =	rddreg [dreg:$0x3]  }
0x53: {  	[tilespmem:s3], [sflag:$0x1] =	stream.indirect_vreg.gather [hbm4b:s2+s11], $0x80, v2, vm0, $0xb8;
	[tilespmem:$0x13A00] =	vst v63  }
0x54: {  	s5 =	simm.s32 $0x4C00  }
0x55: {  	[tilespmem:s5], [sflag:$0x1] =	stream.indirect_vreg.gather [hbm4b:s19+s11], $0x80, v2, vm1, $0xb8;
	[tilespmem:$0x13A00] =	vst v63  }
0x56: {  	v2 =	vld.msk [tilespmem:$0x200], $0xf;
	_ =	sdelay $0x4  }
0x57: {  	v3 =	vshrl.u32 v2, $0x3  }
0x58: {  	v3 =	vmul.u32 $0x30, v3  }
0x59: {  	v2 =	vand.u32 $0x7, v2  }
0x5a: {  	v2 =	vor.u32 v2, v3  }
0x5b: {  	v2 =	vperm.xlane v2, v0;
	_ =	sdelay $0x1  }
0x5c: {  	v2 =	vadd.s32 v1, v2;
	_ =	sdelay $0x3  }
0x5d: {  	s6 =	simm.s32 $0x5000  }
0x5e: {  	[tilespmem:s6], [sflag:$0x1] =	stream.indirect_vreg.gather [hbm4b:s2+s11], $0x80, v2, vm0, $0xb8;
	[tilespmem:$0x13A00] =	vst v63  }
0x5f: {  	s8 =	simm.s32 $0x5800  }
0x60: {  	[tilespmem:s8], [sflag:$0x1] =	stream.indirect_vreg.gather [hbm4b:s19+s11], $0x80, v2, vm1, $0xb8;
	[tilespmem:$0x13A00] =	vst v63  }
0x61: {  	v2 =	vld.msk [tilespmem:$0x280], $0xf;
	_ =	sdelay $0x4  }
0x62: {  	v3 =	vshrl.u32 v2, $0x3  }
0x63: {  	v3 =	vmul.u32 $0x30, v3  }
0x64: {  	v2 =	vand.u32 $0x7, v2  }
0x65: {  	v2 =	vor.u32 v2, v3  }
0x66: {  	v2 =	vperm.xlane v2, v0;
	_ =	sdelay $0x1  }
0x67: {  	v2 =	vadd.s32 v1, v2;
	_ =	sdelay $0x3  }
0x68: {  	s12 =	simm.s32 $0x5C00;
	s9 =	rddreg [dreg:$0x4]  }
0x69: {  	[tilespmem:s12], [sflag:$0x1] =	stream.indirect_vreg.gather [hbm4b:s9+s11], $0x80, v2, vm0, $0xb8;
	[tilespmem:$0x13A00] =	vst v63  }
0x6a: {  	s13 =	simm.s32 $0x6400  }
0x6b: {  	[tilespmem:s13], [sflag:$0x1] =	stream.indirect_vreg.gather [hbm4b:s20+s11], $0x80, v2, vm1, $0xb8;
	[tilespmem:$0x13A00] =	vst v63  }
0x6c: {  	v2 =	vld.msk [tilespmem:$0x300], $0xf;
	_ =	sdelay $0x4  }
0x6d: {  	v3 =	vshrl.u32 v2, $0x3  }
0x6e: {  	v3 =	vmul.u32 $0x30, v3  }
0x6f: {  	v2 =	vand.u32 $0x7, v2  }
0x70: {  	v2 =	vor.u32 v2, v3  }
0x71: {  	v2 =	vperm.xlane v2, v0;
	_ =	sdelay $0x1  }
0x72: {  	v2 =	vadd.s32 v1, v2;
	_ =	sdelay $0x3  }
0x73: {  	s16 =	simm.s32 $0x6800  }
0x74: {  	[tilespmem:s16], [sflag:$0x1] =	stream.indirect_vreg.gather [hbm4b:s9+s11], $0x80, v2, vm0, $0xb8;
	[tilespmem:$0x13A00] =	vst v63  }
0x75: {  	s17 =	simm.s32 $0x7000  }
0x76: {  	[tilespmem:s17], [sflag:$0x1] =	stream.indirect_vreg.gather [hbm4b:s20+s11], $0x80, v2, vm1, $0xb8;
	[tilespmem:$0x13A00] =	vst v63  }
0x77: {  	v2 =	vld.msk [tilespmem:$0x380], $0xf;
	_ =	sdelay $0x4  }
0x78: {  	v3 =	vshrl.u32 v2, $0x3  }
0x79: {  	v3 =	vmul.u32 $0x30, v3  }
0x7a: {  	v2 =	vand.u32 $0x7, v2  }
0x7b: {  	v2 =	vor.u32 v2, v3  }
0x7c: {  	v2 =	vperm.xlane v2, v0;
	_ =	sdelay $0x1  }
0x7d: {  	v2 =	vadd.s32 v1, v2;
	_ =	sdelay $0x3  }
0x7e: {  	s23 =	rddreg [dreg:$0x5];
	s24 =	simm.s32 $0x7400  }
0x7f: {  	[tilespmem:s24], [sflag:$0x1] =	stream.indirect_vreg.gather [hbm4b:s23+s11], $0x80, v2, vm0, $0xb8;
	[tilespmem:$0x13A00] =	vst v63  }
0x80: {  	s25 =	simm.s32 $0x7C00  }
0x81: {  	[tilespmem:s25], [sflag:$0x1] =	stream.indirect_vreg.gather [hbm4b:s21+s11], $0x80, v2, vm1, $0xb8;
	[tilespmem:$0x13A00] =	vst v63  }
0x82: {  	v2 =	vld.msk [tilespmem:$0x800], $0xf;
	_ =	sdelay $0x4  }
0x83: {  	v3 =	vshrl.u32 v2, $0x3  }
0x84: {  	v3 =	vmul.u32 $0x30, v3  }
0x85: {  	v2 =	vand.u32 $0x7, v2  }
0x86: {  	v2 =	vor.u32 v2, v3  }
0x87: {  	v2 =	vperm.xlane v2, v0;
	_ =	sdelay $0x1  }
0x88: {  	v2 =	vadd.s32 v1, v2;
	_ =	sdelay $0x3  }
0x89: {  	s26 =	simm.s32 $0x8000  }
0x8a: {  	[tilespmem:s26], [sflag:$0x1] =	stream.indirect_vreg.gather [hbm4b:s23+s11], $0x80, v2, vm0, $0xb8;
	[tilespmem:$0x13A00] =	vst v63  }
0x8b: {  	s28 =	simm.s32 $0x8800  }
0x8c: {  	[tilespmem:s28], [sflag:$0x1] =	stream.indirect_vreg.gather [hbm4b:s21+s11], $0x80, v2, vm1, $0xb8;
	[tilespmem:$0x13A00] =	vst v63  }
0x8d: {  	v2 =	vld.msk [tilespmem:$0x880], $0xf;
	_ =	sdelay $0x4  }
0x8e: {  	v3 =	vshrl.u32 v2, $0x3  }
0x8f: {  	v3 =	vmul.u32 $0x30, v3  }
0x90: {  	v2 =	vand.u32 $0x7, v2  }
0x91: {  	v2 =	vor.u32 v2, v3  }
0x92: {  	v2 =	vperm.xlane v2, v0;
	_ =	sdelay $0x1  }
0x93: {  	v2 =	vadd.s32 v1, v2;
	_ =	sdelay $0x3  }
0x94: {  	s29 =	rddreg [dreg:$0x6];
	s30 =	simm.s32 $0x8C00  }
0x95: {  	[tilespmem:s30], [sflag:$0x1] =	stream.indirect_vreg.gather [hbm4b:s29+s11], $0x80, v2, vm0, $0xb8;
	[tilespmem:$0x13A00] =	vst v63  }
0x96: {  	s31 =	simm.s32 $0x9400;
	s16 =	simm.s32 $0x0  }
0x97: {  	[tilespmem:s31], [sflag:$0x1] =	stream.indirect_vreg.gather [hbm4b:s22+s11], $0x80, v2, vm1, $0xb8;
	[tilespmem:$0x13A00] =	vst v63  }
.LBB2_2:
0x98: {  	s0 =	rddreg [dreg:$0xc]  }
0x99: {  	s0 =	sadd.s32 s0, s16  }
0x9a: {  	s0 =	smul.u32 $0x300, s0  }
0x9b: {  	s1 =	rddreg [dreg:$0x11];
	s24 =	simm.s32 $0x11C00  }
0x9c: {  	s25 =	sshll.u32 s16, $0x3;
	s6 =	sshll.u32 s16, $0x6;
	s0 =	sadd.s32 s0, s1  }
0x9d: {  	[tilespmem:s24], [sflag:$0x2] =	stream.strided.gather [hbm4b:s0+s4], $0xC00, s7, s4, $0x38;
	[tilespmem:$0x13A00] =	vst v63  }
0x9e: {  	s6 =	sand.u32 $0x400, s6;
	s0 =	sand.u32 $0x78, s25  }
0x9f: {  	s0 =	sor.u32 s6, s0  }
0xa0: {  	s6 =	sor.u32 $0x4, s0  }
0xa1: {  	v2 =	vld.msk [tilespmem:s6+$0x0], $0xf;
	_ =	sdelay $0x4  }
0xa2: {  	v3 =	vshrl.u32 v2, $0x3  }
0xa3: {  	v3 =	vmul.u32 $0x30, v3  }
0xa4: {  	v2 =	vand.u32 $0x7, v2  }
0xa5: {  	v2 =	vor.u32 v2, v3  }
0xa6: {  	v2 =	vperm.xlane v2, v0;
	_ =	sdelay $0x1  }
0xa7: {  	v2 =	vadd.s32 v1, v2;
	_ =	sdelay $0x3  }
0xa8: {  	s26 =	rddreg [dreg:$0x1];
	s2 =	simm.s32 $0xA400  }
0xa9: {  	[tilespmem:s2], [sflag:$0x2] =	stream.indirect_vreg.gather [hbm4b:s26+s11], $0x80, v2, vm0, $0xb8;
	[tilespmem:$0x13A00] =	vst v63  }
0xaa: {  	s3 =	simm.s32 $0xAC00;
	s5 =	sor.u32 $0x84, s0;
	s2 =	rddreg [dreg:$0x10]  }
0xab: {  	[tilespmem:s3], [sflag:$0x2] =	stream.indirect_vreg.gather [hbm4b:s2+s11], $0x80, v2, vm1, $0xb8;
	[tilespmem:$0x13A00] =	vst v63  }
0xac: {  	v2 =	vld.msk [tilespmem:s5+$0x0], $0xf;
	_ =	sdelay $0x4  }
0xad: {  	v3 =	vshrl.u32 v2, $0x3  }
0xae: {  	v3 =	vmul.u32 $0x30, v3  }
0xaf: {  	v2 =	vand.u32 $0x7, v2  }
0xb0: {  	v2 =	vor.u32 v2, v3  }
0xb1: {  	v2 =	vperm.xlane v2, v0;
	_ =	sdelay $0x1  }
0xb2: {  	v2 =	vadd.s32 v1, v2;
	_ =	sdelay $0x3  }
0xb3: {  	s8 =	rddreg [dreg:$0x2];
	s9 =	simm.s32 $0xB000  }
0xb4: {  	[tilespmem:s9], [sflag:$0x2] =	stream.indirect_vreg.gather [hbm4b:s8+s11], $0x80, v2, vm0, $0xb8;
	[tilespmem:$0x13A00] =	vst v63  }
0xb5: {  	s12 =	simm.s32 $0xB800;
	s13 =	sor.u32 $0x104, s0  }
0xb6: {  	[tilespmem:s12], [sflag:$0x2] =	stream.indirect_vreg.gather [hbm4b:s18+s11], $0x80, v2, vm1, $0xb8;
	[tilespmem:$0x13A00] =	vst v63  }
0xb7: {  	v2 =	vld.msk [tilespmem:s13+$0x0], $0xf;
	_ =	sdelay $0x4  }
0xb8: {  	v3 =	vshrl.u32 v2, $0x3  }
0xb9: {  	v3 =	vmul.u32 $0x30, v3  }
0xba: {  	v2 =	vand.u32 $0x7, v2  }
0xbb: {  	v2 =	vor.u32 v2, v3  }
0xbc: {  	v2 =	vperm.xlane v2, v0;
	_ =	sdelay $0x1  }
0xbd: {  	v2 =	vadd.s32 v1, v2;
	_ =	sdelay $0x3  }
0xbe: {  	s17 =	simm.s32 $0xBC00  }
0xbf: {  	[tilespmem:s17], [sflag:$0x2] =	stream.indirect_vreg.gather [hbm4b:s8+s11], $0x80, v2, vm0, $0xb8;
	[tilespmem:$0x13A00] =	vst v63  }
0xc0: {  	s23 =	simm.s32 $0xC400;
	s24 =	sor.u32 $0x184, s0  }
0xc1: {  	[tilespmem:s23], [sflag:$0x2] =	stream.indirect_vreg.gather [hbm4b:s18+s11], $0x80, v2, vm1, $0xb8;
	[tilespmem:$0x13A00] =	vst v63  }
0xc2: {  	v2 =	vld.msk [tilespmem:s24+$0x0], $0xf;
	_ =	sdelay $0x4  }
0xc3: {  	v3 =	vshrl.u32 v2, $0x3  }
0xc4: {  	v3 =	vmul.u32 $0x30, v3  }
0xc5: {  	v2 =	vand.u32 $0x7, v2  }
0xc6: {  	v2 =	vor.u32 v2, v3  }
0xc7: {  	v2 =	vperm.xlane v2, v0;
	_ =	sdelay $0x1  }
0xc8: {  	v2 =	vadd.s32 v1, v2;
	_ =	sdelay $0x3  }
0xc9: {  	s25 =	rddreg [dreg:$0x3];
	s26 =	simm.s32 $0xC800  }
0xca: {  	[tilespmem:s26], [sflag:$0x2] =	stream.indirect_vreg.gather [hbm4b:s25+s11], $0x80, v2, vm0, $0xb8;
	[tilespmem:$0x13A00] =	vst v63  }
0xcb: {  	s3 =	simm.s32 $0xD000;
	s5 =	sor.u32 $0x204, s0  }
0xcc: {  	[tilespmem:s3], [sflag:$0x2] =	stream.indirect_vreg.gather [hbm4b:s19+s11], $0x80, v2, vm1, $0xb8;
	[tilespmem:$0x13A00] =	vst v63  }
0xcd: {  	v2 =	vld.msk [tilespmem:s5+$0x0], $0xf;
	_ =	sdelay $0x4  }
0xce: {  	v3 =	vshrl.u32 v2, $0x3  }
0xcf: {  	v3 =	vmul.u32 $0x30, v3  }
0xd0: {  	v2 =	vand.u32 $0x7, v2  }
0xd1: {  	v2 =	vor.u32 v2, v3  }
0xd2: {  	v2 =	vperm.xlane v2, v0;
	_ =	sdelay $0x1  }
0xd3: {  	v2 =	vadd.s32 v1, v2;
	_ =	sdelay $0x3  }
0xd4: {  	s8 =	simm.s32 $0xD400  }
0xd5: {  	[tilespmem:s8], [sflag:$0x2] =	stream.indirect_vreg.gather [hbm4b:s25+s11], $0x80, v2, vm0, $0xb8;
	[tilespmem:$0x13A00] =	vst v63  }
0xd6: {  	s9 =	simm.s32 $0xDC00;
	s12 =	sor.u32 $0x284, s0  }
0xd7: {  	[tilespmem:s9], [sflag:$0x2] =	stream.indirect_vreg.gather [hbm4b:s19+s11], $0x80, v2, vm1, $0xb8;
	[tilespmem:$0x13A00] =	vst v63  }
0xd8: {  	v2 =	vld.msk [tilespmem:s12+$0x0], $0xf;
	_ =	sdelay $0x4  }
0xd9: {  	v3 =	vshrl.u32 v2, $0x3  }
0xda: {  	v3 =	vmul.u32 $0x30, v3  }
0xdb: {  	v2 =	vand.u32 $0x7, v2  }
0xdc: {  	v2 =	vor.u32 v2, v3  }
0xdd: {  	v2 =	vperm.xlane v2, v0;
	_ =	sdelay $0x1  }
0xde: {  	v2 =	vadd.s32 v1, v2;
	_ =	sdelay $0x3  }
0xdf: {  	s13 =	rddreg [dreg:$0x4];
	s17 =	simm.s32 $0xE000  }
0xe0: {  	[tilespmem:s17], [sflag:$0x2] =	stream.indirect_vreg.gather [hbm4b:s13+s11], $0x80, v2, vm0, $0xb8;
	[tilespmem:$0x13A00] =	vst v63  }
0xe1: {  	s23 =	simm.s32 $0xE800;
	s24 =	sor.u32 $0x304, s0  }
0xe2: {  	[tilespmem:s23], [sflag:$0x2] =	stream.indirect_vreg.gather [hbm4b:s20+s11], $0x80, v2, vm1, $0xb8;
	[tilespmem:$0x13A00] =	vst v63  }
0xe3: {  	v2 =	vld.msk [tilespmem:s24+$0x0], $0xf;
	_ =	sdelay $0x4  }
0xe4: {  	v3 =	vshrl.u32 v2, $0x3  }
0xe5: {  	v3 =	vmul.u32 $0x30, v3  }
0xe6: {  	v2 =	vand.u32 $0x7, v2  }
0xe7: {  	v2 =	vor.u32 v2, v3  }
0xe8: {  	v2 =	vperm.xlane v2, v0;
	_ =	sdelay $0x1  }
0xe9: {  	v2 =	vadd.s32 v1, v2;
	_ =	sdelay $0x3  }
0xea: {  	s25 =	simm.s32 $0xEC00  }
0xeb: {  	[tilespmem:s25], [sflag:$0x2] =	stream.indirect_vreg.gather [hbm4b:s13+s11], $0x80, v2, vm0, $0xb8;
	[tilespmem:$0x13A00] =	vst v63  }
0xec: {  	s2 =	sor.u32 $0x384, s0;
	s26 =	simm.s32 $0xF400  }
0xed: {  	[tilespmem:s26], [sflag:$0x2] =	stream.indirect_vreg.gather [hbm4b:s20+s11], $0x80, v2, vm1, $0xb8;
	[tilespmem:$0x13A00] =	vst v63  }
0xee: {  	v2 =	vld.msk [tilespmem:s2+$0x0], $0xf;
	_ =	sdelay $0x4  }
0xef: {  	v3 =	vshrl.u32 v2, $0x3  }
0xf0: {  	v3 =	vmul.u32 $0x30, v3  }
0xf1: {  	v2 =	vand.u32 $0x7, v2  }
0xf2: {  	v2 =	vor.u32 v2, v3  }
0xf3: {  	v2 =	vperm.xlane v2, v0;
	_ =	sdelay $0x1  }
0xf4: {  	v2 =	vadd.s32 v1, v2;
	_ =	sdelay $0x3  }
0xf5: {  	s3 =	rddreg [dreg:$0x5];
	s5 =	simm.s32 $0xF800  }
0xf6: {  	[tilespmem:s5], [sflag:$0x2] =	stream.indirect_vreg.gather [hbm4b:s3+s11], $0x80, v2, vm0, $0xb8;
	[tilespmem:$0x13A00] =	vst v63  }
0xf7: {  	s6 =	simm.s32 $0x10000;
	s8 =	sor.u32 $0x804, s0  }
0xf8: {  	[tilespmem:s6], [sflag:$0x2] =	stream.indirect_vreg.gather [hbm4b:s21+s11], $0x80, v2, vm1, $0xb8;
	[tilespmem:$0x13A00] =	vst v63  }
0xf9: {  	v2 =	vld.msk [tilespmem:s8+$0x0], $0xf;
	_ =	sdelay $0x4  }
0xfa: {  	v3 =	vshrl.u32 v2, $0x3  }
0xfb: {  	v3 =	vmul.u32 $0x30, v3  }
0xfc: {  	v2 =	vand.u32 $0x7, v2  }
0xfd: {  	v2 =	vor.u32 v2, v3  }
0xfe: {  	v2 =	vperm.xlane v2, v0;
	_ =	sdelay $0x1  }
0xff: {  	v2 =	vadd.s32 v1, v2;
	_ =	sdelay $0x3  }
0x100: {  	s9 =	simm.s32 $0x10400  }
0x101: {  	[tilespmem:s9], [sflag:$0x2] =	stream.indirect_vreg.gather [hbm4b:s3+s11], $0x80, v2, vm0, $0xb8;
	[tilespmem:$0x13A00] =	vst v63  }
0x102: {  	s0 =	sor.u32 $0x884, s0;
	s12 =	simm.s32 $0x10C00  }
0x103: {  	[tilespmem:s12], [sflag:$0x2] =	stream.indirect_vreg.gather [hbm4b:s21+s11], $0x80, v2, vm1, $0xb8;
	[tilespmem:$0x13A00] =	vst v63  }
0x104: {  	v2 =	vld.msk [tilespmem:s0+$0x0], $0xf;
	_ =	sdelay $0x4  }
0x105: {  	v3 =	vshrl.u32 v2, $0x3  }
0x106: {  	v3 =	vmul.u32 $0x30, v3  }
0x107: {  	v2 =	vand.u32 $0x7, v2  }
0x108: {  	v2 =	vor.u32 v2, v3  }
0x109: {  	v2 =	vperm.xlane v2, v0;
	_ =	sdelay $0x1  }
0x10a: {  	v2 =	vadd.s32 v1, v2;
	_ =	sdelay $0x3  }
0x10b: {  	s17 =	simm.s32 $0x11000;
	s13 =	rddreg [dreg:$0x6]  }
0x10c: {  	[tilespmem:s17], [sflag:$0x2] =	stream.indirect_vreg.gather [hbm4b:s13+s11], $0x80, v2, vm0, $0xb8;
	[tilespmem:$0x13A00] =	vst v63  }
0x10d: {  	s23 =	simm.s32 $0x11800  }
0x10e: {  	[tilespmem:s23], [sflag:$0x2] =	stream.indirect_vreg.gather [hbm4b:s22+s11], $0x80, v2, vm1, $0xb8;
	[tilespmem:$0x13A00] =	vst v63  }
0x10f: {  	_ =	swait.ge [sflag:s10], $0xC00  }
0x110: {  	[sflag:s10] =	ssyncset.done $0x0  }
0x111: {  	[sflag:s10] =	ssyncadd.s32 $0xFFFFF400  }
0x112: {  	_ =	swait.ge [sflag:s10], $0xC00  }
0x113: {  	[sflag:s10] =	ssyncset.done $0x0  }
0x114: {  	[sflag:s10] =	ssyncadd.s32 $0xFFFFF400  }
0x115: {  	_ =	swait.ge [sflag:s10], $0xC00  }
0x116: {  	[sflag:s10] =	ssyncset.done $0x0  }
0x117: {  	[sflag:s10] =	ssyncadd.s32 $0xFFFFF400  }
0x118: {  	_ =	swait.ge [sflag:s10], $0xC00  }
0x119: {  	[sflag:s10] =	ssyncset.done $0x0  }
0x11a: {  	[sflag:s10] =	ssyncadd.s32 $0xFFFFF400  }
0x11b: {  	_ =	swait.ge [sflag:s10], $0xC00  }
0x11c: {  	[sflag:s10] =	ssyncset.done $0x0  }
0x11d: {  	[sflag:s10] =	ssyncadd.s32 $0xFFFFF400  }
0x11e: {  	_ =	swait.ge [sflag:s10], $0xC00  }
0x11f: {  	[sflag:s10] =	ssyncset.done $0x0  }
0x120: {  	[sflag:s10] =	ssyncadd.s32 $0xFFFFF400  }
0x121: {  	_ =	swait.ge [sflag:s10], $0xC00  }
0x122: {  	[sflag:s10] =	ssyncset.done $0x0  }
0x123: {  	[sflag:s10] =	ssyncadd.s32 $0xFFFFF400  }
0x124: {  	_ =	swait.ge [sflag:s10], $0xC00  }
0x125: {  	[sflag:s10] =	ssyncset.done $0x0  }
0x126: {  	[sflag:s10] =	ssyncadd.s32 $0xFFFFF400  }
0x127: {  	_ =	swait.ge [sflag:s10], $0xC00  }
0x128: {  	[sflag:s10] =	ssyncset.done $0x0  }
0x129: {  	[sflag:s10] =	ssyncadd.s32 $0xFFFFF400  }
0x12a: {  	_ =	swait.ge [sflag:s10], $0xC00  }
0x12b: {  	[sflag:s10] =	ssyncset.done $0x0  }
0x12c: {  	[sflag:s10] =	ssyncadd.s32 $0xFFFFF400  }
0x12d: {  	_ =	swait.ge [sflag:s10], $0xC00  }
0x12e: {  	p0 =	seq.s32 s16, $0x0;
	[sflag:s10] =	ssyncset.done $0x0  }
0x12f: {  	s30 =	simm.s32 $0x0;
	s0 =	simm.s32 @!p0 $0x3;
	[sflag:s10] =	ssyncadd.s32 $0xFFFFF400  }
0x130: {  	s28 =	sand.u32 $0x60, s30;
	s24 =	simm.s32 $0x0;
	_ =	swait.ge @!p0 [sflag:s0], $0xC00  }
0x131: {  	s31 =	sor.u32 $0x10, s28;
	s6 =	sand.u32 $0xFFFFFE00, s24;
	[sflag:s0] =	ssyncset.done @!p0 $0x0  }
0x132: {  	s25 =	sadd.s32 $0x2C00, s6;
	s8 =	sor.u32 s6, s31;
	[sflag:s0] =	ssyncadd.s32 @!p0 $0xFFFFF400  }
0x133: {  	s9 =	sor.u32 s31, s25;
	v2 =	vld [tilespmem:s8+$0x2000]  }
0x134: {  	s12 =	sadd.s32 $0x3800, s6;
	v3 =	vld [tilespmem:s9+$0x0]  }
0x135: {  	s26 =	sor.u32 s31, s12  }
0x136: {  	s1 =	sadd.s32 $0x4400, s6;
	s0 =	sor.u32 s28, s25;
	v5 =	vld [tilespmem:s26+$0x0]  }
0x137: {  	s2 =	sor.u32 s31, s1;
	v4 =	vld [tilespmem:s0+$0x0]  }
0x138: {  	s29 =	sor.u32 s28, s6;
	s13 =	sadd.s32 $0x5000, s6;
	v7 =	vld [tilespmem:s2+$0x0]  }
0x139: {  	s3 =	sor.u32 s31, s13;
	v6 =	vld [tilespmem:s29+$0x2000];
	v2 =	vadd.f32 v3, v2  }
0x13a: {  	s5 =	sadd.s32 $0x5C00, s6;
	s9 =	sor.u32 s28, s1;
	v3 =	vld [tilespmem:s3+$0x0]  }
0x13b: {  	v9 =	vld [tilespmem:s9+$0x0];
	s9 =	sor.u32 s31, s5;
	v2 =	vadd.f32 v5, v2  }
0x13c: {  	s12 =	sor.u32 s28, s12;
	s23 =	sadd.s32 $0x6800, s6;
	v5 =	vld [tilespmem:s9+$0x0]  }
0x13d: {  	s24 =	sor.u32 s31, s23;
	v8 =	vld [tilespmem:s12+$0x0];
	v2 =	vadd.f32 v7, v2  }
0x13e: {  	s17 =	sor.u32 s28, s13;
	s12 =	sadd.s32 $0x7400, s6;
	v7 =	vld [tilespmem:s24+$0x0]  }
0x13f: {  	v10 =	vld [tilespmem:s17+$0x0];
	s2 =	sadd.s32 $0x8000, s6;
	s26 =	sor.u32 s31, s12;
	v2 =	vadd.f32 v3, v2  }
0x140: {  	s25 =	sor.u32 s28, s5;
	s5 =	sor.u32 s31, s2;
	v4 =	vadd.f32 v4, v6;
	v3 =	vld [tilespmem:s26+$0x0]  }
0x141: {  	v11 =	vld [tilespmem:s5+$0x0];
	s3 =	simm.s32 $0x0;
	v2 =	vadd.f32 v5, v2  }
0x142: {  	s1 =	sor.u32 s28, s23;
	s23 =	sadd.s32 $0x8C00, s6;
	v6 =	vld [tilespmem:s25+$0x0];
	s0 =	sand.u32 $0x3FFFFF00, s3;
	v4 =	vadd.f32 v8, v4  }
0x143: {  	v8 =	vld [tilespmem:s1+$0x0];
	s9 =	sor.u32 s31, s23;
	s24 =	sadd.s32 $0x13400, s0;
	v5 =	vadd.f32 v7, v2  }
0x144: {  	s6 =	sadd.s32 $0x9800, s6;
	v4 =	vadd.f32 v9, v4;
	v9 =	vld [tilespmem:s9+$0x0];
	s17 =	sor.u32 s31, s24  }
0x145: {  	s25 =	sshll.u32 s16, $0x7;
	s26 =	sor.u32 s31, s6;
	v2 =	vld [tilespmem:s17+$0x0];
	v3 =	vadd.f32 v3, v5  }
0x146: {  	s25 =	sand.u32 $0x3FFFFF80, s25;
	v7 =	vadd.f32 v10, v4;
	v4 =	vld [tilespmem:s26+$0x0]  }
0x147: {  	v10 =	vadd.f32 v11, v3;
	v3 =	vld [tilespmem:s25+$0x1000]  }
0x148: {  	s12 =	sor.u32 s28, s12;
	s13 =	sor.u32 s28, s2;
	v5 =	vld [tilespmem:s17+$0x80];
	v6 =	vadd.f32 v6, v7  }
0x149: {  	s9 =	sshll.u32 s16, $0x1;
	s0 =	simm.s32 $0x0;
	s26 =	sor.u32 s28, s24;
	v7 =	vld [tilespmem:s12+$0x0]  }
0x14a: {  	s24 =	sor.u32 s28, s6;
	s6 =	simm.s32 $0x0;
	s12 =	sor.u32 s28, s23;
	v8 =	vadd.f32 v8, v6;
	v6 =	vld [tilespmem:s13+$0x0];
	v9 =	vadd.f32 v9, v10  }
.LBB2_3:
0x14b: {  	s0 =	sadd.s32 $0x2, s0;
	v10 =	vld [tilespmem:s12+$0x0];
	s6 =	sadd.s32 $0x20, s6  }
0x14c: {  	vm2 =	vgt.f32 v3, $5.000000000e-01;
	s13 =	sand.u32 $0x60, s6;
	s12 =	sshll.u32 s0, $0x6;
	p0 =	slt.u32 s0, $0x2E;
	v3 =	vld [tilespmem:s24+$0x0];
	v4 =	vadd.f32 v4, v9  }
0x14d: {  	s24 =	sand.u32 $0xFFFFFE00, s12;
	s23 =	sor.u32 $0x10, s13;
	v9 =	vld [tilespmem:s26+$0x0];
	v2 =	vsel vm2, v5, v2  }
0x14e: {  	s12 =	sor.u32 s13, s24;
	s1 =	sadd.s32 $0x2C00, s24;
	s2 =	sor.u32 s24, s23;
	v5 =	vadd.f32 v7, v8;
	v7 =	vld [tilespmem:s26+$0x80];
	v2 =	vadd.f32 v2, v4  }
0x14f: {  	s26 =	sor.u32 s13, s1;
	v4 =	vld [tilespmem:s2+$0x2000];
	s1 =	sor.u32 s23, s1  }
0x150: {  	s3 =	sadd.s32 $0x3800, s24;
	v8 =	vld [tilespmem:s1+$0x0];
	v5 =	vadd.f32 v6, v5;
	[tilespmem:s8+$0x12800] =	vst v2;
	s8 =	smov.u32 s2  }
0x151: {  	s1 =	sor.u32 s13, s3;
	s2 =	sor.u32 s23, s3;
	v2 =	vld [tilespmem:s26+$0x0]  }
0x152: {  	s3 =	sadd.s32 $0x4400, s24;
	v6 =	vld [tilespmem:s2+$0x0];
	v5 =	vadd.f32 v10, v5  }
0x153: {  	s2 =	sor.u32 s13, s3;
	s3 =	sor.u32 s23, s3;
	v10 =	vld [tilespmem:s12+$0x2000];
	v7 =	vsel vm2, v7, v9  }
0x154: {  	s26 =	sadd.s32 $0x5000, s24;
	v9 =	vld [tilespmem:s3+$0x0];
	v3 =	vadd.f32 v3, v5  }
0x155: {  	s3 =	sor.u32 s23, s26;
	v5 =	vld [tilespmem:s1+$0x0];
	s1 =	sor.u32 s13, s26;
	v4 =	vadd.f32 v8, v4  }
0x156: {  	s26 =	sadd.s32 $0x5C00, s24;
	v8 =	vld [tilespmem:s3+$0x0];
	v3 =	vadd.f32 v7, v3  }
0x157: {  	s3 =	sor.u32 s23, s26;
	v7 =	vld [tilespmem:s2+$0x0];
	s2 =	sor.u32 s13, s26;
	v4 =	vadd.f32 v6, v4  }
0x158: {  	s26 =	sadd.s32 $0x6800, s24;
	v2 =	vadd.f32 v2, v10;
	v6 =	vld [tilespmem:s3+$0x0];
	[tilespmem:s29+$0x12800] =	vst v3;
	s29 =	smov.u32 s12  }
0x159: {  	s3 =	sor.u32 s23, s26;
	v3 =	vld [tilespmem:s1+$0x0];
	s1 =	sor.u32 s13, s26;
	v4 =	vadd.f32 v9, v4  }
0x15a: {  	s12 =	sadd.s32 $0x7400, s24;
	v2 =	vadd.f32 v5, v2;
	v5 =	vld [tilespmem:s3+$0x0]  }
0x15b: {  	s3 =	sor.u32 s23, s12;
	v9 =	vld [tilespmem:s2+$0x0];
	s2 =	sor.u32 s13, s12;
	v4 =	vadd.f32 v8, v4  }
0x15c: {  	s12 =	sadd.s32 $0x8000, s24;
	v2 =	vadd.f32 v7, v2;
	v7 =	vld [tilespmem:s3+$0x0]  }
0x15d: {  	s3 =	sshll.u32 s0, $0x5;
	v8 =	vld [tilespmem:s1+$0x0];
	s1 =	sor.u32 s13, s12;
	v4 =	vadd.f32 v6, v4;
	s12 =	sor.u32 s23, s12  }
0x15e: {  	s26 =	sadd.s32 $0x8C00, s24;
	s3 =	sand.u32 $0x3FFFFF00, s3;
	v2 =	vadd.f32 v3, v2;
	v6 =	vld [tilespmem:s12+$0x0]  }
0x15f: {  	s5 =	sor.u32 s23, s26;
	s12 =	sor.u32 s13, s26;
	s3 =	sadd.s32 $0x13400, s3;
	v3 =	vld [tilespmem:s25+$0x1000];
	v4 =	vadd.f32 v5, v4  }
0x160: {  	s17 =	sadd.s32 $0x9800, s24;
	s26 =	sor.u32 s13, s3;
	s3 =	sor.u32 s23, s3;
	v5 =	vadd.f32 v9, v2;
	v9 =	vld [tilespmem:s5+$0x0]  }
.Ltmp0:
0x161: {  	s24 =	sor.u32 s13, s17;
	s5 =	sor.u32 s23, s17;
	v7 =	vadd.f32 v7, v4;
	v2 =	vld [tilespmem:s3+$0x0];
	(pc) =	sbr.rel @p0 .LBB2_3-.Ltmp0, $4  }
0x162: {  	v8 =	vadd.f32 v8, v5;
	v4 =	vld [tilespmem:s5+$0x0]  }
0x163: {  	v10 =	vadd.f32 v6, v7;
	v5 =	vld [tilespmem:s3+$0x80]  }
0x164: {  	v7 =	vld [tilespmem:s2+$0x0]  }
0x165: {  	v6 =	vld [tilespmem:s1+$0x0];
	v9 =	vadd.f32 v9, v10  }
0x166: {  	_ =	sdelay $0x1  }
0x167: {  	v10 =	vld [tilespmem:s12+$0x0]  }
0x168: {  	v11 =	vld [tilespmem:s24+$0x0];
	v7 =	vadd.f32 v7, v8  }
0x169: {  	v8 =	vld [tilespmem:s26+$0x0]  }
0x16a: {  	v6 =	vadd.f32 v6, v7;
	v7 =	vld [tilespmem:s26+$0x80];
	_ =	sdelay $0x1  }
0x16b: {  	v6 =	vadd.f32 v10, v6  }
0x16c: {  	vm2 =	vgt.f32 v3, $5.000000000e-01;
	v3 =	vadd.f32 v4, v9  }
0x16d: {  	v2 =	vsel vm2, v5, v2;
	v4 =	vadd.f32 v11, v6  }
0x16e: {  	v2 =	vadd.f32 v2, v3;
	v3 =	vsel vm2, v7, v8  }
0x16f: {  	s0 =	simm.s32 $0x0;
	v3 =	vadd.f32 v3, v4  }
0x170: {  	s0 =	sand.u32 $0xFFFFFE00, s0;
	[tilespmem:s8+$0x12800] =	vst v2  }
0x171: {  	s1 =	sadd.s32 $0x2C80, s0;
	s8 =	sor.u32 s31, s0;
	[tilespmem:s29+$0x12800] =	vst v3  }
0x172: {  	s2 =	sor.u32 s31, s1;
	v2 =	vld [tilespmem:s8+$0x2080]  }
0x173: {  	s3 =	sadd.s32 $0x3880, s0;
	s1 =	sor.u32 s28, s1;
	v3 =	vld [tilespmem:s2+$0x0]  }
0x174: {  	s23 =	sor.u32 s31, s3;
	v4 =	vld [tilespmem:s1+$0x0]  }
0x175: {  	s24 =	sadd.s32 $0x4480, s0;
	s29 =	sor.u32 s28, s0;
	v5 =	vld [tilespmem:s23+$0x0]  }
0x176: {  	s26 =	sor.u32 s31, s24;
	v6 =	vld [tilespmem:s29+$0x2080]  }
0x177: {  	s5 =	sadd.s32 $0x5080, s0;
	s3 =	sor.u32 s28, s3;
	v7 =	vld [tilespmem:s26+$0x0]  }
0x178: {  	v8 =	vld [tilespmem:s3+$0x0];
	s3 =	sor.u32 s31, s5;
	v2 =	vadd.f32 v3, v2  }
0x179: {  	s6 =	sadd.s32 $0x5C80, s0;
	s13 =	sor.u32 s28, s5;
	v3 =	vld [tilespmem:s3+$0x0]  }
0x17a: {  	s12 =	sor.u32 s31, s6;
	v10 =	vld [tilespmem:s13+$0x0];
	v2 =	vadd.f32 v5, v2  }
0x17b: {  	s17 =	sadd.s32 $0x6880, s0;
	s2 =	sor.u32 s28, s24;
	v5 =	vld [tilespmem:s12+$0x0]  }
0x17c: {  	s23 =	sor.u32 s31, s17;
	v9 =	vld [tilespmem:s2+$0x0];
	v2 =	vadd.f32 v7, v2  }
0x17d: {  	s24 =	sor.u32 s28, s6;
	s26 =	sadd.s32 $0x7480, s0;
	s6 =	sor.u32 s28, s17;
	v7 =	vld [tilespmem:s23+$0x0]  }
0x17e: {  	s2 =	sor.u32 s31, s26;
	v11 =	vld [tilespmem:s6+$0x0];
	v4 =	vadd.f32 v4, v6;
	v2 =	vadd.f32 v3, v2  }
0x17f: {  	s5 =	sadd.s32 $0x8080, s0;
	v3 =	vld [tilespmem:s2+$0x0]  }
0x180: {  	s13 =	sor.u32 s31, s5;
	s6 =	sadd.s32 $0x8C80, s0;
	v6 =	vld [tilespmem:s24+$0x0];
	v4 =	vadd.f32 v8, v4;
	v5 =	vadd.f32 v5, v2  }
0x181: {  	s17 =	sor.u32 s31, s6;
	s12 =	simm.s32 $0x0;
	v8 =	vld [tilespmem:s13+$0x0]  }
0x182: {  	s13 =	sadd.s32 $0x9880, s0;
	s1 =	sand.u32 $0x3FFFFF00, s12;
	v4 =	vadd.f32 v9, v4;
	v9 =	vld [tilespmem:s17+$0x0];
	v5 =	vadd.f32 v7, v5  }
0x183: {  	s24 =	sor.u32 s31, s13;
	s1 =	sadd.s32 $0x13400, s1;
	v2 =	vld [tilespmem:s25+$0x1010]  }
0x184: {  	s23 =	sor.u32 s31, s1;
	v7 =	vadd.f32 v10, v4;
	v4 =	vld [tilespmem:s24+$0x0];
	v5 =	vadd.f32 v3, v5  }
0x185: {  	v3 =	vld [tilespmem:s23+$0x0]  }
0x186: {  	s26 =	sor.u32 s28, s26;
	v6 =	vadd.f32 v6, v7;
	v10 =	vadd.f32 v8, v5;
	v5 =	vld [tilespmem:s23+$0x80]  }
0x187: {  	s0 =	simm.s32 $0x0;
	s31 =	sor.u32 s28, s5;
	v8 =	vld [tilespmem:s26+$0x0]  }
0x188: {  	s12 =	sor.u32 s28, s6;
	s24 =	sor.u32 s28, s1;
	s23 =	sor.u32 s28, s13;
	v7 =	vadd.f32 v11, v6;
	v6 =	vld [tilespmem:s31+$0x0];
	v9 =	vadd.f32 v9, v10  }
.LBB2_5:
0x189: {  	s0 =	sadd.s32 $0x2, s0;
	v10 =	vld [tilespmem:s12+$0x0];
	s30 =	sadd.s32 $0x20, s30  }
0x18a: {  	vm2 =	vgt.f32 v2, $5.000000000e-01;
	s6 =	sand.u32 $0x60, s30;
	s1 =	sshll.u32 s0, $0x6;
	p0 =	slt.u32 s0, $0x2E;
	v2 =	vld [tilespmem:s23+$0x0];
	v4 =	vadd.f32 v4, v9  }
0x18b: {  	s23 =	sand.u32 $0xFFFFFE00, s1;
	s13 =	sor.u32 $0x10, s6;
	v9 =	vld [tilespmem:s24+$0x0];
	v3 =	vsel vm2, v5, v3  }
0x18c: {  	s1 =	sor.u32 s6, s23;
	s2 =	sadd.s32 $0x2C80, s23;
	s3 =	sor.u32 s13, s23;
	v5 =	vadd.f32 v8, v7;
	v7 =	vld [tilespmem:s24+$0x80];
	v3 =	vadd.f32 v3, v4  }
0x18d: {  	s5 =	sor.u32 s6, s2;
	v4 =	vld [tilespmem:s3+$0x2080];
	s2 =	sor.u32 s13, s2  }
0x18e: {  	s12 =	sadd.s32 $0x3880, s23;
	v8 =	vld [tilespmem:s2+$0x0];
	v5 =	vadd.f32 v6, v5;
	[tilespmem:s8+$0x12880] =	vst v3  }
0x18f: {  	s2 =	sor.u32 s6, s12;
	s8 =	smov.u32 s3;
	v3 =	vld [tilespmem:s5+$0x0];
	s5 =	sor.u32 s13, s12  }
0x190: {  	s3 =	sadd.s32 $0x4480, s23;
	v6 =	vld [tilespmem:s5+$0x0];
	v5 =	vadd.f32 v10, v5  }
0x191: {  	s5 =	sor.u32 s6, s3;
	s3 =	sor.u32 s13, s3;
	v10 =	vld [tilespmem:s1+$0x2080];
	v7 =	vsel vm2, v7, v9  }
0x192: {  	s12 =	sadd.s32 $0x5080, s23;
	v9 =	vld [tilespmem:s3+$0x0];
	v2 =	vadd.f32 v2, v5  }
0x193: {  	s3 =	sor.u32 s13, s12;
	v5 =	vld [tilespmem:s2+$0x0];
	s2 =	sor.u32 s6, s12;
	v4 =	vadd.f32 v8, v4  }
0x194: {  	s12 =	sadd.s32 $0x5C80, s23;
	v8 =	vld [tilespmem:s3+$0x0];
	v2 =	vadd.f32 v7, v2  }
0x195: {  	s3 =	sor.u32 s6, s12;
	v7 =	vld [tilespmem:s5+$0x0];
	v4 =	vadd.f32 v6, v4;
	s5 =	sor.u32 s13, s12  }
0x196: {  	s12 =	sadd.s32 $0x6880, s23;
	v3 =	vadd.f32 v3, v10;
	v6 =	vld [tilespmem:s5+$0x0];
	[tilespmem:s29+$0x12880] =	vst v2;
	s29 =	smov.u32 s1  }
0x197: {  	s1 =	sor.u32 s6, s12;
	v2 =	vld [tilespmem:s2+$0x0];
	v4 =	vadd.f32 v9, v4;
	s2 =	sor.u32 s13, s12  }
0x198: {  	s5 =	sadd.s32 $0x7480, s23;
	v3 =	vadd.f32 v5, v3;
	v5 =	vld [tilespmem:s2+$0x0]  }
0x199: {  	s2 =	sor.u32 s6, s5;
	v9 =	vld [tilespmem:s3+$0x0];
	v4 =	vadd.f32 v8, v4;
	s3 =	sor.u32 s13, s5  }
0x19a: {  	s5 =	sadd.s32 $0x8080, s23;
	v3 =	vadd.f32 v7, v3;
	v7 =	vld [tilespmem:s3+$0x0]  }
0x19b: {  	s3 =	sshll.u32 s0, $0x5;
	v8 =	vld [tilespmem:s1+$0x0];
	s1 =	sor.u32 s6, s5;
	v4 =	vadd.f32 v6, v4;
	s5 =	sor.u32 s13, s5  }
0x19c: {  	s17 =	sadd.s32 $0x8C80, s23;
	s3 =	sand.u32 $0x3FFFFF00, s3;
	v3 =	vadd.f32 v2, v3;
	v6 =	vld [tilespmem:s5+$0x0]  }
0x19d: {  	s12 =	sor.u32 s6, s17;
	s3 =	sadd.s32 $0x13400, s3;
	s5 =	sor.u32 s13, s17;
	v2 =	vld [tilespmem:s25+$0x1010];
	v4 =	vadd.f32 v5, v4  }
0x19e: {  	s17 =	sadd.s32 $0x9880, s23;
	s24 =	sor.u32 s6, s3;
	s3 =	sor.u32 s13, s3;
	v5 =	vadd.f32 v9, v3;
	v9 =	vld [tilespmem:s5+$0x0]  }
.Ltmp1:
0x19f: {  	s23 =	sor.u32 s6, s17;
	s5 =	sor.u32 s13, s17;
	v10 =	vadd.f32 v7, v4;
	v3 =	vld [tilespmem:s3+$0x0];
	(pc) =	sbr.rel @p0 .LBB2_5-.Ltmp1, $4  }
0x1a0: {  	v7 =	vadd.f32 v8, v5;
	v4 =	vld [tilespmem:s5+$0x0]  }
0x1a1: {  	v10 =	vadd.f32 v6, v10;
	v5 =	vld [tilespmem:s3+$0x80]  }
0x1a2: {  	v8 =	vld [tilespmem:s2+$0x0]  }
0x1a3: {  	v6 =	vld [tilespmem:s1+$0x0];
	v9 =	vadd.f32 v9, v10  }
0x1a4: {  	_ =	sdelay $0x1  }
0x1a5: {  	v10 =	vld [tilespmem:s12+$0x0]  }
0x1a6: {  	v11 =	vld [tilespmem:s23+$0x0];
	v7 =	vadd.f32 v8, v7  }
0x1a7: {  	v8 =	vld [tilespmem:s24+$0x0]  }
0x1a8: {  	v6 =	vadd.f32 v6, v7;
	v7 =	vld [tilespmem:s24+$0x80];
	_ =	sdelay $0x1  }
0x1a9: {  	v6 =	vadd.f32 v10, v6  }
0x1aa: {  	vm2 =	vgt.f32 v2, $5.000000000e-01;
	v2 =	vadd.f32 v4, v9  }
0x1ab: {  	v3 =	vsel vm2, v5, v3;
	v4 =	vadd.f32 v11, v6  }
0x1ac: {  	s30 =	simm.s32 $0x0;
	v2 =	vadd.f32 v3, v2;
	v3 =	vsel vm2, v7, v8  }
0x1ad: {  	s0 =	simm.s32 $0x0;
	s28 =	sand.u32 $0x60, s30;
	v3 =	vadd.f32 v3, v4  }
0x1ae: {  	s0 =	sand.u32 $0xFFFFFE00, s0;
	s31 =	sor.u32 $0x10, s28;
	[tilespmem:s8+$0x12880] =	vst v2  }
0x1af: {  	s1 =	sadd.s32 $0x2D00, s0;
	s8 =	sor.u32 s31, s0;
	[tilespmem:s29+$0x12880] =	vst v3  }
0x1b0: {  	s2 =	sor.u32 s31, s1;
	v2 =	vld [tilespmem:s8+$0x2100]  }
0x1b1: {  	s3 =	sadd.s32 $0x3900, s0;
	s1 =	sor.u32 s28, s1;
	v3 =	vld [tilespmem:s2+$0x0]  }
0x1b2: {  	s5 =	sor.u32 s31, s3;
	v4 =	vld [tilespmem:s1+$0x0]  }
0x1b3: {  	s6 =	sadd.s32 $0x4500, s0;
	s29 =	sor.u32 s28, s0;
	v5 =	vld [tilespmem:s5+$0x0]  }
0x1b4: {  	s12 =	sor.u32 s31, s6;
	v6 =	vld [tilespmem:s29+$0x2100]  }
0x1b5: {  	s3 =	sor.u32 s28, s3;
	s5 =	sadd.s32 $0x5100, s0;
	v7 =	vld [tilespmem:s12+$0x0]  }
0x1b6: {  	v8 =	vld [tilespmem:s3+$0x0];
	s13 =	sor.u32 s31, s5;
	v2 =	vadd.f32 v3, v2  }
0x1b7: {  	s17 =	sadd.s32 $0x5D00, s0;
	s2 =	sor.u32 s28, s6;
	v3 =	vld [tilespmem:s13+$0x0]  }
0x1b8: {  	s23 =	sor.u32 s31, s17;
	v9 =	vld [tilespmem:s2+$0x0];
	v2 =	vadd.f32 v5, v2  }
0x1b9: {  	s26 =	sadd.s32 $0x6900, s0;
	s24 =	sor.u32 s28, s5;
	v5 =	vld [tilespmem:s23+$0x0]  }
0x1ba: {  	s2 =	sor.u32 s31, s26;
	v10 =	vld [tilespmem:s24+$0x0];
	v2 =	vadd.f32 v7, v2  }
0x1bb: {  	s6 =	sor.u32 s28, s17;
	s3 =	sadd.s32 $0x7500, s0;
	v7 =	vld [tilespmem:s2+$0x0]  }
0x1bc: {  	s12 =	sor.u32 s31, s3;
	v4 =	vadd.f32 v4, v6;
	v6 =	vld [tilespmem:s6+$0x0];
	v2 =	vadd.f32 v3, v2  }
0x1bd: {  	s5 =	sadd.s32 $0x8100, s0;
	s13 =	sor.u32 s28, s26;
	v3 =	vld [tilespmem:s12+$0x0]  }
0x1be: {  	s6 =	sadd.s32 $0x8D00, s0;
	v11 =	vld [tilespmem:s13+$0x0];
	v4 =	vadd.f32 v8, v4;
	s23 =	sor.u32 s31, s5;
	v5 =	vadd.f32 v5, v2  }
0x1bf: {  	s17 =	simm.s32 $0x0;
	s24 =	sor.u32 s31, s6;
	v8 =	vld [tilespmem:s23+$0x0]  }
0x1c0: {  	s1 =	sand.u32 $0x3FFFFF00, s17;
	s13 =	sadd.s32 $0x9900, s0;
	v4 =	vadd.f32 v9, v4;
	v9 =	vld [tilespmem:s24+$0x0];
	v5 =	vadd.f32 v7, v5  }
0x1c1: {  	s1 =	sadd.s32 $0x13400, s1;
	s12 =	sor.u32 s31, s13;
	v2 =	vld [tilespmem:s25+$0x1020]  }
0x1c2: {  	s26 =	sor.u32 s31, s1;
	v7 =	vadd.f32 v10, v4;
	v4 =	vld [tilespmem:s12+$0x0];
	v5 =	vadd.f32 v3, v5  }
0x1c3: {  	v3 =	vld [tilespmem:s26+$0x0]  }
0x1c4: {  	s17 =	sor.u32 s28, s3;
	v6 =	vadd.f32 v6, v7;
	v10 =	vadd.f32 v8, v5;
	v5 =	vld [tilespmem:s26+$0x80]  }
0x1c5: {  	s0 =	simm.s32 $0x0;
	s23 =	sor.u32 s28, s5;
	s24 =	sor.u32 s28, s13;
	v8 =	vld [tilespmem:s17+$0x0]  }
0x1c6: {  	s12 =	sor.u32 s28, s6;
	s6 =	simm.s32 $0x0;
	s26 =	sor.u32 s28, s1;
	v7 =	vadd.f32 v11, v6;
	v6 =	vld [tilespmem:s23+$0x0];
	v9 =	vadd.f32 v9, v10  }
.LBB2_7:
0x1c7: {  	s0 =	sadd.s32 $0x2, s0;
	v10 =	vld [tilespmem:s12+$0x0];
	s6 =	sadd.s32 $0x20, s6  }
0x1c8: {  	vm2 =	vgt.f32 v2, $5.000000000e-01;
	s13 =	sand.u32 $0x60, s6;
	s1 =	sshll.u32 s0, $0x6;
	p0 =	slt.u32 s0, $0x2E;
	v2 =	vld [tilespmem:s24+$0x0];
	v4 =	vadd.f32 v4, v9  }
0x1c9: {  	s24 =	sand.u32 $0xFFFFFE00, s1;
	s23 =	sor.u32 $0x10, s13;
	v9 =	vld [tilespmem:s26+$0x0];
	v3 =	vsel vm2, v5, v3  }
0x1ca: {  	s1 =	sor.u32 s13, s24;
	s2 =	sadd.s32 $0x2D00, s24;
	s3 =	sor.u32 s23, s24;
	v5 =	vadd.f32 v8, v7;
	v7 =	vld [tilespmem:s26+$0x80];
	v3 =	vadd.f32 v3, v4  }
0x1cb: {  	s5 =	sor.u32 s13, s2;
	v4 =	vld [tilespmem:s3+$0x2100];
	s2 =	sor.u32 s23, s2  }
0x1cc: {  	s12 =	sadd.s32 $0x3900, s24;
	v8 =	vld [tilespmem:s2+$0x0];
	v5 =	vadd.f32 v6, v5;
	[tilespmem:s8+$0x12900] =	vst v3;
	s8 =	smov.u32 s3  }
0x1cd: {  	s2 =	sor.u32 s13, s12;
	s3 =	sor.u32 s23, s12;
	v3 =	vld [tilespmem:s5+$0x0]  }
0x1ce: {  	s5 =	sadd.s32 $0x4500, s24;
	v6 =	vld [tilespmem:s3+$0x0];
	v5 =	vadd.f32 v10, v5  }
0x1cf: {  	s3 =	sor.u32 s13, s5;
	s5 =	sor.u32 s23, s5;
	v10 =	vld [tilespmem:s1+$0x2100];
	v7 =	vsel vm2, v7, v9  }
0x1d0: {  	s12 =	sadd.s32 $0x5100, s24;
	v9 =	vld [tilespmem:s5+$0x0];
	v2 =	vadd.f32 v2, v5  }
0x1d1: {  	s5 =	sor.u32 s23, s12;
	v5 =	vld [tilespmem:s2+$0x0];
	s2 =	sor.u32 s13, s12;
	v4 =	vadd.f32 v8, v4  }
0x1d2: {  	s12 =	sadd.s32 $0x5D00, s24;
	v8 =	vld [tilespmem:s5+$0x0];
	v2 =	vadd.f32 v7, v2  }
0x1d3: {  	s5 =	sor.u32 s23, s12;
	v7 =	vld [tilespmem:s3+$0x0];
	s3 =	sor.u32 s13, s12;
	v4 =	vadd.f32 v6, v4  }
0x1d4: {  	s12 =	sadd.s32 $0x6900, s24;
	v3 =	vadd.f32 v3, v10;
	v6 =	vld [tilespmem:s5+$0x0];
	[tilespmem:s29+$0x12900] =	vst v2;
	s29 =	smov.u32 s1  }
0x1d5: {  	s1 =	sor.u32 s13, s12;
	v2 =	vld [tilespmem:s2+$0x0];
	v4 =	vadd.f32 v9, v4;
	s2 =	sor.u32 s23, s12  }
0x1d6: {  	s5 =	sadd.s32 $0x7500, s24;
	v3 =	vadd.f32 v5, v3;
	v5 =	vld [tilespmem:s2+$0x0]  }
0x1d7: {  	s2 =	sor.u32 s13, s5;
	v9 =	vld [tilespmem:s3+$0x0];
	v4 =	vadd.f32 v8, v4;
	s3 =	sor.u32 s23, s5  }
0x1d8: {  	s5 =	sadd.s32 $0x8100, s24;
	v3 =	vadd.f32 v7, v3;
	v7 =	vld [tilespmem:s3+$0x0]  }
0x1d9: {  	s3 =	sshll.u32 s0, $0x5;
	v8 =	vld [tilespmem:s1+$0x0];
	s1 =	sor.u32 s13, s5;
	v4 =	vadd.f32 v6, v4;
	s5 =	sor.u32 s23, s5  }
0x1da: {  	s17 =	sadd.s32 $0x8D00, s24;
	s3 =	sand.u32 $0x3FFFFF00, s3;
	v3 =	vadd.f32 v2, v3;
	v6 =	vld [tilespmem:s5+$0x0]  }
0x1db: {  	s12 =	sor.u32 s13, s17;
	s3 =	sadd.s32 $0x13400, s3;
	s5 =	sor.u32 s23, s17;
	v2 =	vld [tilespmem:s25+$0x1020];
	v4 =	vadd.f32 v5, v4  }
0x1dc: {  	s17 =	sadd.s32 $0x9900, s24;
	s26 =	sor.u32 s13, s3;
	s3 =	sor.u32 s23, s3;
	v5 =	vadd.f32 v9, v3;
	v9 =	vld [tilespmem:s5+$0x0]  }
.Ltmp2:
0x1dd: {  	s24 =	sor.u32 s13, s17;
	s5 =	sor.u32 s23, s17;
	v10 =	vadd.f32 v7, v4;
	v3 =	vld [tilespmem:s3+$0x0];
	(pc) =	sbr.rel @p0 .LBB2_7-.Ltmp2, $4  }
0x1de: {  	v7 =	vadd.f32 v8, v5;
	v4 =	vld [tilespmem:s5+$0x0]  }
0x1df: {  	v10 =	vadd.f32 v6, v10;
	v5 =	vld [tilespmem:s3+$0x80]  }
0x1e0: {  	v8 =	vld [tilespmem:s2+$0x0]  }
0x1e1: {  	v6 =	vld [tilespmem:s1+$0x0];
	v9 =	vadd.f32 v9, v10  }
0x1e2: {  	_ =	sdelay $0x1  }
0x1e3: {  	v10 =	vld [tilespmem:s12+$0x0]  }
0x1e4: {  	v11 =	vld [tilespmem:s24+$0x0];
	v7 =	vadd.f32 v8, v7  }
0x1e5: {  	v8 =	vld [tilespmem:s26+$0x0]  }
0x1e6: {  	v6 =	vadd.f32 v6, v7;
	v7 =	vld [tilespmem:s26+$0x80];
	_ =	sdelay $0x1  }
0x1e7: {  	v6 =	vadd.f32 v10, v6  }
0x1e8: {  	vm2 =	vgt.f32 v2, $5.000000000e-01;
	v2 =	vadd.f32 v4, v9  }
0x1e9: {  	v3 =	vsel vm2, v5, v3;
	v4 =	vadd.f32 v11, v6  }
0x1ea: {  	v2 =	vadd.f32 v3, v2;
	v3 =	vsel vm2, v7, v8  }
0x1eb: {  	s0 =	simm.s32 $0x0;
	v3 =	vadd.f32 v3, v4  }
0x1ec: {  	s0 =	sand.u32 $0xFFFFFE00, s0;
	[tilespmem:s8+$0x12900] =	vst v2  }
0x1ed: {  	s1 =	sadd.s32 $0x2D80, s0;
	s8 =	sor.u32 s31, s0;
	[tilespmem:s29+$0x12900] =	vst v3  }
0x1ee: {  	s2 =	sor.u32 s31, s1;
	v2 =	vld [tilespmem:s8+$0x2180]  }
0x1ef: {  	s3 =	sadd.s32 $0x3980, s0;
	s1 =	sor.u32 s28, s1;
	v3 =	vld [tilespmem:s2+$0x0]  }
0x1f0: {  	s23 =	sor.u32 s31, s3;
	v4 =	vld [tilespmem:s1+$0x0]  }
0x1f1: {  	s24 =	sadd.s32 $0x4580, s0;
	s29 =	sor.u32 s28, s0;
	v5 =	vld [tilespmem:s23+$0x0]  }
0x1f2: {  	s26 =	sor.u32 s31, s24;
	v6 =	vld [tilespmem:s29+$0x2180]  }
0x1f3: {  	s5 =	sadd.s32 $0x5180, s0;
	s3 =	sor.u32 s28, s3;
	v7 =	vld [tilespmem:s26+$0x0]  }
0x1f4: {  	v8 =	vld [tilespmem:s3+$0x0];
	s3 =	sor.u32 s31, s5;
	v2 =	vadd.f32 v3, v2  }
0x1f5: {  	s6 =	sadd.s32 $0x5D80, s0;
	s13 =	sor.u32 s28, s5;
	v3 =	vld [tilespmem:s3+$0x0]  }
0x1f6: {  	s12 =	sor.u32 s31, s6;
	v10 =	vld [tilespmem:s13+$0x0];
	v2 =	vadd.f32 v5, v2  }
0x1f7: {  	s17 =	sadd.s32 $0x6980, s0;
	s2 =	sor.u32 s28, s24;
	v5 =	vld [tilespmem:s12+$0x0]  }
0x1f8: {  	s23 =	sor.u32 s31, s17;
	v9 =	vld [tilespmem:s2+$0x0];
	v2 =	vadd.f32 v7, v2  }
0x1f9: {  	s24 =	sor.u32 s28, s6;
	s26 =	sadd.s32 $0x7580, s0;
	s6 =	sor.u32 s28, s17;
	v7 =	vld [tilespmem:s23+$0x0]  }
0x1fa: {  	s2 =	sor.u32 s31, s26;
	v11 =	vld [tilespmem:s6+$0x0];
	v4 =	vadd.f32 v4, v6;
	v2 =	vadd.f32 v3, v2  }
0x1fb: {  	s5 =	sadd.s32 $0x8180, s0;
	v3 =	vld [tilespmem:s2+$0x0]  }
0x1fc: {  	s13 =	sor.u32 s31, s5;
	s6 =	sadd.s32 $0x8D80, s0;
	v6 =	vld [tilespmem:s24+$0x0];
	v4 =	vadd.f32 v8, v4;
	v5 =	vadd.f32 v5, v2  }
0x1fd: {  	s17 =	sor.u32 s31, s6;
	s12 =	simm.s32 $0x0;
	v8 =	vld [tilespmem:s13+$0x0]  }
0x1fe: {  	s13 =	sadd.s32 $0x9980, s0;
	s1 =	sand.u32 $0x3FFFFF00, s12;
	v4 =	vadd.f32 v9, v4;
	v9 =	vld [tilespmem:s17+$0x0];
	v5 =	vadd.f32 v7, v5  }
0x1ff: {  	s24 =	sor.u32 s31, s13;
	s1 =	sadd.s32 $0x13400, s1;
	v2 =	vld [tilespmem:s25+$0x1030]  }
0x200: {  	s23 =	sor.u32 s31, s1;
	v7 =	vadd.f32 v10, v4;
	v4 =	vld [tilespmem:s24+$0x0];
	v5 =	vadd.f32 v3, v5  }
0x201: {  	v3 =	vld [tilespmem:s23+$0x0]  }
0x202: {  	s26 =	sor.u32 s28, s26;
	v6 =	vadd.f32 v6, v7;
	v10 =	vadd.f32 v8, v5;
	v5 =	vld [tilespmem:s23+$0x80]  }
0x203: {  	s0 =	simm.s32 $0x0;
	s31 =	sor.u32 s28, s5;
	v8 =	vld [tilespmem:s26+$0x0]  }
0x204: {  	s12 =	sor.u32 s28, s6;
	s24 =	sor.u32 s28, s1;
	s23 =	sor.u32 s28, s13;
	v7 =	vadd.f32 v11, v6;
	v6 =	vld [tilespmem:s31+$0x0];
	v9 =	vadd.f32 v9, v10  }
.LBB2_9:
0x205: {  	s0 =	sadd.s32 $0x2, s0;
	v10 =	vld [tilespmem:s12+$0x0];
	s30 =	sadd.s32 $0x20, s30  }
0x206: {  	vm2 =	vgt.f32 v2, $5.000000000e-01;
	s6 =	sand.u32 $0x60, s30;
	s1 =	sshll.u32 s0, $0x6;
	p0 =	slt.u32 s0, $0x2E;
	v2 =	vld [tilespmem:s23+$0x0];
	v4 =	vadd.f32 v4, v9  }
0x207: {  	s23 =	sand.u32 $0xFFFFFE00, s1;
	s13 =	sor.u32 $0x10, s6;
	v9 =	vld [tilespmem:s24+$0x0];
	v3 =	vsel vm2, v5, v3  }
0x208: {  	s1 =	sor.u32 s6, s23;
	s2 =	sadd.s32 $0x2D80, s23;
	s3 =	sor.u32 s13, s23;
	v5 =	vadd.f32 v8, v7;
	v7 =	vld [tilespmem:s24+$0x80];
	v3 =	vadd.f32 v3, v4  }
0x209: {  	s5 =	sor.u32 s6, s2;
	v4 =	vld [tilespmem:s3+$0x2180];
	s2 =	sor.u32 s13, s2  }
0x20a: {  	s12 =	sadd.s32 $0x3980, s23;
	v8 =	vld [tilespmem:s2+$0x0];
	v5 =	vadd.f32 v6, v5;
	[tilespmem:s8+$0x12980] =	vst v3;
	s8 =	smov.u32 s3  }
0x20b: {  	s2 =	sor.u32 s6, s12;
	s3 =	sor.u32 s13, s12;
	v3 =	vld [tilespmem:s5+$0x0]  }
0x20c: {  	s5 =	sadd.s32 $0x4580, s23;
	v6 =	vld [tilespmem:s3+$0x0];
	v5 =	vadd.f32 v10, v5  }
0x20d: {  	s3 =	sor.u32 s6, s5;
	s5 =	sor.u32 s13, s5;
	v10 =	vld [tilespmem:s1+$0x2180];
	v7 =	vsel vm2, v7, v9  }
0x20e: {  	s12 =	sadd.s32 $0x5180, s23;
	v9 =	vld [tilespmem:s5+$0x0];
	v2 =	vadd.f32 v2, v5  }
0x20f: {  	s5 =	sor.u32 s13, s12;
	v5 =	vld [tilespmem:s2+$0x0];
	s2 =	sor.u32 s6, s12;
	v4 =	vadd.f32 v8, v4  }
0x210: {  	s12 =	sadd.s32 $0x5D80, s23;
	v8 =	vld [tilespmem:s5+$0x0];
	v2 =	vadd.f32 v7, v2  }
0x211: {  	s5 =	sor.u32 s13, s12;
	v7 =	vld [tilespmem:s3+$0x0];
	s3 =	sor.u32 s6, s12;
	v4 =	vadd.f32 v6, v4  }
0x212: {  	s12 =	sadd.s32 $0x6980, s23;
	v3 =	vadd.f32 v3, v10;
	v6 =	vld [tilespmem:s5+$0x0];
	[tilespmem:s29+$0x12980] =	vst v2;
	s29 =	smov.u32 s1  }
0x213: {  	s1 =	sor.u32 s6, s12;
	v2 =	vld [tilespmem:s2+$0x0];
	v4 =	vadd.f32 v9, v4;
	s2 =	sor.u32 s13, s12  }
0x214: {  	s5 =	sadd.s32 $0x7580, s23;
	v3 =	vadd.f32 v5, v3;
	v5 =	vld [tilespmem:s2+$0x0]  }
0x215: {  	s2 =	sor.u32 s6, s5;
	v9 =	vld [tilespmem:s3+$0x0];
	v4 =	vadd.f32 v8, v4;
	s3 =	sor.u32 s13, s5  }
0x216: {  	s5 =	sadd.s32 $0x8180, s23;
	v3 =	vadd.f32 v7, v3;
	v7 =	vld [tilespmem:s3+$0x0]  }
0x217: {  	s3 =	sshll.u32 s0, $0x5;
	v8 =	vld [tilespmem:s1+$0x0];
	s1 =	sor.u32 s6, s5;
	v4 =	vadd.f32 v6, v4;
	s5 =	sor.u32 s13, s5  }
0x218: {  	s17 =	sadd.s32 $0x8D80, s23;
	s3 =	sand.u32 $0x3FFFFF00, s3;
	v3 =	vadd.f32 v2, v3;
	v6 =	vld [tilespmem:s5+$0x0]  }
0x219: {  	s12 =	sor.u32 s6, s17;
	s3 =	sadd.s32 $0x13400, s3;
	s5 =	sor.u32 s13, s17;
	v2 =	vld [tilespmem:s25+$0x1030];
	v4 =	vadd.f32 v5, v4  }
0x21a: {  	s17 =	sadd.s32 $0x9980, s23;
	s24 =	sor.u32 s6, s3;
	s3 =	sor.u32 s13, s3;
	v5 =	vadd.f32 v9, v3;
	v9 =	vld [tilespmem:s5+$0x0]  }
.Ltmp3:
0x21b: {  	s23 =	sor.u32 s6, s17;
	s5 =	sor.u32 s13, s17;
	v10 =	vadd.f32 v7, v4;
	v3 =	vld [tilespmem:s3+$0x0];
	(pc) =	sbr.rel @p0 .LBB2_9-.Ltmp3, $4  }
0x21c: {  	v7 =	vadd.f32 v8, v5;
	v4 =	vld [tilespmem:s5+$0x0]  }
0x21d: {  	v10 =	vadd.f32 v6, v10;
	v5 =	vld [tilespmem:s3+$0x80]  }
0x21e: {  	v8 =	vld [tilespmem:s2+$0x0]  }
0x21f: {  	v6 =	vld [tilespmem:s1+$0x0];
	v9 =	vadd.f32 v9, v10  }
0x220: {  	_ =	sdelay $0x1  }
0x221: {  	v10 =	vld [tilespmem:s12+$0x0]  }
0x222: {  	v11 =	vld [tilespmem:s23+$0x0];
	v7 =	vadd.f32 v8, v7  }
0x223: {  	v61 =	vld [tilespmem:s24+$0x0]  }
0x224: {  	v62 =	vld [tilespmem:s24+$0x80];
	v6 =	vadd.f32 v6, v7;
	_ =	sdelay $0x1  }
0x225: {  	v6 =	vadd.f32 v10, v6  }
0x226: {  	vm2 =	vgt.f32 v2, $5.000000000e-01;
	v2 =	vadd.f32 v4, v9  }
0x227: {  	s0 =	rddreg [dreg:$0x12];
	p0 =	seq.s32 s16, $0x1F;
	v3 =	vsel vm2, v5, v3;
	v63 =	vadd.f32 v11, v6  }
.Ltmp4:
0x228: {  	s0 =	sadd.s32 s0, s16;
	v2 =	vadd.f32 v3, v2;
	v3 =	vsel vm2, v62, v61;
	(pc) =	sbr.rel @p0 .LBB2_12-.Ltmp4, $4  }
0x229: {  	s30 =	smul.u32 $0x300, s0;
	v3 =	vadd.f32 v3, v63  }
0x22a: {  	s31 =	rddreg [dreg:$0x9];
	[tilespmem:s8+$0x12980] =	vst v2  }
0x22b: {  	s1 =	simm.s32 $0x12800;
	s0 =	sadd.s32 s31, s30;
	[tilespmem:s29+$0x12980] =	vst v3  }
0x22c: {  	[hbm4b:s0+s4] =	stream.strided.scatter [tilespmem:s1], [sflag:$0x3], $0xC00, s7, s4, $0x38;
	[tilespmem:$0x13A00] =	vst v63  }
0x22d: {  	s0 =	sadd.s32 $0x2, s9  }
0x22e: {  	s2 =	rddreg [dreg:$0xb];
	s1 =	sshll.u32 s0, $0x2  }
0x22f: {  	s2 =	sadd.s32 s2, s1  }
0x230: {  	s2 =	sshrl.u32 s2, $0x3  }
0x231: {  	s0 =	sshll.u32 s0, $0x5;
	s2 =	smul.u32 $0x300, s2  }
0x232: {  	s3 =	rddreg [dreg:$0x8];
	s1 =	sand.u32 $0x78, s1;
	s0 =	sand.u32 $0xC00, s0  }
0x233: {  	s17 =	simm.s32 $0x9800;
	s0 =	sor.u32 s1, s0;
	s2 =	sadd.s32 s3, s2  }
0x234: {  	[tilespmem:s17], [sflag:$0x1] =	stream.strided.gather [hbm4b:s2+s4], $0xC00, s7, s4, $0x38;
	[tilespmem:$0x13A00] =	vst v63  }
0x235: {  	v2 =	vld.msk [tilespmem:s0+$0x0], $0xf;
	_ =	sdelay $0x4  }
0x236: {  	v3 =	vshrl.u32 v2, $0x3  }
0x237: {  	v3 =	vmul.u32 $0x30, v3  }
0x238: {  	v2 =	vand.u32 $0x7, v2  }
0x239: {  	v2 =	vor.u32 v2, v3  }
0x23a: {  	v2 =	vperm.xlane v2, v0;
	_ =	sdelay $0x1  }
0x23b: {  	v2 =	vadd.s32 v1, v2;
	_ =	sdelay $0x3  }
0x23c: {  	s23 =	rddreg [dreg:$0x1];
	s24 =	simm.s32 $0x2000  }
0x23d: {  	[tilespmem:s24], [sflag:$0x1] =	stream.indirect_vreg.gather [hbm4b:s23+s11], $0x80, v2, vm0, $0xb8;
	[tilespmem:$0x13A00] =	vst v63  }
0x23e: {  	s26 =	rddreg [dreg:$0x10];
	s28 =	simm.s32 $0x2800;
	s29 =	sor.u32 $0x80, s0  }
0x23f: {  	[tilespmem:s28], [sflag:$0x1] =	stream.indirect_vreg.gather [hbm4b:s26+s11], $0x80, v2, vm1, $0xb8;
	[tilespmem:$0x13A00] =	vst v63  }
0x240: {  	v2 =	vld.msk [tilespmem:s29+$0x0], $0xf;
	_ =	sdelay $0x4  }
0x241: {  	v3 =	vshrl.u32 v2, $0x3  }
0x242: {  	v3 =	vmul.u32 $0x30, v3  }
0x243: {  	v2 =	vand.u32 $0x7, v2  }
0x244: {  	v2 =	vor.u32 v2, v3  }
0x245: {  	v2 =	vperm.xlane v2, v0;
	_ =	sdelay $0x1  }
0x246: {  	v2 =	vadd.s32 v1, v2;
	_ =	sdelay $0x3  }
0x247: {  	s31 =	rddreg [dreg:$0x2];
	s3 =	simm.s32 $0x2C00  }
0x248: {  	[tilespmem:s3], [sflag:$0x1] =	stream.indirect_vreg.gather [hbm4b:s31+s11], $0x80, v2, vm0, $0xb8;
	[tilespmem:$0x13A00] =	vst v63  }
0x249: {  	s5 =	simm.s32 $0x3400;
	s6 =	sor.u32 $0x100, s0  }
0x24a: {  	[tilespmem:s5], [sflag:$0x1] =	stream.indirect_vreg.gather [hbm4b:s18+s11], $0x80, v2, vm1, $0xb8;
	[tilespmem:$0x13A00] =	vst v63  }
0x24b: {  	v2 =	vld.msk [tilespmem:s6+$0x0], $0xf;
	_ =	sdelay $0x4  }
0x24c: {  	v3 =	vshrl.u32 v2, $0x3  }
0x24d: {  	v3 =	vmul.u32 $0x30, v3  }
0x24e: {  	v2 =	vand.u32 $0x7, v2  }
0x24f: {  	v2 =	vor.u32 v2, v3  }
0x250: {  	v2 =	vperm.xlane v2, v0;
	_ =	sdelay $0x1  }
0x251: {  	v2 =	vadd.s32 v1, v2;
	_ =	sdelay $0x3  }
0x252: {  	s8 =	simm.s32 $0x3800  }
0x253: {  	[tilespmem:s8], [sflag:$0x1] =	stream.indirect_vreg.gather [hbm4b:s31+s11], $0x80, v2, vm0, $0xb8;
	[tilespmem:$0x13A00] =	vst v63  }
0x254: {  	s9 =	simm.s32 $0x4000;
	s12 =	sor.u32 $0x180, s0  }
0x255: {  	[tilespmem:s9], [sflag:$0x1] =	stream.indirect_vreg.gather [hbm4b:s18+s11], $0x80, v2, vm1, $0xb8;
	[tilespmem:$0x13A00] =	vst v63  }
0x256: {  	v2 =	vld.msk [tilespmem:s12+$0x0], $0xf;
	_ =	sdelay $0x4  }
0x257: {  	v3 =	vshrl.u32 v2, $0x3  }
0x258: {  	v3 =	vmul.u32 $0x30, v3  }
0x259: {  	v2 =	vand.u32 $0x7, v2  }
0x25a: {  	v2 =	vor.u32 v2, v3  }
0x25b: {  	v2 =	vperm.xlane v2, v0;
	_ =	sdelay $0x1  }
0x25c: {  	v2 =	vadd.s32 v1, v2;
	_ =	sdelay $0x3  }
0x25d: {  	s13 =	rddreg [dreg:$0x3];
	s17 =	simm.s32 $0x4400  }
0x25e: {  	[tilespmem:s17], [sflag:$0x1] =	stream.indirect_vreg.gather [hbm4b:s13+s11], $0x80, v2, vm0, $0xb8;
	[tilespmem:$0x13A00] =	vst v63  }
0x25f: {  	s23 =	simm.s32 $0x4C00;
	s24 =	sor.u32 $0x200, s0  }
0x260: {  	[tilespmem:s23], [sflag:$0x1] =	stream.indirect_vreg.gather [hbm4b:s19+s11], $0x80, v2, vm1, $0xb8;
	[tilespmem:$0x13A00] =	vst v63  }
0x261: {  	v2 =	vld.msk [tilespmem:s24+$0x0], $0xf;
	_ =	sdelay $0x4  }
0x262: {  	v3 =	vshrl.u32 v2, $0x3  }
0x263: {  	v3 =	vmul.u32 $0x30, v3  }
0x264: {  	v2 =	vand.u32 $0x7, v2  }
0x265: {  	v2 =	vor.u32 v2, v3  }
0x266: {  	v2 =	vperm.xlane v2, v0;
	_ =	sdelay $0x1  }
0x267: {  	v2 =	vadd.s32 v1, v2;
	_ =	sdelay $0x3  }
0x268: {  	s26 =	simm.s32 $0x5000  }
0x269: {  	[tilespmem:s26], [sflag:$0x1] =	stream.indirect_vreg.gather [hbm4b:s13+s11], $0x80, v2, vm0, $0xb8;
	[tilespmem:$0x13A00] =	vst v63  }
0x26a: {  	s28 =	simm.s32 $0x5800;
	s29 =	sor.u32 $0x280, s0  }
0x26b: {  	[tilespmem:s28], [sflag:$0x1] =	stream.indirect_vreg.gather [hbm4b:s19+s11], $0x80, v2, vm1, $0xb8;
	[tilespmem:$0x13A00] =	vst v63  }
0x26c: {  	v2 =	vld.msk [tilespmem:s29+$0x0], $0xf;
	_ =	sdelay $0x4  }
0x26d: {  	v3 =	vshrl.u32 v2, $0x3  }
0x26e: {  	v3 =	vmul.u32 $0x30, v3  }
0x26f: {  	v2 =	vand.u32 $0x7, v2  }
0x270: {  	v2 =	vor.u32 v2, v3  }
0x271: {  	v2 =	vperm.xlane v2, v0;
	_ =	sdelay $0x1  }
0x272: {  	v2 =	vadd.s32 v1, v2;
	_ =	sdelay $0x3  }
0x273: {  	s3 =	simm.s32 $0x5C00;
	s31 =	rddreg [dreg:$0x4]  }
0x274: {  	[tilespmem:s3], [sflag:$0x1] =	stream.indirect_vreg.gather [hbm4b:s31+s11], $0x80, v2, vm0, $0xb8;
	[tilespmem:$0x13A00] =	vst v63  }
0x275: {  	s5 =	simm.s32 $0x6400;
	s6 =	sor.u32 $0x300, s0  }
0x276: {  	[tilespmem:s5], [sflag:$0x1] =	stream.indirect_vreg.gather [hbm4b:s20+s11], $0x80, v2, vm1, $0xb8;
	[tilespmem:$0x13A00] =	vst v63  }
0x277: {  	v2 =	vld.msk [tilespmem:s6+$0x0], $0xf;
	_ =	sdelay $0x4  }
0x278: {  	v3 =	vshrl.u32 v2, $0x3  }
0x279: {  	v3 =	vmul.u32 $0x30, v3  }
0x27a: {  	v2 =	vand.u32 $0x7, v2  }
0x27b: {  	v2 =	vor.u32 v2, v3  }
0x27c: {  	v2 =	vperm.xlane v2, v0;
	_ =	sdelay $0x1  }
0x27d: {  	v2 =	vadd.s32 v1, v2;
	_ =	sdelay $0x3  }
0x27e: {  	s8 =	simm.s32 $0x6800  }
0x27f: {  	[tilespmem:s8], [sflag:$0x1] =	stream.indirect_vreg.gather [hbm4b:s31+s11], $0x80, v2, vm0, $0xb8;
	[tilespmem:$0x13A00] =	vst v63  }
0x280: {  	s9 =	simm.s32 $0x7000;
	s12 =	sor.u32 $0x380, s0  }
0x281: {  	[tilespmem:s9], [sflag:$0x1] =	stream.indirect_vreg.gather [hbm4b:s20+s11], $0x80, v2, vm1, $0xb8;
	[tilespmem:$0x13A00] =	vst v63  }
0x282: {  	v2 =	vld.msk [tilespmem:s12+$0x0], $0xf;
	_ =	sdelay $0x4  }
0x283: {  	v3 =	vshrl.u32 v2, $0x3  }
0x284: {  	v3 =	vmul.u32 $0x30, v3  }
0x285: {  	v2 =	vand.u32 $0x7, v2  }
0x286: {  	v2 =	vor.u32 v2, v3  }
0x287: {  	v2 =	vperm.xlane v2, v0;
	_ =	sdelay $0x1  }
0x288: {  	v2 =	vadd.s32 v1, v2;
	_ =	sdelay $0x3  }
0x289: {  	s17 =	simm.s32 $0x7400;
	s13 =	rddreg [dreg:$0x5]  }
0x28a: {  	[tilespmem:s17], [sflag:$0x1] =	stream.indirect_vreg.gather [hbm4b:s13+s11], $0x80, v2, vm0, $0xb8;
	[tilespmem:$0x13A00] =	vst v63  }
0x28b: {  	s23 =	simm.s32 $0x7C00  }
0x28c: {  	[tilespmem:s23], [sflag:$0x1] =	stream.indirect_vreg.gather [hbm4b:s21+s11], $0x80, v2, vm1, $0xb8;
	[tilespmem:$0x13A00] =	vst v63  }
0x28d: {  	v2 =	vld.msk [tilespmem:s0+$0x800], $0xf;
	_ =	sdelay $0x4  }
0x28e: {  	v3 =	vshrl.u32 v2, $0x3  }
0x28f: {  	v3 =	vmul.u32 $0x30, v3  }
0x290: {  	v2 =	vand.u32 $0x7, v2  }
0x291: {  	v2 =	vor.u32 v2, v3  }
0x292: {  	v2 =	vperm.xlane v2, v0;
	_ =	sdelay $0x1  }
0x293: {  	v2 =	vadd.s32 v1, v2;
	_ =	sdelay $0x3  }
0x294: {  	s24 =	simm.s32 $0x8000  }
0x295: {  	[tilespmem:s24], [sflag:$0x1] =	stream.indirect_vreg.gather [hbm4b:s13+s11], $0x80, v2, vm0, $0xb8;
	[tilespmem:$0x13A00] =	vst v63  }
0x296: {  	s26 =	simm.s32 $0x8800  }
0x297: {  	[tilespmem:s26], [sflag:$0x1] =	stream.indirect_vreg.gather [hbm4b:s21+s11], $0x80, v2, vm1, $0xb8;
	[tilespmem:$0x13A00] =	vst v63  }
0x298: {  	v2 =	vld.msk [tilespmem:s0+$0x880], $0xf;
	_ =	sdelay $0x4  }
0x299: {  	v3 =	vshrl.u32 v2, $0x3  }
0x29a: {  	v3 =	vmul.u32 $0x30, v3  }
0x29b: {  	v2 =	vand.u32 $0x7, v2  }
0x29c: {  	v2 =	vor.u32 v2, v3  }
0x29d: {  	v2 =	vperm.xlane v2, v0;
	_ =	sdelay $0x1  }
0x29e: {  	v2 =	vadd.s32 v1, v2;
	_ =	sdelay $0x3  }
0x29f: {  	s28 =	rddreg [dreg:$0x6];
	s29 =	simm.s32 $0x8C00  }
0x2a0: {  	[tilespmem:s29], [sflag:$0x1] =	stream.indirect_vreg.gather [hbm4b:s28+s11], $0x80, v2, vm0, $0xb8;
	[tilespmem:$0x13A00] =	vst v63  }
0x2a1: {  	s31 =	simm.s32 $0x9400  }
0x2a2: {  	[tilespmem:s31], [sflag:$0x1] =	stream.indirect_vreg.gather [hbm4b:s22+s11], $0x80, v2, vm1, $0xb8;
	[tilespmem:$0x13A00] =	vst v63  }
.LBB2_12:
0x2a3: {  	_ =	swait.ge [sflag:s14], $0xC00  }
0x2a4: {  	[sflag:s14] =	ssyncset.done $0x0  }
0x2a5: {  	[sflag:s14] =	ssyncadd.s32 $0xFFFFF400  }
0x2a6: {  	_ =	swait.ge [sflag:s14], $0xC00  }
0x2a7: {  	[sflag:s14] =	ssyncset.done $0x0  }
0x2a8: {  	[sflag:s14] =	ssyncadd.s32 $0xFFFFF400  }
0x2a9: {  	_ =	swait.ge [sflag:s14], $0xC00  }
0x2aa: {  	[sflag:s14] =	ssyncset.done $0x0  }
0x2ab: {  	[sflag:s14] =	ssyncadd.s32 $0xFFFFF400  }
0x2ac: {  	_ =	swait.ge [sflag:s14], $0xC00  }
0x2ad: {  	[sflag:s14] =	ssyncset.done $0x0  }
0x2ae: {  	[sflag:s14] =	ssyncadd.s32 $0xFFFFF400  }
0x2af: {  	_ =	swait.ge [sflag:s14], $0xC00  }
0x2b0: {  	[sflag:s14] =	ssyncset.done $0x0  }
0x2b1: {  	[sflag:s14] =	ssyncadd.s32 $0xFFFFF400  }
0x2b2: {  	_ =	swait.ge [sflag:s14], $0xC00  }
0x2b3: {  	[sflag:s14] =	ssyncset.done $0x0  }
0x2b4: {  	[sflag:s14] =	ssyncadd.s32 $0xFFFFF400  }
0x2b5: {  	_ =	swait.ge [sflag:s14], $0xC00  }
0x2b6: {  	[sflag:s14] =	ssyncset.done $0x0  }
0x2b7: {  	[sflag:s14] =	ssyncadd.s32 $0xFFFFF400  }
0x2b8: {  	_ =	swait.ge [sflag:s14], $0xC00  }
0x2b9: {  	[sflag:s14] =	ssyncset.done $0x0  }
0x2ba: {  	[sflag:s14] =	ssyncadd.s32 $0xFFFFF400  }
0x2bb: {  	_ =	swait.ge [sflag:s14], $0xC00  }
0x2bc: {  	[sflag:s14] =	ssyncset.done $0x0  }
0x2bd: {  	[sflag:s14] =	ssyncadd.s32 $0xFFFFF400  }
0x2be: {  	_ =	swait.ge [sflag:s14], $0xC00  }
0x2bf: {  	[sflag:s14] =	ssyncset.done $0x0  }
0x2c0: {  	[sflag:s14] =	ssyncadd.s32 $0xFFFFF400  }
0x2c1: {  	_ =	swait.ge [sflag:s14], $0xC00  }
0x2c2: {  	[sflag:s14] =	ssyncset.done $0x0  }
0x2c3: {  	s9 =	simm.s32 $0x0;
	[sflag:s14] =	ssyncadd.s32 $0xFFFFF400  }
0x2c4: {  	s0 =	simm.s32 $0x0;
	s28 =	sand.u32 $0x60, s9;
	_ =	swait.ge [sflag:s15], $0xC00  }
0x2c5: {  	s0 =	sand.u32 $0xFFFFFE00, s0;
	s31 =	sor.u32 $0x10, s28;
	[sflag:s15] =	ssyncset.done $0x0  }
0x2c6: {  	s1 =	sadd.s32 $0xB000, s0;
	s8 =	sor.u32 s0, s31;
	[sflag:s15] =	ssyncadd.s32 $0xFFFFF400  }
0x2c7: {  	s2 =	sor.u32 s31, s1;
	v2 =	vld [tilespmem:s8+$0xA400]  }
0x2c8: {  	s3 =	sadd.s32 $0xBC00, s0;
	s1 =	sor.u32 s28, s1;
	v3 =	vld [tilespmem:s2+$0x0]  }
0x2c9: {  	s5 =	sor.u32 s31, s3;
	v4 =	vld [tilespmem:s1+$0x0]  }
0x2ca: {  	s29 =	sor.u32 s28, s0;
	s6 =	sadd.s32 $0xC800, s0;
	v5 =	vld [tilespmem:s5+$0x0]  }
0x2cb: {  	s12 =	sor.u32 s31, s6;
	v6 =	vld [tilespmem:s29+$0xA400]  }
0x2cc: {  	s3 =	sor.u32 s28, s3;
	s5 =	sadd.s32 $0xD400, s0;
	v7 =	vld [tilespmem:s12+$0x0]  }
0x2cd: {  	v8 =	vld [tilespmem:s3+$0x0];
	s13 =	sor.u32 s31, s5;
	v2 =	vadd.f32 v3, v2  }
0x2ce: {  	s17 =	sadd.s32 $0xE000, s0;
	s2 =	sor.u32 s28, s6;
	v3 =	vld [tilespmem:s13+$0x0]  }
0x2cf: {  	s23 =	sor.u32 s31, s17;
	v9 =	vld [tilespmem:s2+$0x0];
	v2 =	vadd.f32 v5, v2  }
0x2d0: {  	s26 =	sadd.s32 $0xEC00, s0;
	s24 =	sor.u32 s28, s5;
	v5 =	vld [tilespmem:s23+$0x0]  }
0x2d1: {  	s2 =	sor.u32 s31, s26;
	v10 =	vld [tilespmem:s24+$0x0];
	v2 =	vadd.f32 v7, v2  }
0x2d2: {  	s6 =	sor.u32 s28, s17;
	s3 =	sadd.s32 $0xF800, s0;
	v7 =	vld [tilespmem:s2+$0x0]  }
0x2d3: {  	s12 =	sor.u32 s31, s3;
	v4 =	vadd.f32 v4, v6;
	v6 =	vld [tilespmem:s6+$0x0];
	v2 =	vadd.f32 v3, v2  }
0x2d4: {  	s5 =	sadd.s32 $0x10400, s0;
	s13 =	sor.u32 s28, s26;
	v3 =	vld [tilespmem:s12+$0x0]  }
0x2d5: {  	s6 =	sadd.s32 $0x11000, s0;
	v11 =	vld [tilespmem:s13+$0x0];
	v4 =	vadd.f32 v8, v4;
	s23 =	sor.u32 s31, s5;
	v5 =	vadd.f32 v5, v2  }
0x2d6: {  	s17 =	simm.s32 $0x0;
	s24 =	sor.u32 s31, s6;
	v8 =	vld [tilespmem:s23+$0x0]  }
0x2d7: {  	s1 =	sand.u32 $0x3FFFFF00, s17;
	s13 =	sadd.s32 $0x11C00, s0;
	v4 =	vadd.f32 v9, v4;
	v9 =	vld [tilespmem:s24+$0x0];
	v5 =	vadd.f32 v7, v5  }
0x2d8: {  	s1 =	sadd.s32 $0x13400, s1;
	s12 =	sor.u32 s31, s13;
	v2 =	vld [tilespmem:s25+$0x1040]  }
0x2d9: {  	s26 =	sor.u32 s31, s1;
	v7 =	vadd.f32 v10, v4;
	v4 =	vld [tilespmem:s12+$0x0];
	v5 =	vadd.f32 v3, v5  }
0x2da: {  	v3 =	vld [tilespmem:s26+$0x0]  }
0x2db: {  	s17 =	sor.u32 s28, s3;
	v6 =	vadd.f32 v6, v7;
	v10 =	vadd.f32 v8, v5;
	v5 =	vld [tilespmem:s26+$0x80]  }
0x2dc: {  	s0 =	simm.s32 $0x0;
	s23 =	sor.u32 s28, s5;
	s24 =	sor.u32 s28, s13;
	v8 =	vld [tilespmem:s17+$0x0]  }
0x2dd: {  	s12 =	sor.u32 s28, s6;
	s6 =	simm.s32 $0x0;
	s26 =	sor.u32 s28, s1;
	v7 =	vadd.f32 v11, v6;
	v6 =	vld [tilespmem:s23+$0x0];
	v9 =	vadd.f32 v9, v10  }
.LBB2_13:
0x2de: {  	s0 =	sadd.s32 $0x2, s0;
	v10 =	vld [tilespmem:s12+$0x0];
	s6 =	sadd.s32 $0x20, s6  }
0x2df: {  	vm2 =	vgt.f32 v2, $5.000000000e-01;
	s13 =	sand.u32 $0x60, s6;
	s1 =	sshll.u32 s0, $0x6;
	p0 =	slt.u32 s0, $0x2E;
	v2 =	vld [tilespmem:s24+$0x0];
	v4 =	vadd.f32 v4, v9  }
0x2e0: {  	s24 =	sand.u32 $0xFFFFFE00, s1;
	s23 =	sor.u32 $0x10, s13;
	v9 =	vld [tilespmem:s26+$0x0];
	v3 =	vsel vm2, v5, v3  }
0x2e1: {  	s1 =	sor.u32 s13, s24;
	s2 =	sadd.s32 $0xB000, s24;
	s3 =	sor.u32 s24, s23;
	v5 =	vadd.f32 v8, v7;
	v7 =	vld [tilespmem:s26+$0x80];
	v3 =	vadd.f32 v3, v4  }
0x2e2: {  	s5 =	sor.u32 s13, s2;
	v4 =	vld [tilespmem:s3+$0xA400];
	s2 =	sor.u32 s23, s2  }
0x2e3: {  	s12 =	sadd.s32 $0xBC00, s24;
	v8 =	vld [tilespmem:s2+$0x0];
	v5 =	vadd.f32 v6, v5;
	[tilespmem:s8+$0x12800] =	vst v3;
	s8 =	smov.u32 s3  }
0x2e4: {  	s2 =	sor.u32 s13, s12;
	s3 =	sor.u32 s23, s12;
	v3 =	vld [tilespmem:s5+$0x0]  }
0x2e5: {  	s5 =	sadd.s32 $0xC800, s24;
	v6 =	vld [tilespmem:s3+$0x0];
	v5 =	vadd.f32 v10, v5  }
0x2e6: {  	s3 =	sor.u32 s13, s5;
	s5 =	sor.u32 s23, s5;
	v10 =	vld [tilespmem:s1+$0xA400];
	v7 =	vsel vm2, v7, v9  }
0x2e7: {  	s12 =	sadd.s32 $0xD400, s24;
	v9 =	vld [tilespmem:s5+$0x0];
	v2 =	vadd.f32 v2, v5  }
0x2e8: {  	s5 =	sor.u32 s23, s12;
	v5 =	vld [tilespmem:s2+$0x0];
	s2 =	sor.u32 s13, s12;
	v4 =	vadd.f32 v8, v4  }
0x2e9: {  	s12 =	sadd.s32 $0xE000, s24;
	v8 =	vld [tilespmem:s5+$0x0];
	v2 =	vadd.f32 v7, v2  }
0x2ea: {  	s5 =	sor.u32 s23, s12;
	v7 =	vld [tilespmem:s3+$0x0];
	s3 =	sor.u32 s13, s12;
	v4 =	vadd.f32 v6, v4  }
0x2eb: {  	s12 =	sadd.s32 $0xEC00, s24;
	v3 =	vadd.f32 v3, v10;
	v6 =	vld [tilespmem:s5+$0x0];
	[tilespmem:s29+$0x12800] =	vst v2;
	s29 =	smov.u32 s1  }
0x2ec: {  	s1 =	sor.u32 s13, s12;
	v2 =	vld [tilespmem:s2+$0x0];
	v4 =	vadd.f32 v9, v4;
	s2 =	sor.u32 s23, s12  }
0x2ed: {  	s5 =	sadd.s32 $0xF800, s24;
	v3 =	vadd.f32 v5, v3;
	v5 =	vld [tilespmem:s2+$0x0]  }
0x2ee: {  	s2 =	sor.u32 s13, s5;
	v9 =	vld [tilespmem:s3+$0x0];
	v4 =	vadd.f32 v8, v4;
	s3 =	sor.u32 s23, s5  }
0x2ef: {  	s5 =	sadd.s32 $0x10400, s24;
	v3 =	vadd.f32 v7, v3;
	v7 =	vld [tilespmem:s3+$0x0]  }
0x2f0: {  	s3 =	sshll.u32 s0, $0x5;
	v8 =	vld [tilespmem:s1+$0x0];
	s1 =	sor.u32 s13, s5;
	v4 =	vadd.f32 v6, v4;
	s5 =	sor.u32 s23, s5  }
0x2f1: {  	s17 =	sadd.s32 $0x11000, s24;
	s3 =	sand.u32 $0x3FFFFF00, s3;
	v3 =	vadd.f32 v2, v3;
	v6 =	vld [tilespmem:s5+$0x0]  }
0x2f2: {  	s12 =	sor.u32 s13, s17;
	s3 =	sadd.s32 $0x13400, s3;
	s5 =	sor.u32 s23, s17;
	v2 =	vld [tilespmem:s25+$0x1040];
	v4 =	vadd.f32 v5, v4  }
0x2f3: {  	s17 =	sadd.s32 $0x11C00, s24;
	s26 =	sor.u32 s13, s3;
	s3 =	sor.u32 s23, s3;
	v5 =	vadd.f32 v9, v3;
	v9 =	vld [tilespmem:s5+$0x0]  }
.Ltmp5:
0x2f4: {  	s24 =	sor.u32 s13, s17;
	s5 =	sor.u32 s23, s17;
	v10 =	vadd.f32 v7, v4;
	v3 =	vld [tilespmem:s3+$0x0];
	(pc) =	sbr.rel @p0 .LBB2_13-.Ltmp5, $4  }
0x2f5: {  	v7 =	vadd.f32 v8, v5;
	v4 =	vld [tilespmem:s5+$0x0]  }
0x2f6: {  	v10 =	vadd.f32 v6, v10;
	v5 =	vld [tilespmem:s3+$0x80]  }
0x2f7: {  	v8 =	vld [tilespmem:s2+$0x0]  }
0x2f8: {  	v6 =	vld [tilespmem:s1+$0x0];
	v9 =	vadd.f32 v9, v10  }
0x2f9: {  	_ =	sdelay $0x1  }
0x2fa: {  	v10 =	vld [tilespmem:s12+$0x0]  }
0x2fb: {  	v11 =	vld [tilespmem:s24+$0x0];
	v7 =	vadd.f32 v8, v7  }
0x2fc: {  	v8 =	vld [tilespmem:s26+$0x0]  }
0x2fd: {  	v6 =	vadd.f32 v6, v7;
	v7 =	vld [tilespmem:s26+$0x80];
	_ =	sdelay $0x1  }
0x2fe: {  	v6 =	vadd.f32 v10, v6  }
0x2ff: {  	vm2 =	vgt.f32 v2, $5.000000000e-01;
	v2 =	vadd.f32 v4, v9  }
0x300: {  	v3 =	vsel vm2, v5, v3;
	v4 =	vadd.f32 v11, v6  }
0x301: {  	v2 =	vadd.f32 v3, v2;
	v3 =	vsel vm2, v7, v8  }
0x302: {  	s0 =	simm.s32 $0x0;
	v3 =	vadd.f32 v3, v4  }
0x303: {  	s0 =	sand.u32 $0xFFFFFE00, s0;
	[tilespmem:s8+$0x12800] =	vst v2  }
0x304: {  	s1 =	sadd.s32 $0xB080, s0;
	s8 =	sor.u32 s31, s0;
	[tilespmem:s29+$0x12800] =	vst v3  }
0x305: {  	s2 =	sor.u32 s31, s1;
	v2 =	vld [tilespmem:s8+$0xA480]  }
0x306: {  	s3 =	sadd.s32 $0xBC80, s0;
	s1 =	sor.u32 s28, s1;
	v3 =	vld [tilespmem:s2+$0x0]  }
0x307: {  	s23 =	sor.u32 s31, s3;
	v4 =	vld [tilespmem:s1+$0x0]  }
0x308: {  	s24 =	sadd.s32 $0xC880, s0;
	s29 =	sor.u32 s28, s0;
	v5 =	vld [tilespmem:s23+$0x0]  }
0x309: {  	s26 =	sor.u32 s31, s24;
	v6 =	vld [tilespmem:s29+$0xA480]  }
0x30a: {  	s5 =	sadd.s32 $0xD480, s0;
	s3 =	sor.u32 s28, s3;
	v7 =	vld [tilespmem:s26+$0x0]  }
0x30b: {  	v8 =	vld [tilespmem:s3+$0x0];
	s3 =	sor.u32 s31, s5;
	v2 =	vadd.f32 v3, v2  }
0x30c: {  	s6 =	sadd.s32 $0xE080, s0;
	s13 =	sor.u32 s28, s5;
	v3 =	vld [tilespmem:s3+$0x0]  }
0x30d: {  	s12 =	sor.u32 s31, s6;
	v10 =	vld [tilespmem:s13+$0x0];
	v2 =	vadd.f32 v5, v2  }
0x30e: {  	s17 =	sadd.s32 $0xEC80, s0;
	s2 =	sor.u32 s28, s24;
	v5 =	vld [tilespmem:s12+$0x0]  }
0x30f: {  	s23 =	sor.u32 s31, s17;
	v9 =	vld [tilespmem:s2+$0x0];
	v2 =	vadd.f32 v7, v2  }
0x310: {  	s24 =	sor.u32 s28, s6;
	s26 =	sadd.s32 $0xF880, s0;
	s6 =	sor.u32 s28, s17;
	v7 =	vld [tilespmem:s23+$0x0]  }
0x311: {  	s2 =	sor.u32 s31, s26;
	v11 =	vld [tilespmem:s6+$0x0];
	v4 =	vadd.f32 v4, v6;
	v2 =	vadd.f32 v3, v2  }
0x312: {  	s5 =	sadd.s32 $0x10480, s0;
	v3 =	vld [tilespmem:s2+$0x0]  }
0x313: {  	s13 =	sor.u32 s31, s5;
	s6 =	sadd.s32 $0x11080, s0;
	v6 =	vld [tilespmem:s24+$0x0];
	v4 =	vadd.f32 v8, v4;
	v5 =	vadd.f32 v5, v2  }
0x314: {  	s17 =	sor.u32 s31, s6;
	s12 =	simm.s32 $0x0;
	v8 =	vld [tilespmem:s13+$0x0]  }
0x315: {  	s13 =	sadd.s32 $0x11C80, s0;
	s1 =	sand.u32 $0x3FFFFF00, s12;
	v4 =	vadd.f32 v9, v4;
	v9 =	vld [tilespmem:s17+$0x0];
	v5 =	vadd.f32 v7, v5  }
0x316: {  	s24 =	sor.u32 s31, s13;
	s1 =	sadd.s32 $0x13400, s1;
	v2 =	vld [tilespmem:s25+$0x1050]  }
0x317: {  	s23 =	sor.u32 s31, s1;
	v7 =	vadd.f32 v10, v4;
	v4 =	vld [tilespmem:s24+$0x0];
	v5 =	vadd.f32 v3, v5  }
0x318: {  	v3 =	vld [tilespmem:s23+$0x0]  }
0x319: {  	s26 =	sor.u32 s28, s26;
	v6 =	vadd.f32 v6, v7;
	v10 =	vadd.f32 v8, v5;
	v5 =	vld [tilespmem:s23+$0x80]  }
0x31a: {  	s0 =	simm.s32 $0x0;
	s31 =	sor.u32 s28, s5;
	v8 =	vld [tilespmem:s26+$0x0]  }
0x31b: {  	s12 =	sor.u32 s28, s6;
	s24 =	sor.u32 s28, s1;
	s23 =	sor.u32 s28, s13;
	v7 =	vadd.f32 v11, v6;
	v6 =	vld [tilespmem:s31+$0x0];
	v9 =	vadd.f32 v9, v10  }
.LBB2_15:
0x31c: {  	s0 =	sadd.s32 $0x2, s0;
	v10 =	vld [tilespmem:s12+$0x0];
	s9 =	sadd.s32 $0x20, s9  }
0x31d: {  	vm2 =	vgt.f32 v2, $5.000000000e-01;
	s6 =	sand.u32 $0x60, s9;
	s1 =	sshll.u32 s0, $0x6;
	p0 =	slt.u32 s0, $0x2E;
	v2 =	vld [tilespmem:s23+$0x0];
	v4 =	vadd.f32 v4, v9  }
0x31e: {  	s23 =	sand.u32 $0xFFFFFE00, s1;
	s13 =	sor.u32 $0x10, s6;
	v9 =	vld [tilespmem:s24+$0x0];
	v3 =	vsel vm2, v5, v3  }
0x31f: {  	s1 =	sor.u32 s6, s23;
	s2 =	sadd.s32 $0xB080, s23;
	s3 =	sor.u32 s13, s23;
	v5 =	vadd.f32 v8, v7;
	v7 =	vld [tilespmem:s24+$0x80];
	v3 =	vadd.f32 v3, v4  }
0x320: {  	s5 =	sor.u32 s6, s2;
	v4 =	vld [tilespmem:s3+$0xA480];
	s2 =	sor.u32 s13, s2  }
0x321: {  	s12 =	sadd.s32 $0xBC80, s23;
	v8 =	vld [tilespmem:s2+$0x0];
	v5 =	vadd.f32 v6, v5;
	[tilespmem:s8+$0x12880] =	vst v3  }
0x322: {  	s2 =	sor.u32 s6, s12;
	s8 =	smov.u32 s3;
	v3 =	vld [tilespmem:s5+$0x0];
	s5 =	sor.u32 s13, s12  }
0x323: {  	s3 =	sadd.s32 $0xC880, s23;
	v6 =	vld [tilespmem:s5+$0x0];
	v5 =	vadd.f32 v10, v5  }
0x324: {  	s5 =	sor.u32 s6, s3;
	s3 =	sor.u32 s13, s3;
	v10 =	vld [tilespmem:s1+$0xA480];
	v7 =	vsel vm2, v7, v9  }
0x325: {  	s12 =	sadd.s32 $0xD480, s23;
	v9 =	vld [tilespmem:s3+$0x0];
	v2 =	vadd.f32 v2, v5  }
0x326: {  	s3 =	sor.u32 s13, s12;
	v5 =	vld [tilespmem:s2+$0x0];
	s2 =	sor.u32 s6, s12;
	v4 =	vadd.f32 v8, v4  }
0x327: {  	s12 =	sadd.s32 $0xE080, s23;
	v8 =	vld [tilespmem:s3+$0x0];
	v2 =	vadd.f32 v7, v2  }
0x328: {  	s3 =	sor.u32 s6, s12;
	v7 =	vld [tilespmem:s5+$0x0];
	v4 =	vadd.f32 v6, v4;
	s5 =	sor.u32 s13, s12  }
0x329: {  	s12 =	sadd.s32 $0xEC80, s23;
	v3 =	vadd.f32 v3, v10;
	v6 =	vld [tilespmem:s5+$0x0];
	[tilespmem:s29+$0x12880] =	vst v2;
	s29 =	smov.u32 s1  }
0x32a: {  	s1 =	sor.u32 s6, s12;
	v2 =	vld [tilespmem:s2+$0x0];
	v4 =	vadd.f32 v9, v4;
	s2 =	sor.u32 s13, s12  }
0x32b: {  	s5 =	sadd.s32 $0xF880, s23;
	v3 =	vadd.f32 v5, v3;
	v5 =	vld [tilespmem:s2+$0x0]  }
0x32c: {  	s2 =	sor.u32 s6, s5;
	v9 =	vld [tilespmem:s3+$0x0];
	v4 =	vadd.f32 v8, v4;
	s3 =	sor.u32 s13, s5  }
0x32d: {  	s5 =	sadd.s32 $0x10480, s23;
	v3 =	vadd.f32 v7, v3;
	v7 =	vld [tilespmem:s3+$0x0]  }
0x32e: {  	s3 =	sshll.u32 s0, $0x5;
	v8 =	vld [tilespmem:s1+$0x0];
	s1 =	sor.u32 s6, s5;
	v4 =	vadd.f32 v6, v4;
	s5 =	sor.u32 s13, s5  }
0x32f: {  	s17 =	sadd.s32 $0x11080, s23;
	s3 =	sand.u32 $0x3FFFFF00, s3;
	v3 =	vadd.f32 v2, v3;
	v6 =	vld [tilespmem:s5+$0x0]  }
0x330: {  	s12 =	sor.u32 s6, s17;
	s3 =	sadd.s32 $0x13400, s3;
	s5 =	sor.u32 s13, s17;
	v2 =	vld [tilespmem:s25+$0x1050];
	v4 =	vadd.f32 v5, v4  }
0x331: {  	s17 =	sadd.s32 $0x11C80, s23;
	s24 =	sor.u32 s6, s3;
	s3 =	sor.u32 s13, s3;
	v5 =	vadd.f32 v9, v3;
	v9 =	vld [tilespmem:s5+$0x0]  }
.Ltmp6:
0x332: {  	s23 =	sor.u32 s6, s17;
	s5 =	sor.u32 s13, s17;
	v10 =	vadd.f32 v7, v4;
	v3 =	vld [tilespmem:s3+$0x0];
	(pc) =	sbr.rel @p0 .LBB2_15-.Ltmp6, $4  }
0x333: {  	v7 =	vadd.f32 v8, v5;
	v4 =	vld [tilespmem:s5+$0x0]  }
0x334: {  	v10 =	vadd.f32 v6, v10;
	v5 =	vld [tilespmem:s3+$0x80]  }
0x335: {  	v8 =	vld [tilespmem:s2+$0x0]  }
0x336: {  	v6 =	vld [tilespmem:s1+$0x0];
	v9 =	vadd.f32 v9, v10  }
0x337: {  	_ =	sdelay $0x1  }
0x338: {  	v10 =	vld [tilespmem:s12+$0x0]  }
0x339: {  	v11 =	vld [tilespmem:s23+$0x0];
	v7 =	vadd.f32 v8, v7  }
0x33a: {  	v8 =	vld [tilespmem:s24+$0x0]  }
0x33b: {  	v6 =	vadd.f32 v6, v7;
	v7 =	vld [tilespmem:s24+$0x80];
	_ =	sdelay $0x1  }
0x33c: {  	v6 =	vadd.f32 v10, v6  }
0x33d: {  	vm2 =	vgt.f32 v2, $5.000000000e-01;
	v2 =	vadd.f32 v4, v9  }
0x33e: {  	v3 =	vsel vm2, v5, v3;
	v4 =	vadd.f32 v11, v6  }
0x33f: {  	s9 =	simm.s32 $0x0;
	v2 =	vadd.f32 v3, v2;
	v3 =	vsel vm2, v7, v8  }
0x340: {  	s0 =	simm.s32 $0x0;
	s28 =	sand.u32 $0x60, s9;
	v3 =	vadd.f32 v3, v4  }
0x341: {  	s0 =	sand.u32 $0xFFFFFE00, s0;
	s31 =	sor.u32 $0x10, s28;
	[tilespmem:s8+$0x12880] =	vst v2  }
0x342: {  	s1 =	sadd.s32 $0xB100, s0;
	s8 =	sor.u32 s31, s0;
	[tilespmem:s29+$0x12880] =	vst v3  }
0x343: {  	s2 =	sor.u32 s31, s1;
	v2 =	vld [tilespmem:s8+$0xA500]  }
0x344: {  	s3 =	sadd.s32 $0xBD00, s0;
	s1 =	sor.u32 s28, s1;
	v3 =	vld [tilespmem:s2+$0x0]  }
0x345: {  	s5 =	sor.u32 s31, s3;
	v4 =	vld [tilespmem:s1+$0x0]  }
0x346: {  	s6 =	sadd.s32 $0xC900, s0;
	s29 =	sor.u32 s28, s0;
	v5 =	vld [tilespmem:s5+$0x0]  }
0x347: {  	s12 =	sor.u32 s31, s6;
	v6 =	vld [tilespmem:s29+$0xA500]  }
0x348: {  	s3 =	sor.u32 s28, s3;
	s5 =	sadd.s32 $0xD500, s0;
	v7 =	vld [tilespmem:s12+$0x0]  }
0x349: {  	v8 =	vld [tilespmem:s3+$0x0];
	s13 =	sor.u32 s31, s5;
	v2 =	vadd.f32 v3, v2  }
0x34a: {  	s17 =	sadd.s32 $0xE100, s0;
	s2 =	sor.u32 s28, s6;
	v3 =	vld [tilespmem:s13+$0x0]  }
0x34b: {  	s23 =	sor.u32 s31, s17;
	v9 =	vld [tilespmem:s2+$0x0];
	v2 =	vadd.f32 v5, v2  }
0x34c: {  	s26 =	sadd.s32 $0xED00, s0;
	s24 =	sor.u32 s28, s5;
	v5 =	vld [tilespmem:s23+$0x0]  }
0x34d: {  	s2 =	sor.u32 s31, s26;
	v10 =	vld [tilespmem:s24+$0x0];
	v2 =	vadd.f32 v7, v2  }
0x34e: {  	s6 =	sor.u32 s28, s17;
	s3 =	sadd.s32 $0xF900, s0;
	v7 =	vld [tilespmem:s2+$0x0]  }
0x34f: {  	s12 =	sor.u32 s31, s3;
	v4 =	vadd.f32 v4, v6;
	v6 =	vld [tilespmem:s6+$0x0];
	v2 =	vadd.f32 v3, v2  }
0x350: {  	s5 =	sadd.s32 $0x10500, s0;
	s13 =	sor.u32 s28, s26;
	v3 =	vld [tilespmem:s12+$0x0]  }
0x351: {  	s6 =	sadd.s32 $0x11100, s0;
	v11 =	vld [tilespmem:s13+$0x0];
	v4 =	vadd.f32 v8, v4;
	s23 =	sor.u32 s31, s5;
	v5 =	vadd.f32 v5, v2  }
0x352: {  	s17 =	simm.s32 $0x0;
	s24 =	sor.u32 s31, s6;
	v8 =	vld [tilespmem:s23+$0x0]  }
0x353: {  	s1 =	sand.u32 $0x3FFFFF00, s17;
	s13 =	sadd.s32 $0x11D00, s0;
	v4 =	vadd.f32 v9, v4;
	v9 =	vld [tilespmem:s24+$0x0];
	v5 =	vadd.f32 v7, v5  }
0x354: {  	s1 =	sadd.s32 $0x13400, s1;
	s12 =	sor.u32 s31, s13;
	v2 =	vld [tilespmem:s25+$0x1060]  }
0x355: {  	s26 =	sor.u32 s31, s1;
	v7 =	vadd.f32 v10, v4;
	v4 =	vld [tilespmem:s12+$0x0];
	v5 =	vadd.f32 v3, v5  }
0x356: {  	v3 =	vld [tilespmem:s26+$0x0]  }
0x357: {  	s17 =	sor.u32 s28, s3;
	v6 =	vadd.f32 v6, v7;
	v10 =	vadd.f32 v8, v5;
	v5 =	vld [tilespmem:s26+$0x80]  }
0x358: {  	s0 =	simm.s32 $0x0;
	s23 =	sor.u32 s28, s5;
	s24 =	sor.u32 s28, s13;
	v8 =	vld [tilespmem:s17+$0x0]  }
0x359: {  	s12 =	sor.u32 s28, s6;
	s6 =	simm.s32 $0x0;
	s26 =	sor.u32 s28, s1;
	v7 =	vadd.f32 v11, v6;
	v6 =	vld [tilespmem:s23+$0x0];
	v9 =	vadd.f32 v9, v10  }
.LBB2_17:
0x35a: {  	s0 =	sadd.s32 $0x2, s0;
	v10 =	vld [tilespmem:s12+$0x0];
	s6 =	sadd.s32 $0x20, s6  }
0x35b: {  	vm2 =	vgt.f32 v2, $5.000000000e-01;
	s13 =	sand.u32 $0x60, s6;
	s1 =	sshll.u32 s0, $0x6;
	p0 =	slt.u32 s0, $0x2E;
	v2 =	vld [tilespmem:s24+$0x0];
	v4 =	vadd.f32 v4, v9  }
0x35c: {  	s24 =	sand.u32 $0xFFFFFE00, s1;
	s23 =	sor.u32 $0x10, s13;
	v9 =	vld [tilespmem:s26+$0x0];
	v3 =	vsel vm2, v5, v3  }
0x35d: {  	s1 =	sor.u32 s13, s24;
	s2 =	sadd.s32 $0xB100, s24;
	s3 =	sor.u32 s23, s24;
	v5 =	vadd.f32 v8, v7;
	v7 =	vld [tilespmem:s26+$0x80];
	v3 =	vadd.f32 v3, v4  }
0x35e: {  	s5 =	sor.u32 s13, s2;
	v4 =	vld [tilespmem:s3+$0xA500];
	s2 =	sor.u32 s23, s2  }
0x35f: {  	s12 =	sadd.s32 $0xBD00, s24;
	v8 =	vld [tilespmem:s2+$0x0];
	v5 =	vadd.f32 v6, v5;
	[tilespmem:s8+$0x12900] =	vst v3;
	s8 =	smov.u32 s3  }
0x360: {  	s2 =	sor.u32 s13, s12;
	s3 =	sor.u32 s23, s12;
	v3 =	vld [tilespmem:s5+$0x0]  }
0x361: {  	s5 =	sadd.s32 $0xC900, s24;
	v6 =	vld [tilespmem:s3+$0x0];
	v5 =	vadd.f32 v10, v5  }
0x362: {  	s3 =	sor.u32 s13, s5;
	s5 =	sor.u32 s23, s5;
	v10 =	vld [tilespmem:s1+$0xA500];
	v7 =	vsel vm2, v7, v9  }
0x363: {  	s12 =	sadd.s32 $0xD500, s24;
	v9 =	vld [tilespmem:s5+$0x0];
	v2 =	vadd.f32 v2, v5  }
0x364: {  	s5 =	sor.u32 s23, s12;
	v5 =	vld [tilespmem:s2+$0x0];
	s2 =	sor.u32 s13, s12;
	v4 =	vadd.f32 v8, v4  }
0x365: {  	s12 =	sadd.s32 $0xE100, s24;
	v8 =	vld [tilespmem:s5+$0x0];
	v2 =	vadd.f32 v7, v2  }
0x366: {  	s5 =	sor.u32 s23, s12;
	v7 =	vld [tilespmem:s3+$0x0];
	s3 =	sor.u32 s13, s12;
	v4 =	vadd.f32 v6, v4  }
0x367: {  	s12 =	sadd.s32 $0xED00, s24;
	v3 =	vadd.f32 v3, v10;
	v6 =	vld [tilespmem:s5+$0x0];
	[tilespmem:s29+$0x12900] =	vst v2;
	s29 =	smov.u32 s1  }
0x368: {  	s1 =	sor.u32 s13, s12;
	v2 =	vld [tilespmem:s2+$0x0];
	v4 =	vadd.f32 v9, v4;
	s2 =	sor.u32 s23, s12  }
0x369: {  	s5 =	sadd.s32 $0xF900, s24;
	v3 =	vadd.f32 v5, v3;
	v5 =	vld [tilespmem:s2+$0x0]  }
0x36a: {  	s2 =	sor.u32 s13, s5;
	v9 =	vld [tilespmem:s3+$0x0];
	v4 =	vadd.f32 v8, v4;
	s3 =	sor.u32 s23, s5  }
0x36b: {  	s5 =	sadd.s32 $0x10500, s24;
	v3 =	vadd.f32 v7, v3;
	v7 =	vld [tilespmem:s3+$0x0]  }
0x36c: {  	s3 =	sshll.u32 s0, $0x5;
	v8 =	vld [tilespmem:s1+$0x0];
	s1 =	sor.u32 s13, s5;
	v4 =	vadd.f32 v6, v4;
	s5 =	sor.u32 s23, s5  }
0x36d: {  	s17 =	sadd.s32 $0x11100, s24;
	s3 =	sand.u32 $0x3FFFFF00, s3;
	v3 =	vadd.f32 v2, v3;
	v6 =	vld [tilespmem:s5+$0x0]  }
0x36e: {  	s12 =	sor.u32 s13, s17;
	s3 =	sadd.s32 $0x13400, s3;
	s5 =	sor.u32 s23, s17;
	v2 =	vld [tilespmem:s25+$0x1060];
	v4 =	vadd.f32 v5, v4  }
0x36f: {  	s17 =	sadd.s32 $0x11D00, s24;
	s26 =	sor.u32 s13, s3;
	s3 =	sor.u32 s23, s3;
	v5 =	vadd.f32 v9, v3;
	v9 =	vld [tilespmem:s5+$0x0]  }
.Ltmp7:
0x370: {  	s24 =	sor.u32 s13, s17;
	s5 =	sor.u32 s23, s17;
	v10 =	vadd.f32 v7, v4;
	v3 =	vld [tilespmem:s3+$0x0];
	(pc) =	sbr.rel @p0 .LBB2_17-.Ltmp7, $4  }
0x371: {  	v7 =	vadd.f32 v8, v5;
	v4 =	vld [tilespmem:s5+$0x0]  }
0x372: {  	v10 =	vadd.f32 v6, v10;
	v5 =	vld [tilespmem:s3+$0x80]  }
0x373: {  	v8 =	vld [tilespmem:s2+$0x0]  }
0x374: {  	v6 =	vld [tilespmem:s1+$0x0];
	v9 =	vadd.f32 v9, v10  }
0x375: {  	_ =	sdelay $0x1  }
0x376: {  	v10 =	vld [tilespmem:s12+$0x0]  }
0x377: {  	v11 =	vld [tilespmem:s24+$0x0];
	v7 =	vadd.f32 v8, v7  }
0x378: {  	v8 =	vld [tilespmem:s26+$0x0]  }
0x379: {  	v6 =	vadd.f32 v6, v7;
	v7 =	vld [tilespmem:s26+$0x80];
	_ =	sdelay $0x1  }
0x37a: {  	v6 =	vadd.f32 v10, v6  }
0x37b: {  	vm2 =	vgt.f32 v2, $5.000000000e-01;
	v2 =	vadd.f32 v4, v9  }
0x37c: {  	v3 =	vsel vm2, v5, v3;
	v4 =	vadd.f32 v11, v6  }
0x37d: {  	v2 =	vadd.f32 v3, v2;
	v3 =	vsel vm2, v7, v8  }
0x37e: {  	s0 =	simm.s32 $0x0;
	v3 =	vadd.f32 v3, v4  }
0x37f: {  	s0 =	sand.u32 $0xFFFFFE00, s0;
	[tilespmem:s8+$0x12900] =	vst v2  }
0x380: {  	s1 =	sadd.s32 $0xB180, s0;
	s8 =	sor.u32 s31, s0;
	[tilespmem:s29+$0x12900] =	vst v3  }
0x381: {  	s2 =	sor.u32 s31, s1;
	v2 =	vld [tilespmem:s8+$0xA580]  }
0x382: {  	s3 =	sadd.s32 $0xBD80, s0;
	s1 =	sor.u32 s28, s1;
	v3 =	vld [tilespmem:s2+$0x0]  }
0x383: {  	s23 =	sor.u32 s31, s3;
	v4 =	vld [tilespmem:s1+$0x0]  }
0x384: {  	s24 =	sadd.s32 $0xC980, s0;
	s29 =	sor.u32 s28, s0;
	v5 =	vld [tilespmem:s23+$0x0]  }
0x385: {  	s26 =	sor.u32 s31, s24;
	v6 =	vld [tilespmem:s29+$0xA580]  }
0x386: {  	s5 =	sadd.s32 $0xD580, s0;
	s3 =	sor.u32 s28, s3;
	v7 =	vld [tilespmem:s26+$0x0]  }
0x387: {  	v8 =	vld [tilespmem:s3+$0x0];
	s3 =	sor.u32 s31, s5;
	v2 =	vadd.f32 v3, v2  }
0x388: {  	s6 =	sadd.s32 $0xE180, s0;
	s13 =	sor.u32 s28, s5;
	v3 =	vld [tilespmem:s3+$0x0]  }
0x389: {  	s12 =	sor.u32 s31, s6;
	v10 =	vld [tilespmem:s13+$0x0];
	v2 =	vadd.f32 v5, v2  }
0x38a: {  	s17 =	sadd.s32 $0xED80, s0;
	s2 =	sor.u32 s28, s24;
	v5 =	vld [tilespmem:s12+$0x0]  }
0x38b: {  	s23 =	sor.u32 s31, s17;
	v9 =	vld [tilespmem:s2+$0x0];
	v2 =	vadd.f32 v7, v2  }
0x38c: {  	s24 =	sor.u32 s28, s6;
	s26 =	sadd.s32 $0xF980, s0;
	s6 =	sor.u32 s28, s17;
	v7 =	vld [tilespmem:s23+$0x0]  }
0x38d: {  	s2 =	sor.u32 s31, s26;
	v11 =	vld [tilespmem:s6+$0x0];
	v4 =	vadd.f32 v4, v6;
	v2 =	vadd.f32 v3, v2  }
0x38e: {  	s5 =	sadd.s32 $0x10580, s0;
	v3 =	vld [tilespmem:s2+$0x0]  }
0x38f: {  	s13 =	sor.u32 s31, s5;
	s6 =	sadd.s32 $0x11180, s0;
	v6 =	vld [tilespmem:s24+$0x0];
	v4 =	vadd.f32 v8, v4;
	v5 =	vadd.f32 v5, v2  }
0x390: {  	s17 =	sor.u32 s31, s6;
	s12 =	simm.s32 $0x0;
	v8 =	vld [tilespmem:s13+$0x0]  }
0x391: {  	s13 =	sadd.s32 $0x11D80, s0;
	s1 =	sand.u32 $0x3FFFFF00, s12;
	v4 =	vadd.f32 v9, v4;
	v9 =	vld [tilespmem:s17+$0x0];
	v5 =	vadd.f32 v7, v5  }
0x392: {  	s24 =	sor.u32 s31, s13;
	s1 =	sadd.s32 $0x13400, s1;
	v2 =	vld [tilespmem:s25+$0x1070]  }
0x393: {  	s23 =	sor.u32 s31, s1;
	v7 =	vadd.f32 v10, v4;
	v4 =	vld [tilespmem:s24+$0x0];
	v5 =	vadd.f32 v3, v5  }
0x394: {  	v3 =	vld [tilespmem:s23+$0x0]  }
0x395: {  	s26 =	sor.u32 s28, s26;
	v6 =	vadd.f32 v6, v7;
	v10 =	vadd.f32 v8, v5;
	v5 =	vld [tilespmem:s23+$0x80]  }
0x396: {  	s0 =	simm.s32 $0x0;
	s31 =	sor.u32 s28, s5;
	v8 =	vld [tilespmem:s26+$0x0]  }
0x397: {  	s12 =	sor.u32 s28, s6;
	s24 =	sor.u32 s28, s1;
	s23 =	sor.u32 s28, s13;
	v7 =	vadd.f32 v11, v6;
	v6 =	vld [tilespmem:s31+$0x0];
	v9 =	vadd.f32 v9, v10  }
.LBB2_19:
0x398: {  	s0 =	sadd.s32 $0x2, s0;
	v10 =	vld [tilespmem:s12+$0x0];
	s9 =	sadd.s32 $0x20, s9  }
0x399: {  	vm2 =	vgt.f32 v2, $5.000000000e-01;
	s6 =	sand.u32 $0x60, s9;
	s1 =	sshll.u32 s0, $0x6;
	p0 =	slt.u32 s0, $0x2E;
	v2 =	vld [tilespmem:s23+$0x0];
	v4 =	vadd.f32 v4, v9  }
0x39a: {  	s23 =	sand.u32 $0xFFFFFE00, s1;
	s13 =	sor.u32 $0x10, s6;
	v9 =	vld [tilespmem:s24+$0x0];
	v3 =	vsel vm2, v5, v3  }
0x39b: {  	s1 =	sor.u32 s6, s23;
	s2 =	sadd.s32 $0xB180, s23;
	s3 =	sor.u32 s13, s23;
	v5 =	vadd.f32 v8, v7;
	v7 =	vld [tilespmem:s24+$0x80];
	v3 =	vadd.f32 v3, v4  }
0x39c: {  	s5 =	sor.u32 s6, s2;
	v4 =	vld [tilespmem:s3+$0xA580];
	s2 =	sor.u32 s13, s2  }
0x39d: {  	s12 =	sadd.s32 $0xBD80, s23;
	v8 =	vld [tilespmem:s2+$0x0];
	v5 =	vadd.f32 v6, v5;
	[tilespmem:s8+$0x12980] =	vst v3;
	s8 =	smov.u32 s3  }
0x39e: {  	s2 =	sor.u32 s6, s12;
	s3 =	sor.u32 s13, s12;
	v3 =	vld [tilespmem:s5+$0x0]  }
0x39f: {  	s5 =	sadd.s32 $0xC980, s23;
	v6 =	vld [tilespmem:s3+$0x0];
	v5 =	vadd.f32 v10, v5  }
0x3a0: {  	s3 =	sor.u32 s6, s5;
	s5 =	sor.u32 s13, s5;
	v10 =	vld [tilespmem:s1+$0xA580];
	v7 =	vsel vm2, v7, v9  }
0x3a1: {  	s12 =	sadd.s32 $0xD580, s23;
	v9 =	vld [tilespmem:s5+$0x0];
	v2 =	vadd.f32 v2, v5  }
0x3a2: {  	s5 =	sor.u32 s13, s12;
	v5 =	vld [tilespmem:s2+$0x0];
	s2 =	sor.u32 s6, s12;
	v4 =	vadd.f32 v8, v4  }
0x3a3: {  	s12 =	sadd.s32 $0xE180, s23;
	v8 =	vld [tilespmem:s5+$0x0];
	v2 =	vadd.f32 v7, v2  }
0x3a4: {  	s5 =	sor.u32 s13, s12;
	v7 =	vld [tilespmem:s3+$0x0];
	s3 =	sor.u32 s6, s12;
	v4 =	vadd.f32 v6, v4  }
0x3a5: {  	s12 =	sadd.s32 $0xED80, s23;
	v3 =	vadd.f32 v3, v10;
	v6 =	vld [tilespmem:s5+$0x0];
	[tilespmem:s29+$0x12980] =	vst v2;
	s29 =	smov.u32 s1  }
0x3a6: {  	s1 =	sor.u32 s6, s12;
	v2 =	vld [tilespmem:s2+$0x0];
	v4 =	vadd.f32 v9, v4;
	s2 =	sor.u32 s13, s12  }
0x3a7: {  	s5 =	sadd.s32 $0xF980, s23;
	v3 =	vadd.f32 v5, v3;
	v5 =	vld [tilespmem:s2+$0x0]  }
0x3a8: {  	s2 =	sor.u32 s6, s5;
	v9 =	vld [tilespmem:s3+$0x0];
	v4 =	vadd.f32 v8, v4;
	s3 =	sor.u32 s13, s5  }
0x3a9: {  	s5 =	sadd.s32 $0x10580, s23;
	v3 =	vadd.f32 v7, v3;
	v7 =	vld [tilespmem:s3+$0x0]  }
0x3aa: {  	s3 =	sshll.u32 s0, $0x5;
	v8 =	vld [tilespmem:s1+$0x0];
	s1 =	sor.u32 s6, s5;
	v4 =	vadd.f32 v6, v4;
	s5 =	sor.u32 s13, s5  }
0x3ab: {  	s17 =	sadd.s32 $0x11180, s23;
	s3 =	sand.u32 $0x3FFFFF00, s3;
	v3 =	vadd.f32 v2, v3;
	v6 =	vld [tilespmem:s5+$0x0]  }
0x3ac: {  	s12 =	sor.u32 s6, s17;
	s3 =	sadd.s32 $0x13400, s3;
	s5 =	sor.u32 s13, s17;
	v2 =	vld [tilespmem:s25+$0x1070];
	v4 =	vadd.f32 v5, v4  }
0x3ad: {  	s17 =	sadd.s32 $0x11D80, s23;
	s24 =	sor.u32 s6, s3;
	s3 =	sor.u32 s13, s3;
	v5 =	vadd.f32 v9, v3;
	v9 =	vld [tilespmem:s5+$0x0]  }
.Ltmp8:
0x3ae: {  	s23 =	sor.u32 s6, s17;
	s5 =	sor.u32 s13, s17;
	v10 =	vadd.f32 v7, v4;
	v3 =	vld [tilespmem:s3+$0x0];
	(pc) =	sbr.rel @p0 .LBB2_19-.Ltmp8, $4  }
0x3af: {  	v7 =	vadd.f32 v8, v5;
	v4 =	vld [tilespmem:s5+$0x0]  }
0x3b0: {  	v10 =	vadd.f32 v6, v10;
	v5 =	vld [tilespmem:s3+$0x80]  }
0x3b1: {  	v8 =	vld [tilespmem:s2+$0x0]  }
0x3b2: {  	v6 =	vld [tilespmem:s1+$0x0];
	v9 =	vadd.f32 v9, v10  }
0x3b3: {  	_ =	sdelay $0x1  }
0x3b4: {  	v10 =	vld [tilespmem:s12+$0x0]  }
0x3b5: {  	v11 =	vld [tilespmem:s23+$0x0];
	v7 =	vadd.f32 v8, v7  }
0x3b6: {  	v61 =	vld [tilespmem:s24+$0x0]  }
0x3b7: {  	v62 =	vld [tilespmem:s24+$0x80];
	v6 =	vadd.f32 v6, v7;
	_ =	sdelay $0x1  }
0x3b8: {  	v6 =	vadd.f32 v10, v6  }
0x3b9: {  	vm2 =	vgt.f32 v2, $5.000000000e-01;
	v2 =	vadd.f32 v4, v9  }
0x3ba: {  	v3 =	vsel vm2, v5, v3;
	v63 =	vadd.f32 v11, v6  }
0x3bb: {  	s16 =	sadd.s32 $0x1, s16;
	v2 =	vadd.f32 v3, v2;
	v3 =	vsel vm2, v62, v61  }
0x3bc: {  	p0 =	sne.s32 s16, $0x20;
	v3 =	vadd.f32 v3, v63  }
.Ltmp9:
0x3bd: {  	[tilespmem:s8+$0x12980] =	vst v2;
	(pc) =	sbr.rel @p0 .LBB2_2-.Ltmp9, $4  }
0x3be: {  	[tilespmem:s29+$0x12980] =	vst v3  }
0x3bf: {  	s0 =	rddreg [dreg:$0x14]  }
0x3c0: {  	s1 =	simm.s32 $0x12800;
	s0 =	sadd.s32 s30, s0  }
0x3c1: {  	[hbm4b:s0+s4] =	stream.strided.scatter [tilespmem:s1], [sflag:$0x3], $0xC00, s7, s4, $0x38;
	[tilespmem:$0x13A00] =	vst v63  }
0x3c2: {  	_ =	swait.ge [sflag:s15], $0xC00  }
0x3c3: {  	s1 =	rddreg [dreg:$0x15]  }
0x3c4: {  	s0 =	rddreg [dreg:$0x13];
	s1 =	sadd.s32 $0x1, s1  }
0x3c5: {  	p0 =	sne.s32 s1, s0  }
.Ltmp10:
0x3c6: {  	_ = 	snop;
	(pc) =	sbr.rel @p0 .LBB2_1-.Ltmp10, $3  }
0x3c7: {  	_ =	sdelay $0x1  }
0x3c8: {  	[sflag:s15] =	ssyncset.done $0x0  }
0x3c9: {  	[sflag:s15] =	ssyncadd.s32 $0xFFFFF400  }
0x3ca: {  	_ =	sfence.sel $0x180000  }
0x3cb: {  	[bflag:$0x0] =	sbarrier.arrive $0xFFFF  }
0x3cc: {  	_ =	strace $0x90000047  }
0x3cd: {  	s0 =	stileid.u32;
	[bflag:$0x2] =	sbarrier.arrive $0xFFFF  }
0x3ce: {  	p0 =	sne.s32 s0, $0x0;
	s0 =	rddreg [dreg:$0xa]  }
0x3cf: {  	s0 =	sadd.s32 @!p0 $0x100000, s0  }
0x3d0: {  	[sflag:s0] =	ssyncadd.tile.s32 @!p0 $0x1;
	_ =	shalt  }
.Lfunc_end2:
_tile_overlayer_lowered:
.L_overlay_start_2:
0x3d1: {  	(tag) =	ssettag $0x2  }
0x3d2: {  	s0 =	rddreg [dreg:$0x0];
	s2 =	stileid.u32  }
0x3d3: {  	s1 =	rddreg [dreg:$0x1];
	p0 =	sne.s32 s2, $0x0  }
0x3d4: {  	s3 =	rddreg [dreg:$0x2];
	[bflag:$0x3] =	sbarrier.arrive $0xFFFF;
	s2 =	simm.s32 @!p0 $0x1C04  }
0x3d5: {  	[timem:s3], [sflag:s2] =	dma.local @!p0 [hbm:s0], s1  }
0x3d6: {  	s0 =	simm.s32 @!p0 $0x4  }
0x3d7: {  	_ =	swait.ge @!p0 [sflag:s0], s1  }
0x3d8: {  	s1 =	ssub.s32 @!p0 $0x0, s1;
	[sflag:s0] =	ssyncset.done @!p0 $0x0  }
0x3d9: {  	[sflag:s0] =	ssyncadd.s32 @!p0 s1  }
0x3da: {  	[bflag:$0x3] =	sbarrier.arrive $0xFFFF  }
0x3db: {  	_ =	shalt  }

</sc_bundles>
